<compile_context>
chip_gen: v7x
topology: tpu7x:2x2x1
jax: 0.10.2.dev20260603
libtpu: 0.0.44.dev20260713+nightly
codegen_flags: <defaults>
</compile_context>

<pallas_src>
import functools

import jax
import jax.numpy as jnp
from jax import lax
from jax.experimental import pallas as pl
from jax.experimental.pallas import tpu as pltpu
from jax.experimental.pallas import tpu_sc as plsc

N = 10000
E = 320000
D = 128

NC = 2
NS = 16
NW = NC * NS
EPW = E // NW
ACCR = N
TROW = 624
TAIL = N - NS * TROW
TAIL0 = NS * TROW
CW = 8


def _sc_body(with_count, o, k, nch, nbuf, *refs):
    if with_count:
        (table, ei, zeros_o, zeros_c, out, cnt_out,
         src_idx, dst_idx, rows0, rows1, ones_v, acc, cnt_acc,
         sem0, sem1, semc) = refs
    else:
        (table, ei, zeros_o, out, src_idx, dst_idx,
         rows0, rows1, rows2, rows3, acc, sem0, sem1, sem2, sem3) = refs
    c = lax.axis_index("c")
    s = lax.axis_index("s")
    wid = c * NS + s

    pltpu.sync_copy(ei.at[0, wid], src_idx)
    pltpu.sync_copy(ei.at[1, wid], dst_idx)

    row0 = s * TROW
    pltpu.sync_copy(zeros_o.at[pl.ds(0, TROW), :],
                    acc.at[pl.ds(row0, TROW), :])
    if with_count:
        pltpu.sync_copy(zeros_c.at[pl.ds(0, TROW), :],
                        cnt_acc.at[pl.ds(row0, TROW), :])

        def _onerow(i, _):
            ones_v[i, :] = jnp.ones((CW,), jnp.float32)
            return _
        lax.fori_loop(0, k, _onerow, None)

    @pl.when(s == 0)
    def _zero_tail():
        pltpu.sync_copy(zeros_o.at[pl.ds(TROW, TAIL), :],
                        acc.at[pl.ds(TAIL0, TAIL), :])
        if with_count:
            pltpu.sync_copy(zeros_c.at[pl.ds(TROW, TAIL), :],
                            cnt_acc.at[pl.ds(TAIL0, TAIL), :])
    plsc.subcore_barrier()

    def _consume(j, buf, sem):
        pltpu.make_async_copy(table.at[src_idx.at[j]], buf, sem).wait()
        pltpu.sync_copy(buf, acc.at[dst_idx.at[j]], add=True)
        if with_count:
            pltpu.async_copy(ones_v, cnt_acc.at[dst_idx.at[j]], semc,
                             add=True)

    def _gather(j, buf, sem):
        pltpu.async_copy(table.at[src_idx.at[j]], buf, sem)

    if nbuf == 2:
        def _chunk2(i, _):
            j0 = 2 * i
            _gather(j0 + 1, rows1, sem1)
            _consume(j0, rows0, sem0)
            _gather(j0 + 2, rows0, sem0)
            _consume(j0 + 1, rows1, sem1)
            return _

        _gather(0, rows0, sem0)
        lax.fori_loop(0, (nch - 1) // 2, _chunk2, None)
        _consume(nch - 1, rows0, sem0)
    else:
        def _chunk4(i, _):
            j0 = 4 * i
            _gather(j0 + 3, rows3, sem3)
            _consume(j0, rows0, sem0)
            _gather(j0 + 4, rows0, sem0)
            _consume(j0 + 1, rows1, sem1)
            _gather(j0 + 5, rows1, sem1)
            _consume(j0 + 2, rows2, sem2)
            _gather(j0 + 6, rows2, sem2)
            _consume(j0 + 3, rows3, sem3)
            return _

        _gather(0, rows0, sem0)
        _gather(1, rows1, sem1)
        _gather(2, rows2, sem2)
        lax.fori_loop(0, (nch - 4) // 4, _chunk4, None)
        _gather(nch - 1, rows3, sem3)
        _consume(nch - 4, rows0, sem0)
        _consume(nch - 3, rows1, sem1)
        _consume(nch - 2, rows2, sem2)
        _consume(nch - 1, rows3, sem3)
    if with_count:
        def _drain(i, _):
            pltpu.make_async_copy(ones_v, cnt_acc.at[dst_idx.at[0]],
                                  semc).wait()
            return _
        lax.fori_loop(0, nch, _drain, None)
    plsc.subcore_barrier()

    pltpu.sync_copy(acc.at[pl.ds(row0, TROW), :],
                    out.at[c, pl.ds(row0, TROW), :])
    if with_count:
        pltpu.sync_copy(cnt_acc.at[pl.ds(row0, TROW), :],
                        cnt_out.at[c, pl.ds(row0, TROW), :])

    @pl.when(s == 0)
    def _write_tail():
        pltpu.sync_copy(acc.at[pl.ds(TAIL0, TAIL), :],
                        out.at[c, pl.ds(TAIL0, TAIL), :])
        if with_count:
            pltpu.sync_copy(cnt_acc.at[pl.ds(TAIL0, TAIL), :],
                            cnt_out.at[c, pl.ds(TAIL0, TAIL), :])


@functools.lru_cache(maxsize=None)
def _make_sc_aggregate(o, with_count, k):
    nch = EPW // k
    nbuf = 2 if with_count else 4
    mesh = plsc.VectorSubcoreMesh(
        core_axis_name="c", subcore_axis_name="s",
        num_cores=NC, num_subcores=NS)
    out_type = [jax.ShapeDtypeStruct((NC, N, o), jnp.float32)]
    scratch = [
        pltpu.VMEM((nch, k), jnp.int32),
        pltpu.VMEM((nch, k), jnp.int32),
    ]
    scratch += [pltpu.VMEM((k, o), jnp.float32)] * nbuf
    if with_count:
        out_type.append(jax.ShapeDtypeStruct((NC, N, CW), jnp.float32))
        scratch.append(pltpu.VMEM((k, CW), jnp.float32))
    scratch.append(pltpu.VMEM_SHARED((ACCR, o), jnp.float32))
    if with_count:
        scratch.append(pltpu.VMEM_SHARED((ACCR, CW), jnp.float32))
    scratch.extend([pltpu.SemaphoreType.DMA] * (3 if with_count else 4))
    return pl.kernel(
        functools.partial(_sc_body, with_count, o, k, nch, nbuf),
        out_type=out_type,
        mesh=mesh,
        scratch_types=scratch,
        compiler_params=pltpu.CompilerParams(use_tc_tiling_on_sc=False),
        name=f"sc_seg_sum_{o}" + ("_cnt" if with_count else ""),
    )


_BR = 2000


def _dotT(a, w):
    return lax.dot_general(a, w, (((1,), (1,)), ((), ())),
                           preferred_element_type=jnp.float32)


def _tc_proj_body(x_ref, wl_ref, wr_ref, t_ref, r_ref):
    xb = x_ref[...]
    t_ref[...] = _dotT(xb, wl_ref[...])
    r_ref[...] = _dotT(xb, wr_ref[...])


def _combine(p_ref, cnt_ref, r_ref, b_ref):
    ssum = p_ref[0] + p_ref[1]
    cnts = cnt_ref[0, :, 0:1] + cnt_ref[1, :, 0:1]
    inv = 1.0 / jnp.maximum(cnts, 1.0)
    return jnp.maximum(ssum * inv + r_ref[...] + b_ref[...][None, :], 0.0)


def _tc_mid_body(p_ref, cnt_ref, r_ref, b_ref, wl_ref, wr_ref, t_ref, rr_ref):
    h = _combine(p_ref, cnt_ref, r_ref, b_ref)
    t_ref[...] = _dotT(h, wl_ref[...])
    rr_ref[...] = _dotT(h, wr_ref[...])


def _tc_dec_body(p_ref, cnt_ref, r_ref, b_ref,
                 d0w_ref, d0b_ref, d1w_ref, d1b_ref, d2w_ref, d2b_ref,
                 out_ref):
    h = _combine(p_ref, cnt_ref, r_ref, b_ref)
    h = jnp.maximum(_dotT(h, d0w_ref[...]) + d0b_ref[...][None, :], 0.0)
    h = jnp.maximum(_dotT(h, d1w_ref[...]) + d1b_ref[...][None, :], 0.0)
    out_ref[...] = jnp.maximum(
        _dotT(h, d2w_ref[...]) + d2b_ref[...][None, :], 0.0)


def _rows(shape):
    return pl.BlockSpec((_BR,) + shape[1:],
                        lambda i: (i,) + (0,) * (len(shape) - 1))


def _full(shape):
    return pl.BlockSpec(shape, lambda i: (0,) * len(shape))


def _part(o):
    return pl.BlockSpec((NC, _BR, o), lambda i: (0, i, 0))


def _tc_proj(x, wl, wr, o):
    return pl.pallas_call(
        _tc_proj_body,
        grid=(N // _BR,),
        in_specs=[_rows(x.shape), _full(wl.shape), _full(wr.shape)],
        out_specs=[_rows((N, o)), _rows((N, o))],
        out_shape=[jax.ShapeDtypeStruct((N, o), jnp.float32)] * 2,
    )(x, wl, wr)


def _tc_mid(p, cnt, r, b, wl, wr, o_in, o_out):
    return pl.pallas_call(
        _tc_mid_body,
        grid=(N // _BR,),
        in_specs=[_part(o_in), _part(CW), _rows(r.shape), _full(b.shape),
                  _full(wl.shape), _full(wr.shape)],
        out_specs=[_rows((N, o_out)), _rows((N, o_out))],
        out_shape=[jax.ShapeDtypeStruct((N, o_out), jnp.float32)] * 2,
    )(p, cnt, r, b, wl, wr)


def _tc_dec(p, cnt, r, b, d0w, d0b, d1w, d1b, d2w, d2b):
    return pl.pallas_call(
        _tc_dec_body,
        grid=(N // _BR,),
        in_specs=[_part(32), _part(CW), _rows(r.shape), _full(b.shape),
                  _full(d0w.shape), _full(d0b.shape),
                  _full(d1w.shape), _full(d1b.shape),
                  _full(d2w.shape), _full(d2b.shape)],
        out_specs=_rows((N, D)),
        out_shape=jax.ShapeDtypeStruct((N, D), jnp.float32),
    )(p, cnt, r, b, d0w, d0b, d1w, d1b, d2w, d2b)


def kernel(x, edge_index, e0Wl, e0Wr, e0b, e1Wl, e1Wr, e1b, e2Wl, e2Wr, e2b,
           d0W, d0b, d1W, d1b, d2W, d2b):
    ei80 = edge_index.reshape(2, NW, EPW // 80, 80)
    ei125 = edge_index.reshape(2, NW, EPW // 125, 125)
    z128 = jnp.zeros((TROW + TAIL, 128), jnp.float32)
    zc = jnp.zeros((TROW + TAIL, CW), jnp.float32)

    t0, r0 = _tc_proj(x, e0Wl, e0Wr, 128)
    p0, cnt = _make_sc_aggregate(128, True, 80)(t0, ei80, z128, zc)
    t1, r1 = _tc_mid(p0, cnt, r0, e0b, e1Wl, e1Wr, 128, 64)
    (p1,) = _make_sc_aggregate(64, False, 125)(t1, ei125, z128[:, :64])
    t2, r2 = _tc_mid(p1, cnt, r1, e1b, e2Wl, e2Wr, 64, 32)
    (p2,) = _make_sc_aggregate(32, False, 125)(t2, ei125, z128[:, :32])
    return _tc_dec(p2, cnt, r2, e2b, d0W, d0b, d1W, d1b, d2W, d2b)

# --- scband reference (transcript-rebuilt; emitter-appended) ---
"""Pipeline reference for scband-gnnauto-encoder-70978629533940 (READ-ONLY COPY).

The authoritative reference and input builder live on the scoring server;
editing this copy changes nothing except your own understanding.
"""

import jax, jax.numpy as jnp
import numpy as np

N = 10000
E = 320000
D = 128
# encoder dims: 128 -> 128 -> 64 -> 32 (SAGEConv mean aggr)
# decoder dims (reversed): 32 -> 64 -> 128 -> 128 (Linear)
ENC = [(128, 128), (64, 128), (32, 64)]  # (out, in)
DEC = [(64, 32), (128, 64), (128, 128)]  # (out, in)


def setup_inputs(seed: int = 0) -> dict:
    key = jax.random.key(seed)
    ks = jax.random.split(key, 32)
    inp = {}
    inp['x'] = jax.random.normal(ks[0], (N, D), dtype=jnp.float32)
    inp['edge_index'] = jax.random.randint(ks[1], (2, E), 0, N, dtype=jnp.int32)
    ki = 2
    for i, (o, ic) in enumerate(ENC):
        s = 1.0 / np.sqrt(ic)
        inp[f'e{i}Wl'] = jax.random.uniform(ks[ki], (o, ic), jnp.float32, -s, s); ki += 1
        inp[f'e{i}Wr'] = jax.random.uniform(ks[ki], (o, ic), jnp.float32, -s, s); ki += 1
        inp[f'e{i}b'] = jnp.zeros((o,), jnp.float32)
    for i, (o, ic) in enumerate(DEC):
        s = 1.0 / np.sqrt(ic)
        inp[f'd{i}W'] = jax.random.uniform(ks[ki], (o, ic), jnp.float32, -s, s); ki += 1
        inp[f'd{i}b'] = jax.random.uniform(ks[ki], (o,), jnp.float32, -s, s); ki += 1
    return inp


def _sage(x, edge_index, Wl, Wr, b):
    # SAGEConv with mean aggregation: out = lin_l(mean_{j in N(i)} x_j) + lin_r(x_i) + b
    src = edge_index[0]
    dst = edge_index[1]
    msg = x[src]  # gather (memory-bound)
    s = jax.ops.segment_sum(msg, dst, num_segments=N)  # scatter-add
    cnt = jax.ops.segment_sum(jnp.ones((edge_index.shape[1],), x.dtype), dst, num_segments=N)
    agg = s / jnp.clip(cnt, 1.0)[:, None]
    return agg @ Wl.T + x @ Wr.T + b


def reference(x, edge_index, e0Wl, e0Wr, e0b, e1Wl, e1Wr, e1b, e2Wl, e2Wr, e2b,
              d0W, d0b, d1W, d1b, d2W, d2b):
    # encode (dropout in eval mode == identity)
    h = jax.nn.relu(_sage(x, edge_index, e0Wl, e0Wr, e0b))
    h = jax.nn.relu(_sage(h, edge_index, e1Wl, e1Wr, e1b))
    h = jax.nn.relu(_sage(h, edge_index, e2Wl, e2Wr, e2b))
    # decode
    h = jax.nn.relu(h @ d0W.T + d0b)
    h = jax.nn.relu(h @ d1W.T + d1b)
    h = jax.nn.relu(h @ d2W.T + d2b)
    return h

if __name__ == "__main__":
    import jax
    _d = setup_inputs()
    print(jax.jit(kernel)(*tuple(_d.values())))

</pallas_src>

<mosaic_0001>
#map = affine_map<(d0, d1) -> (0, 0)>
#map1 = affine_map<(d0, d1) -> (0, 0, 0, 0)>
#map2 = affine_map<(d0, d1) -> (0, 0, 0)>
module attributes {stable_mosaic.version = 14 : i64} {
  func.func @sc_seg_sum_32(%arg0: i32, %arg1: i32, %arg2: memref<10000x32xf32, #tpu.memory_space<hbm>>, %arg3: memref<2x32x80x125xi32, #tpu.memory_space<hbm>>, %arg4: memref<640x32xf32, #tpu.memory_space<hbm>>, %arg5: memref<2x10000x32xf32, #tpu.memory_space<hbm>>, %arg6: memref<80x125xi32, #tpu.memory_space<vmem>>, %arg7: memref<80x125xi32, #tpu.memory_space<vmem>>, %arg8: memref<125x32xf32, #tpu.memory_space<vmem>>, %arg9: memref<125x32xf32, #tpu.memory_space<vmem>>, %arg10: memref<125x32xf32, #tpu.memory_space<vmem>>, %arg11: memref<125x32xf32, #tpu.memory_space<vmem>>, %arg12: memref<10000x32xf32, #tpu.memory_space<vmem_shared>>, %arg13: memref<!tpu.dma_semaphore, #tpu.memory_space<semaphore_mem>>, %arg14: memref<!tpu.dma_semaphore, #tpu.memory_space<semaphore_mem>>, %arg15: memref<!tpu.dma_semaphore, #tpu.memory_space<semaphore_mem>>, %arg16: memref<!tpu.dma_semaphore, #tpu.memory_space<semaphore_mem>>) attributes {dimension_semantics = [#tpu.dimension_semantics<core_parallel>, #tpu.dimension_semantics<subcore_parallel>], iteration_bounds = array<i64: 2, 16>, scalar_prefetch = 0 : i64, scratch_operands = 11 : i64, tpu.core_type = #tpu.core_type<sc_vector_subcore>, window_params = [{transform_indices = #map}, {transform_indices = #map1}, {transform_indices = #map}, {transform_indices = #map2}]} {
    %mul3A = arith.constant 16 : i32
    %mul3A_0 = arith.muli %arg0, %mul3A : i32
    %add3A = arith.addi %mul3A_0, %arg1 : i32
    %run_scoped3A = arith.constant 0 : i32
    "tpu.region"() ({
      %run_scoped3A_74 = tpu.sem_alloc : memref<!tpu.dma_semaphore, #tpu.memory_space<semaphore_mem>>
      %dma_start3A_75 = arith.constant 0 : i32
      %dma_start3A_76 = arith.constant 0 : i32
      %dma_start3A_77 = tpu.memref_slice %arg3[%run_scoped3A, %add3A, %dma_start3A_75, %dma_start3A_76] : memref<2x32x80x125xi32, #tpu.memory_space<hbm>> -> memref<1x1x80x125xi32, #tpu.memory_space<hbm>>
      %dma_start3A_78 = tpu.memref_squeeze %dma_start3A_77 : memref<1x1x80x125xi32, #tpu.memory_space<hbm>> -> memref<80x125xi32, #tpu.memory_space<hbm>>
      %dma_start3A_79 = arith.constant 0 : i32
      %dma_start3A_80 = arith.constant 0 : i32
      %dma_start3A_81 = tpu.memref_slice %arg3[%run_scoped3A, %add3A, %dma_start3A_79, %dma_start3A_80] : memref<2x32x80x125xi32, #tpu.memory_space<hbm>> -> memref<1x1x80x125xi32, #tpu.memory_space<hbm>>
      %dma_start3A_82 = tpu.memref_squeeze %dma_start3A_81 : memref<1x1x80x125xi32, #tpu.memory_space<hbm>> -> memref<80x125xi32, #tpu.memory_space<hbm>>
      tpu.enqueue_dma source(%dma_start3A_82 : memref<80x125xi32, #tpu.memory_space<hbm>>) target(%arg6 : memref<80x125xi32, #tpu.memory_space<vmem>>) target_semaphore(%run_scoped3A_74 : memref<!tpu.dma_semaphore, #tpu.memory_space<semaphore_mem>>)
      %dma_wait3A_83 = arith.constant 0 : i32
      %dma_wait3A_84 = arith.constant 0 : i32
      %dma_wait3A_85 = tpu.memref_slice %arg3[%run_scoped3A, %add3A, %dma_wait3A_83, %dma_wait3A_84] : memref<2x32x80x125xi32, #tpu.memory_space<hbm>> -> memref<1x1x80x125xi32, #tpu.memory_space<hbm>>
      %dma_wait3A_86 = tpu.memref_squeeze %dma_wait3A_85 : memref<1x1x80x125xi32, #tpu.memory_space<hbm>> -> memref<80x125xi32, #tpu.memory_space<hbm>>
      %dma_wait3A_87 = arith.constant 0 : i32
      %dma_wait3A_88 = arith.constant 0 : i32
      %dma_wait3A_89 = tpu.memref_slice %arg3[%run_scoped3A, %add3A, %dma_wait3A_87, %dma_wait3A_88] : memref<2x32x80x125xi32, #tpu.memory_space<hbm>> -> memref<1x1x80x125xi32, #tpu.memory_space<hbm>>
      %dma_wait3A_90 = tpu.memref_squeeze %dma_wait3A_89 : memref<1x1x80x125xi32, #tpu.memory_space<hbm>> -> memref<80x125xi32, #tpu.memory_space<hbm>>
      tpu.wait_dma2 semaphore(%run_scoped3A_74 : memref<!tpu.dma_semaphore, #tpu.memory_space<semaphore_mem>>) src(%dma_wait3A_90 : memref<80x125xi32, #tpu.memory_space<hbm>>) dst(%arg6 : memref<80x125xi32, #tpu.memory_space<vmem>>)
      tpu.yield
    }) : () -> ()
    %run_scoped3A_1 = arith.constant 1 : i32
    "tpu.region"() ({
      %run_scoped3A_74 = tpu.sem_alloc : memref<!tpu.dma_semaphore, #tpu.memory_space<semaphore_mem>>
      %dma_start3A_75 = arith.constant 0 : i32
      %dma_start3A_76 = arith.constant 0 : i32
      %dma_start3A_77 = tpu.memref_slice %arg3[%run_scoped3A_1, %add3A, %dma_start3A_75, %dma_start3A_76] : memref<2x32x80x125xi32, #tpu.memory_space<hbm>> -> memref<1x1x80x125xi32, #tpu.memory_space<hbm>>
      %dma_start3A_78 = tpu.memref_squeeze %dma_start3A_77 : memref<1x1x80x125xi32, #tpu.memory_space<hbm>> -> memref<80x125xi32, #tpu.memory_space<hbm>>
      %dma_start3A_79 = arith.constant 0 : i32
      %dma_start3A_80 = arith.constant 0 : i32
      %dma_start3A_81 = tpu.memref_slice %arg3[%run_scoped3A_1, %add3A, %dma_start3A_79, %dma_start3A_80] : memref<2x32x80x125xi32, #tpu.memory_space<hbm>> -> memref<1x1x80x125xi32, #tpu.memory_space<hbm>>
      %dma_start3A_82 = tpu.memref_squeeze %dma_start3A_81 : memref<1x1x80x125xi32, #tpu.memory_space<hbm>> -> memref<80x125xi32, #tpu.memory_space<hbm>>
      tpu.enqueue_dma source(%dma_start3A_82 : memref<80x125xi32, #tpu.memory_space<hbm>>) target(%arg7 : memref<80x125xi32, #tpu.memory_space<vmem>>) target_semaphore(%run_scoped3A_74 : memref<!tpu.dma_semaphore, #tpu.memory_space<semaphore_mem>>)
      %dma_wait3A_83 = arith.constant 0 : i32
      %dma_wait3A_84 = arith.constant 0 : i32
      %dma_wait3A_85 = tpu.memref_slice %arg3[%run_scoped3A_1, %add3A, %dma_wait3A_83, %dma_wait3A_84] : memref<2x32x80x125xi32, #tpu.memory_space<hbm>> -> memref<1x1x80x125xi32, #tpu.memory_space<hbm>>
      %dma_wait3A_86 = tpu.memref_squeeze %dma_wait3A_85 : memref<1x1x80x125xi32, #tpu.memory_space<hbm>> -> memref<80x125xi32, #tpu.memory_space<hbm>>
      %dma_wait3A_87 = arith.constant 0 : i32
      %dma_wait3A_88 = arith.constant 0 : i32
      %dma_wait3A_89 = tpu.memref_slice %arg3[%run_scoped3A_1, %add3A, %dma_wait3A_87, %dma_wait3A_88] : memref<2x32x80x125xi32, #tpu.memory_space<hbm>> -> memref<1x1x80x125xi32, #tpu.memory_space<hbm>>
      %dma_wait3A_90 = tpu.memref_squeeze %dma_wait3A_89 : memref<1x1x80x125xi32, #tpu.memory_space<hbm>> -> memref<80x125xi32, #tpu.memory_space<hbm>>
      tpu.wait_dma2 semaphore(%run_scoped3A_74 : memref<!tpu.dma_semaphore, #tpu.memory_space<semaphore_mem>>) src(%dma_wait3A_90 : memref<80x125xi32, #tpu.memory_space<hbm>>) dst(%arg7 : memref<80x125xi32, #tpu.memory_space<vmem>>)
      tpu.yield
    }) : () -> ()
    %mul3A_2 = arith.constant 624 : i32
    %mul3A_3 = arith.muli %arg1, %mul3A_2 : i32
    "tpu.region"() ({
      %run_scoped3A_74 = tpu.sem_alloc : memref<!tpu.dma_semaphore, #tpu.memory_space<semaphore_mem>>
      %dma_start3A_75 = arith.constant 0 : i32
      %dma_start3A_76 = tpu.memref_slice %arg12[%mul3A_3, %dma_start3A_75] : memref<10000x32xf32, #tpu.memory_space<vmem_shared>> -> memref<624x32xf32, #tpu.memory_space<vmem_shared>>
      %dma_start3A_77 = arith.constant 0 : i32
      %dma_start3A_78 = arith.constant 0 : i32
      %dma_start3A_79 = tpu.memref_slice %arg4[%dma_start3A_77, %dma_start3A_78] : memref<640x32xf32, #tpu.memory_space<hbm>> -> memref<624x32xf32, #tpu.memory_space<hbm>>
      tpu.enqueue_dma source(%dma_start3A_79 : memref<624x32xf32, #tpu.memory_space<hbm>>) target(%dma_start3A_76 : memref<624x32xf32, #tpu.memory_space<vmem_shared>>) target_semaphore(%run_scoped3A_74 : memref<!tpu.dma_semaphore, #tpu.memory_space<semaphore_mem>>)
      %dma_wait3A_80 = arith.constant 0 : i32
      %dma_wait3A_81 = tpu.memref_slice %arg12[%mul3A_3, %dma_wait3A_80] : memref<10000x32xf32, #tpu.memory_space<vmem_shared>> -> memref<624x32xf32, #tpu.memory_space<vmem_shared>>
      %dma_wait3A_82 = arith.constant 0 : i32
      %dma_wait3A_83 = arith.constant 0 : i32
      %dma_wait3A_84 = tpu.memref_slice %arg4[%dma_wait3A_82, %dma_wait3A_83] : memref<640x32xf32, #tpu.memory_space<hbm>> -> memref<624x32xf32, #tpu.memory_space<hbm>>
      tpu.wait_dma2 semaphore(%run_scoped3A_74 : memref<!tpu.dma_semaphore, #tpu.memory_space<semaphore_mem>>) src(%dma_wait3A_84 : memref<624x32xf32, #tpu.memory_space<hbm>>) dst(%dma_wait3A_81 : memref<624x32xf32, #tpu.memory_space<vmem_shared>>)
      tpu.yield
    }) : () -> ()
    %eq3A = arith.constant 0 : i32
    %eq3A_4 = arith.cmpi eq, %arg1, %eq3A : i32
    %convert_element_type3A = arith.extui %eq3A_4 : i1 to i32
    %cond3A = arith.constant 0 : i32
    %cond3A_5 = arith.cmpi ne, %convert_element_type3A, %cond3A : i32
    scf.if %cond3A_5 {
      "tpu.region"() ({
        %run_scoped3A_74 = tpu.sem_alloc : memref<!tpu.dma_semaphore, #tpu.memory_space<semaphore_mem>>
        %dma_start3A_75 = arith.constant 9984 : i32
        %dma_start3A_76 = arith.constant 0 : i32
        %dma_start3A_77 = tpu.memref_slice %arg12[%dma_start3A_75, %dma_start3A_76] : memref<10000x32xf32, #tpu.memory_space<vmem_shared>> -> memref<16x32xf32, #tpu.memory_space<vmem_shared>>
        %dma_start3A_78 = arith.constant 624 : i32
        %dma_start3A_79 = arith.constant 0 : i32
        %dma_start3A_80 = tpu.memref_slice %arg4[%dma_start3A_78, %dma_start3A_79] : memref<640x32xf32, #tpu.memory_space<hbm>> -> memref<16x32xf32, #tpu.memory_space<hbm>>
        tpu.enqueue_dma source(%dma_start3A_80 : memref<16x32xf32, #tpu.memory_space<hbm>>) target(%dma_start3A_77 : memref<16x32xf32, #tpu.memory_space<vmem_shared>>) target_semaphore(%run_scoped3A_74 : memref<!tpu.dma_semaphore, #tpu.memory_space<semaphore_mem>>)
        %dma_wait3A_81 = arith.constant 9984 : i32
        %dma_wait3A_82 = arith.constant 0 : i32
        %dma_wait3A_83 = tpu.memref_slice %arg12[%dma_wait3A_81, %dma_wait3A_82] : memref<10000x32xf32, #tpu.memory_space<vmem_shared>> -> memref<16x32xf32, #tpu.memory_space<vmem_shared>>
        %dma_wait3A_84 = arith.constant 624 : i32
        %dma_wait3A_85 = arith.constant 0 : i32
        %dma_wait3A_86 = tpu.memref_slice %arg4[%dma_wait3A_84, %dma_wait3A_85] : memref<640x32xf32, #tpu.memory_space<hbm>> -> memref<16x32xf32, #tpu.memory_space<hbm>>
        tpu.wait_dma2 semaphore(%run_scoped3A_74 : memref<!tpu.dma_semaphore, #tpu.memory_space<semaphore_mem>>) src(%dma_wait3A_86 : memref<16x32xf32, #tpu.memory_space<hbm>>) dst(%dma_wait3A_83 : memref<16x32xf32, #tpu.memory_space<vmem_shared>>)
        tpu.yield
      }) : () -> ()
    } else {
    }
    %barrier3A = arith.constant 0 : index
    tpu.barrier barrier_id(%barrier3A)
    %dma_start3A = arith.constant 0 : i32
    %dma_start3A_6 = arith.constant 0 : i32
    %dma_start3A_7 = tpu.memref_slice %arg6[%dma_start3A, %dma_start3A_6] : memref<80x125xi32, #tpu.memory_space<vmem>> -> memref<1x125xi32, #tpu.memory_space<vmem>>
    %dma_start3A_8 = tpu.memref_squeeze %dma_start3A_7 : memref<1x125xi32, #tpu.memory_space<vmem>> -> memref<125xi32, #tpu.memory_space<vmem>>
    %dma_start3A_9 = arith.constant 0 : i32
    %dma_start3A_10 = arith.constant 0 : i32
    %dma_start3A_11 = tpu.memref_slice %arg2[%dma_start3A_9, %dma_start3A_10] : memref<10000x32xf32, #tpu.memory_space<hbm>> -> memref<10000x32xf32, #tpu.memory_space<hbm>>
    tpu.enqueue_indirect_dma source(%dma_start3A_11 : memref<10000x32xf32, #tpu.memory_space<hbm>>) target(%arg8 : memref<125x32xf32, #tpu.memory_space<vmem>>) offsets(%dma_start3A_8 : memref<125xi32, #tpu.memory_space<vmem>>) semaphore(%arg13 : memref<!tpu.dma_semaphore, #tpu.memory_space<semaphore_mem>>)
    %dma_start3A_12 = arith.constant 1 : i32
    %dma_start3A_13 = arith.constant 0 : i32
    %dma_start3A_14 = tpu.memref_slice %arg6[%dma_start3A_12, %dma_start3A_13] : memref<80x125xi32, #tpu.memory_space<vmem>> -> memref<1x125xi32, #tpu.memory_space<vmem>>
    %dma_start3A_15 = tpu.memref_squeeze %dma_start3A_14 : memref<1x125xi32, #tpu.memory_space<vmem>> -> memref<125xi32, #tpu.memory_space<vmem>>
    %dma_start3A_16 = arith.constant 0 : i32
    %dma_start3A_17 = arith.constant 0 : i32
    %dma_start3A_18 = tpu.memref_slice %arg2[%dma_start3A_16, %dma_start3A_17] : memref<10000x32xf32, #tpu.memory_space<hbm>> -> memref<10000x32xf32, #tpu.memory_space<hbm>>
    tpu.enqueue_indirect_dma source(%dma_start3A_18 : memref<10000x32xf32, #tpu.memory_space<hbm>>) target(%arg9 : memref<125x32xf32, #tpu.memory_space<vmem>>) offsets(%dma_start3A_15 : memref<125xi32, #tpu.memory_space<vmem>>) semaphore(%arg14 : memref<!tpu.dma_semaphore, #tpu.memory_space<semaphore_mem>>)
    %dma_start3A_19 = arith.constant 2 : i32
    %dma_start3A_20 = arith.constant 0 : i32
    %dma_start3A_21 = tpu.memref_slice %arg6[%dma_start3A_19, %dma_start3A_20] : memref<80x125xi32, #tpu.memory_space<vmem>> -> memref<1x125xi32, #tpu.memory_space<vmem>>
    %dma_start3A_22 = tpu.memref_squeeze %dma_start3A_21 : memref<1x125xi32, #tpu.memory_space<vmem>> -> memref<125xi32, #tpu.memory_space<vmem>>
    %dma_start3A_23 = arith.constant 0 : i32
    %dma_start3A_24 = arith.constant 0 : i32
    %dma_start3A_25 = tpu.memref_slice %arg2[%dma_start3A_23, %dma_start3A_24] : memref<10000x32xf32, #tpu.memory_space<hbm>> -> memref<10000x32xf32, #tpu.memory_space<hbm>>
    tpu.enqueue_indirect_dma source(%dma_start3A_25 : memref<10000x32xf32, #tpu.memory_space<hbm>>) target(%arg10 : memref<125x32xf32, #tpu.memory_space<vmem>>) offsets(%dma_start3A_22 : memref<125xi32, #tpu.memory_space<vmem>>) semaphore(%arg15 : memref<!tpu.dma_semaphore, #tpu.memory_space<semaphore_mem>>)
    %scan3A = arith.constant 0 : i32
    %scan3A_26 = arith.constant 19 : i32
    %scan3A_27 = arith.addi %scan3A, %scan3A_26 : i32
    %scan3A_28 = arith.constant 1 : i32
    scf.for %scan3A_74 = %scan3A to %scan3A_27 step %scan3A_28  : i32 {
      %mul3A_75 = arith.constant 4 : i32
      %mul3A_76 = arith.muli %mul3A_75, %scan3A_74 : i32
      %add3A_77 = arith.constant 3 : i32
      %add3A_78 = arith.addi %mul3A_76, %add3A_77 : i32
      %dma_start3A_79 = arith.constant 0 : i32
      %dma_start3A_80 = tpu.memref_slice %arg6[%add3A_78, %dma_start3A_79] : memref<80x125xi32, #tpu.memory_space<vmem>> -> memref<1x125xi32, #tpu.memory_space<vmem>>
      %dma_start3A_81 = tpu.memref_squeeze %dma_start3A_80 : memref<1x125xi32, #tpu.memory_space<vmem>> -> memref<125xi32, #tpu.memory_space<vmem>>
      %dma_start3A_82 = arith.constant 0 : i32
      %dma_start3A_83 = arith.constant 0 : i32
      %dma_start3A_84 = tpu.memref_slice %arg2[%dma_start3A_82, %dma_start3A_83] : memref<10000x32xf32, #tpu.memory_space<hbm>> -> memref<10000x32xf32, #tpu.memory_space<hbm>>
      tpu.enqueue_indirect_dma source(%dma_start3A_84 : memref<10000x32xf32, #tpu.memory_space<hbm>>) target(%arg11 : memref<125x32xf32, #tpu.memory_space<vmem>>) offsets(%dma_start3A_81 : memref<125xi32, #tpu.memory_space<vmem>>) semaphore(%arg16 : memref<!tpu.dma_semaphore, #tpu.memory_space<semaphore_mem>>)
      %dma_wait3A_85 = arith.constant 0 : i32
      %dma_wait3A_86 = tpu.memref_slice %arg6[%mul3A_76, %dma_wait3A_85] : memref<80x125xi32, #tpu.memory_space<vmem>> -> memref<1x125xi32, #tpu.memory_space<vmem>>
      %dma_wait3A_87 = tpu.memref_squeeze %dma_wait3A_86 : memref<1x125xi32, #tpu.memory_space<vmem>> -> memref<125xi32, #tpu.memory_space<vmem>>
      %dma_wait3A_88 = arith.constant 0 : i32
      %dma_wait3A_89 = arith.constant 0 : i32
      %dma_wait3A_90 = tpu.memref_slice %arg2[%dma_wait3A_88, %dma_wait3A_89] : memref<10000x32xf32, #tpu.memory_space<hbm>> -> memref<10000x32xf32, #tpu.memory_space<hbm>>
      tpu.wait_indirect_dma semaphore(%arg13 : memref<!tpu.dma_semaphore, #tpu.memory_space<semaphore_mem>>) src(%dma_wait3A_90 : memref<10000x32xf32, #tpu.memory_space<hbm>>) dst(%arg8 : memref<125x32xf32, #tpu.memory_space<vmem>>)
      "tpu.region"() ({
        %run_scoped3A_139 = tpu.sem_alloc : memref<!tpu.dma_semaphore, #tpu.memory_space<semaphore_mem>>
        %dma_start3A_140 = arith.constant 0 : i32
        %dma_start3A_141 = tpu.memref_slice %arg7[%mul3A_76, %dma_start3A_140] : memref<80x125xi32, #tpu.memory_space<vmem>> -> memref<1x125xi32, #tpu.memory_space<vmem>>
        %dma_start3A_142 = tpu.memref_squeeze %dma_start3A_141 : memref<1x125xi32, #tpu.memory_space<vmem>> -> memref<125xi32, #tpu.memory_space<vmem>>
        %dma_start3A_143 = arith.constant 0 : i32
        %dma_start3A_144 = arith.constant 0 : i32
        %dma_start3A_145 = tpu.memref_slice %arg12[%dma_start3A_143, %dma_start3A_144] : memref<10000x32xf32, #tpu.memory_space<vmem_shared>> -> memref<10000x32xf32, #tpu.memory_space<vmem_shared>>
        tpu.enqueue_indirect_dma source(%arg8 : memref<125x32xf32, #tpu.memory_space<vmem>>) target(%dma_start3A_145 : memref<10000x32xf32, #tpu.memory_space<vmem_shared>>) offsets(%dma_start3A_142 : memref<125xi32, #tpu.memory_space<vmem>>) semaphore(%run_scoped3A_139 : memref<!tpu.dma_semaphore, #tpu.memory_space<semaphore_mem>>) {add = true}
        %dma_wait3A_146 = arith.constant 0 : i32
        %dma_wait3A_147 = tpu.memref_slice %arg7[%mul3A_76, %dma_wait3A_146] : memref<80x125xi32, #tpu.memory_space<vmem>> -> memref<1x125xi32, #tpu.memory_space<vmem>>
        %dma_wait3A_148 = tpu.memref_squeeze %dma_wait3A_147 : memref<1x125xi32, #tpu.memory_space<vmem>> -> memref<125xi32, #tpu.memory_space<vmem>>
        %dma_wait3A_149 = arith.constant 0 : i32
        %dma_wait3A_150 = arith.constant 0 : i32
        %dma_wait3A_151 = tpu.memref_slice %arg12[%dma_wait3A_149, %dma_wait3A_150] : memref<10000x32xf32, #tpu.memory_space<vmem_shared>> -> memref<10000x32xf32, #tpu.memory_space<vmem_shared>>
        tpu.wait_indirect_dma semaphore(%run_scoped3A_139 : memref<!tpu.dma_semaphore, #tpu.memory_space<semaphore_mem>>) src(%arg8 : memref<125x32xf32, #tpu.memory_space<vmem>>) dst(%dma_wait3A_151 : memref<10000x32xf32, #tpu.memory_space<vmem_shared>>)
        tpu.yield
      }) : () -> ()
      %add3A_91 = arith.constant 4 : i32
      %add3A_92 = arith.addi %mul3A_76, %add3A_91 : i32
      %dma_start3A_93 = arith.constant 0 : i32
      %dma_start3A_94 = tpu.memref_slice %arg6[%add3A_92, %dma_start3A_93] : memref<80x125xi32, #tpu.memory_space<vmem>> -> memref<1x125xi32, #tpu.memory_space<vmem>>
      %dma_start3A_95 = tpu.memref_squeeze %dma_start3A_94 : memref<1x125xi32, #tpu.memory_space<vmem>> -> memref<125xi32, #tpu.memory_space<vmem>>
      %dma_start3A_96 = arith.constant 0 : i32
      %dma_start3A_97 = arith.constant 0 : i32
      %dma_start3A_98 = tpu.memref_slice %arg2[%dma_start3A_96, %dma_start3A_97] : memref<10000x32xf32, #tpu.memory_space<hbm>> -> memref<10000x32xf32, #tpu.memory_space<hbm>>
      tpu.enqueue_indirect_dma source(%dma_start3A_98 : memref<10000x32xf32, #tpu.memory_space<hbm>>) target(%arg8 : memref<125x32xf32, #tpu.memory_space<vmem>>) offsets(%dma_start3A_95 : memref<125xi32, #tpu.memory_space<vmem>>) semaphore(%arg13 : memref<!tpu.dma_semaphore, #tpu.memory_space<semaphore_mem>>)
      %add3A_99 = arith.constant 1 : i32
      %add3A_100 = arith.addi %mul3A_76, %add3A_99 : i32
      %dma_wait3A_101 = arith.constant 0 : i32
      %dma_wait3A_102 = tpu.memref_slice %arg6[%add3A_100, %dma_wait3A_101] : memref<80x125xi32, #tpu.memory_space<vmem>> -> memref<1x125xi32, #tpu.memory_space<vmem>>
      %dma_wait3A_103 = tpu.memref_squeeze %dma_wait3A_102 : memref<1x125xi32, #tpu.memory_space<vmem>> -> memref<125xi32, #tpu.memory_space<vmem>>
      %dma_wait3A_104 = arith.constant 0 : i32
      %dma_wait3A_105 = arith.constant 0 : i32
      %dma_wait3A_106 = tpu.memref_slice %arg2[%dma_wait3A_104, %dma_wait3A_105] : memref<10000x32xf32, #tpu.memory_space<hbm>> -> memref<10000x32xf32, #tpu.memory_space<hbm>>
      tpu.wait_indirect_dma semaphore(%arg14 : memref<!tpu.dma_semaphore, #tpu.memory_space<semaphore_mem>>) src(%dma_wait3A_106 : memref<10000x32xf32, #tpu.memory_space<hbm>>) dst(%arg9 : memref<125x32xf32, #tpu.memory_space<vmem>>)
      "tpu.region"() ({
        %run_scoped3A_139 = tpu.sem_alloc : memref<!tpu.dma_semaphore, #tpu.memory_space<semaphore_mem>>
        %dma_start3A_140 = arith.constant 0 : i32
        %dma_start3A_141 = tpu.memref_slice %arg7[%add3A_100, %dma_start3A_140] : memref<80x125xi32, #tpu.memory_space<vmem>> -> memref<1x125xi32, #tpu.memory_space<vmem>>
        %dma_start3A_142 = tpu.memref_squeeze %dma_start3A_141 : memref<1x125xi32, #tpu.memory_space<vmem>> -> memref<125xi32, #tpu.memory_space<vmem>>
        %dma_start3A_143 = arith.constant 0 : i32
        %dma_start3A_144 = arith.constant 0 : i32
        %dma_start3A_145 = tpu.memref_slice %arg12[%dma_start3A_143, %dma_start3A_144] : memref<10000x32xf32, #tpu.memory_space<vmem_shared>> -> memref<10000x32xf32, #tpu.memory_space<vmem_shared>>
        tpu.enqueue_indirect_dma source(%arg9 : memref<125x32xf32, #tpu.memory_space<vmem>>) target(%dma_start3A_145 : memref<10000x32xf32, #tpu.memory_space<vmem_shared>>) offsets(%dma_start3A_142 : memref<125xi32, #tpu.memory_space<vmem>>) semaphore(%run_scoped3A_139 : memref<!tpu.dma_semaphore, #tpu.memory_space<semaphore_mem>>) {add = true}
        %dma_wait3A_146 = arith.constant 0 : i32
        %dma_wait3A_147 = tpu.memref_slice %arg7[%add3A_100, %dma_wait3A_146] : memref<80x125xi32, #tpu.memory_space<vmem>> -> memref<1x125xi32, #tpu.memory_space<vmem>>
        %dma_wait3A_148 = tpu.memref_squeeze %dma_wait3A_147 : memref<1x125xi32, #tpu.memory_space<vmem>> -> memref<125xi32, #tpu.memory_space<vmem>>
        %dma_wait3A_149 = arith.constant 0 : i32
        %dma_wait3A_150 = arith.constant 0 : i32
        %dma_wait3A_151 = tpu.memref_slice %arg12[%dma_wait3A_149, %dma_wait3A_150] : memref<10000x32xf32, #tpu.memory_space<vmem_shared>> -> memref<10000x32xf32, #tpu.memory_space<vmem_shared>>
        tpu.wait_indirect_dma semaphore(%run_scoped3A_139 : memref<!tpu.dma_semaphore, #tpu.memory_space<semaphore_mem>>) src(%arg9 : memref<125x32xf32, #tpu.memory_space<vmem>>) dst(%dma_wait3A_151 : memref<10000x32xf32, #tpu.memory_space<vmem_shared>>)
        tpu.yield
      }) : () -> ()
      %add3A_107 = arith.constant 5 : i32
      %add3A_108 = arith.addi %mul3A_76, %add3A_107 : i32
      %dma_start3A_109 = arith.constant 0 : i32
      %dma_start3A_110 = tpu.memref_slice %arg6[%add3A_108, %dma_start3A_109] : memref<80x125xi32, #tpu.memory_space<vmem>> -> memref<1x125xi32, #tpu.memory_space<vmem>>
      %dma_start3A_111 = tpu.memref_squeeze %dma_start3A_110 : memref<1x125xi32, #tpu.memory_space<vmem>> -> memref<125xi32, #tpu.memory_space<vmem>>
      %dma_start3A_112 = arith.constant 0 : i32
      %dma_start3A_113 = arith.constant 0 : i32
      %dma_start3A_114 = tpu.memref_slice %arg2[%dma_start3A_112, %dma_start3A_113] : memref<10000x32xf32, #tpu.memory_space<hbm>> -> memref<10000x32xf32, #tpu.memory_space<hbm>>
      tpu.enqueue_indirect_dma source(%dma_start3A_114 : memref<10000x32xf32, #tpu.memory_space<hbm>>) target(%arg9 : memref<125x32xf32, #tpu.memory_space<vmem>>) offsets(%dma_start3A_111 : memref<125xi32, #tpu.memory_space<vmem>>) semaphore(%arg14 : memref<!tpu.dma_semaphore, #tpu.memory_space<semaphore_mem>>)
      %add3A_115 = arith.constant 2 : i32
      %add3A_116 = arith.addi %mul3A_76, %add3A_115 : i32
      %dma_wait3A_117 = arith.constant 0 : i32
      %dma_wait3A_118 = tpu.memref_slice %arg6[%add3A_116, %dma_wait3A_117] : memref<80x125xi32, #tpu.memory_space<vmem>> -> memref<1x125xi32, #tpu.memory_space<vmem>>
      %dma_wait3A_119 = tpu.memref_squeeze %dma_wait3A_118 : memref<1x125xi32, #tpu.memory_space<vmem>> -> memref<125xi32, #tpu.memory_space<vmem>>
      %dma_wait3A_120 = arith.constant 0 : i32
      %dma_wait3A_121 = arith.constant 0 : i32
      %dma_wait3A_122 = tpu.memref_slice %arg2[%dma_wait3A_120, %dma_wait3A_121] : memref<10000x32xf32, #tpu.memory_space<hbm>> -> memref<10000x32xf32, #tpu.memory_space<hbm>>
      tpu.wait_indirect_dma semaphore(%arg15 : memref<!tpu.dma_semaphore, #tpu.memory_space<semaphore_mem>>) src(%dma_wait3A_122 : memref<10000x32xf32, #tpu.memory_space<hbm>>) dst(%arg10 : memref<125x32xf32, #tpu.memory_space<vmem>>)
      "tpu.region"() ({
        %run_scoped3A_139 = tpu.sem_alloc : memref<!tpu.dma_semaphore, #tpu.memory_space<semaphore_mem>>
        %dma_start3A_140 = arith.constant 0 : i32
        %dma_start3A_141 = tpu.memref_slice %arg7[%add3A_116, %dma_start3A_140] : memref<80x125xi32, #tpu.memory_space<vmem>> -> memref<1x125xi32, #tpu.memory_space<vmem>>
        %dma_start3A_142 = tpu.memref_squeeze %dma_start3A_141 : memref<1x125xi32, #tpu.memory_space<vmem>> -> memref<125xi32, #tpu.memory_space<vmem>>
        %dma_start3A_143 = arith.constant 0 : i32
        %dma_start3A_144 = arith.constant 0 : i32
        %dma_start3A_145 = tpu.memref_slice %arg12[%dma_start3A_143, %dma_start3A_144] : memref<10000x32xf32, #tpu.memory_space<vmem_shared>> -> memref<10000x32xf32, #tpu.memory_space<vmem_shared>>
        tpu.enqueue_indirect_dma source(%arg10 : memref<125x32xf32, #tpu.memory_space<vmem>>) target(%dma_start3A_145 : memref<10000x32xf32, #tpu.memory_space<vmem_shared>>) offsets(%dma_start3A_142 : memref<125xi32, #tpu.memory_space<vmem>>) semaphore(%run_scoped3A_139 : memref<!tpu.dma_semaphore, #tpu.memory_space<semaphore_mem>>) {add = true}
        %dma_wait3A_146 = arith.constant 0 : i32
        %dma_wait3A_147 = tpu.memref_slice %arg7[%add3A_116, %dma_wait3A_146] : memref<80x125xi32, #tpu.memory_space<vmem>> -> memref<1x125xi32, #tpu.memory_space<vmem>>
        %dma_wait3A_148 = tpu.memref_squeeze %dma_wait3A_147 : memref<1x125xi32, #tpu.memory_space<vmem>> -> memref<125xi32, #tpu.memory_space<vmem>>
        %dma_wait3A_149 = arith.constant 0 : i32
        %dma_wait3A_150 = arith.constant 0 : i32
        %dma_wait3A_151 = tpu.memref_slice %arg12[%dma_wait3A_149, %dma_wait3A_150] : memref<10000x32xf32, #tpu.memory_space<vmem_shared>> -> memref<10000x32xf32, #tpu.memory_space<vmem_shared>>
        tpu.wait_indirect_dma semaphore(%run_scoped3A_139 : memref<!tpu.dma_semaphore, #tpu.memory_space<semaphore_mem>>) src(%arg10 : memref<125x32xf32, #tpu.memory_space<vmem>>) dst(%dma_wait3A_151 : memref<10000x32xf32, #tpu.memory_space<vmem_shared>>)
        tpu.yield
      }) : () -> ()
      %add3A_123 = arith.constant 6 : i32
      %add3A_124 = arith.addi %mul3A_76, %add3A_123 : i32
      %dma_start3A_125 = arith.constant 0 : i32
      %dma_start3A_126 = tpu.memref_slice %arg6[%add3A_124, %dma_start3A_125] : memref<80x125xi32, #tpu.memory_space<vmem>> -> memref<1x125xi32, #tpu.memory_space<vmem>>
      %dma_start3A_127 = tpu.memref_squeeze %dma_start3A_126 : memref<1x125xi32, #tpu.memory_space<vmem>> -> memref<125xi32, #tpu.memory_space<vmem>>
      %dma_start3A_128 = arith.constant 0 : i32
      %dma_start3A_129 = arith.constant 0 : i32
      %dma_start3A_130 = tpu.memref_slice %arg2[%dma_start3A_128, %dma_start3A_129] : memref<10000x32xf32, #tpu.memory_space<hbm>> -> memref<10000x32xf32, #tpu.memory_space<hbm>>
      tpu.enqueue_indirect_dma source(%dma_start3A_130 : memref<10000x32xf32, #tpu.memory_space<hbm>>) target(%arg10 : memref<125x32xf32, #tpu.memory_space<vmem>>) offsets(%dma_start3A_127 : memref<125xi32, #tpu.memory_space<vmem>>) semaphore(%arg15 : memref<!tpu.dma_semaphore, #tpu.memory_space<semaphore_mem>>)
      %add3A_131 = arith.constant 3 : i32
      %add3A_132 = arith.addi %mul3A_76, %add3A_131 : i32
      %dma_wait3A_133 = arith.constant 0 : i32
      %dma_wait3A_134 = tpu.memref_slice %arg6[%add3A_132, %dma_wait3A_133] : memref<80x125xi32, #tpu.memory_space<vmem>> -> memref<1x125xi32, #tpu.memory_space<vmem>>
      %dma_wait3A_135 = tpu.memref_squeeze %dma_wait3A_134 : memref<1x125xi32, #tpu.memory_space<vmem>> -> memref<125xi32, #tpu.memory_space<vmem>>
      %dma_wait3A_136 = arith.constant 0 : i32
      %dma_wait3A_137 = arith.constant 0 : i32
      %dma_wait3A_138 = tpu.memref_slice %arg2[%dma_wait3A_136, %dma_wait3A_137] : memref<10000x32xf32, #tpu.memory_space<hbm>> -> memref<10000x32xf32, #tpu.memory_space<hbm>>
      tpu.wait_indirect_dma semaphore(%arg16 : memref<!tpu.dma_semaphore, #tpu.memory_space<semaphore_mem>>) src(%dma_wait3A_138 : memref<10000x32xf32, #tpu.memory_space<hbm>>) dst(%arg11 : memref<125x32xf32, #tpu.memory_space<vmem>>)
      "tpu.region"() ({
        %run_scoped3A_139 = tpu.sem_alloc : memref<!tpu.dma_semaphore, #tpu.memory_space<semaphore_mem>>
        %dma_start3A_140 = arith.constant 0 : i32
        %dma_start3A_141 = tpu.memref_slice %arg7[%add3A_132, %dma_start3A_140] : memref<80x125xi32, #tpu.memory_space<vmem>> -> memref<1x125xi32, #tpu.memory_space<vmem>>
        %dma_start3A_142 = tpu.memref_squeeze %dma_start3A_141 : memref<1x125xi32, #tpu.memory_space<vmem>> -> memref<125xi32, #tpu.memory_space<vmem>>
        %dma_start3A_143 = arith.constant 0 : i32
        %dma_start3A_144 = arith.constant 0 : i32
        %dma_start3A_145 = tpu.memref_slice %arg12[%dma_start3A_143, %dma_start3A_144] : memref<10000x32xf32, #tpu.memory_space<vmem_shared>> -> memref<10000x32xf32, #tpu.memory_space<vmem_shared>>
        tpu.enqueue_indirect_dma source(%arg11 : memref<125x32xf32, #tpu.memory_space<vmem>>) target(%dma_start3A_145 : memref<10000x32xf32, #tpu.memory_space<vmem_shared>>) offsets(%dma_start3A_142 : memref<125xi32, #tpu.memory_space<vmem>>) semaphore(%run_scoped3A_139 : memref<!tpu.dma_semaphore, #tpu.memory_space<semaphore_mem>>) {add = true}
        %dma_wait3A_146 = arith.constant 0 : i32
        %dma_wait3A_147 = tpu.memref_slice %arg7[%add3A_132, %dma_wait3A_146] : memref<80x125xi32, #tpu.memory_space<vmem>> -> memref<1x125xi32, #tpu.memory_space<vmem>>
        %dma_wait3A_148 = tpu.memref_squeeze %dma_wait3A_147 : memref<1x125xi32, #tpu.memory_space<vmem>> -> memref<125xi32, #tpu.memory_space<vmem>>
        %dma_wait3A_149 = arith.constant 0 : i32
        %dma_wait3A_150 = arith.constant 0 : i32
        %dma_wait3A_151 = tpu.memref_slice %arg12[%dma_wait3A_149, %dma_wait3A_150] : memref<10000x32xf32, #tpu.memory_space<vmem_shared>> -> memref<10000x32xf32, #tpu.memory_space<vmem_shared>>
        tpu.wait_indirect_dma semaphore(%run_scoped3A_139 : memref<!tpu.dma_semaphore, #tpu.memory_space<semaphore_mem>>) src(%arg11 : memref<125x32xf32, #tpu.memory_space<vmem>>) dst(%dma_wait3A_151 : memref<10000x32xf32, #tpu.memory_space<vmem_shared>>)
        tpu.yield
      }) : () -> ()
    }
    %scan3A_29 = arith.constant 19 : i32
    %dma_start3A_30 = arith.constant 79 : i32
    %dma_start3A_31 = arith.constant 0 : i32
    %dma_start3A_32 = tpu.memref_slice %arg6[%dma_start3A_30, %dma_start3A_31] : memref<80x125xi32, #tpu.memory_space<vmem>> -> memref<1x125xi32, #tpu.memory_space<vmem>>
    %dma_start3A_33 = tpu.memref_squeeze %dma_start3A_32 : memref<1x125xi32, #tpu.memory_space<vmem>> -> memref<125xi32, #tpu.memory_space<vmem>>
    %dma_start3A_34 = arith.constant 0 : i32
    %dma_start3A_35 = arith.constant 0 : i32
    %dma_start3A_36 = tpu.memref_slice %arg2[%dma_start3A_34, %dma_start3A_35] : memref<10000x32xf32, #tpu.memory_space<hbm>> -> memref<10000x32xf32, #tpu.memory_space<hbm>>
    tpu.enqueue_indirect_dma source(%dma_start3A_36 : memref<10000x32xf32, #tpu.memory_space<hbm>>) target(%arg11 : memref<125x32xf32, #tpu.memory_space<vmem>>) offsets(%dma_start3A_33 : memref<125xi32, #tpu.memory_space<vmem>>) semaphore(%arg16 : memref<!tpu.dma_semaphore, #tpu.memory_space<semaphore_mem>>)
    %dma_wait3A = arith.constant 76 : i32
    %dma_wait3A_37 = arith.constant 0 : i32
    %dma_wait3A_38 = tpu.memref_slice %arg6[%dma_wait3A, %dma_wait3A_37] : memref<80x125xi32, #tpu.memory_space<vmem>> -> memref<1x125xi32, #tpu.memory_space<vmem>>
    %dma_wait3A_39 = tpu.memref_squeeze %dma_wait3A_38 : memref<1x125xi32, #tpu.memory_space<vmem>> -> memref<125xi32, #tpu.memory_space<vmem>>
    %dma_wait3A_40 = arith.constant 0 : i32
    %dma_wait3A_41 = arith.constant 0 : i32
    %dma_wait3A_42 = tpu.memref_slice %arg2[%dma_wait3A_40, %dma_wait3A_41] : memref<10000x32xf32, #tpu.memory_space<hbm>> -> memref<10000x32xf32, #tpu.memory_space<hbm>>
    tpu.wait_indirect_dma semaphore(%arg13 : memref<!tpu.dma_semaphore, #tpu.memory_space<semaphore_mem>>) src(%dma_wait3A_42 : memref<10000x32xf32, #tpu.memory_space<hbm>>) dst(%arg8 : memref<125x32xf32, #tpu.memory_space<vmem>>)
    %run_scoped3A_43 = arith.constant 76 : i32
    "tpu.region"() ({
      %run_scoped3A_74 = tpu.sem_alloc : memref<!tpu.dma_semaphore, #tpu.memory_space<semaphore_mem>>
      %dma_start3A_75 = arith.constant 0 : i32
      %dma_start3A_76 = tpu.memref_slice %arg7[%run_scoped3A_43, %dma_start3A_75] : memref<80x125xi32, #tpu.memory_space<vmem>> -> memref<1x125xi32, #tpu.memory_space<vmem>>
      %dma_start3A_77 = tpu.memref_squeeze %dma_start3A_76 : memref<1x125xi32, #tpu.memory_space<vmem>> -> memref<125xi32, #tpu.memory_space<vmem>>
      %dma_start3A_78 = arith.constant 0 : i32
      %dma_start3A_79 = arith.constant 0 : i32
      %dma_start3A_80 = tpu.memref_slice %arg12[%dma_start3A_78, %dma_start3A_79] : memref<10000x32xf32, #tpu.memory_space<vmem_shared>> -> memref<10000x32xf32, #tpu.memory_space<vmem_shared>>
      tpu.enqueue_indirect_dma source(%arg8 : memref<125x32xf32, #tpu.memory_space<vmem>>) target(%dma_start3A_80 : memref<10000x32xf32, #tpu.memory_space<vmem_shared>>) offsets(%dma_start3A_77 : memref<125xi32, #tpu.memory_space<vmem>>) semaphore(%run_scoped3A_74 : memref<!tpu.dma_semaphore, #tpu.memory_space<semaphore_mem>>) {add = true}
      %dma_wait3A_81 = arith.constant 0 : i32
      %dma_wait3A_82 = tpu.memref_slice %arg7[%run_scoped3A_43, %dma_wait3A_81] : memref<80x125xi32, #tpu.memory_space<vmem>> -> memref<1x125xi32, #tpu.memory_space<vmem>>
      %dma_wait3A_83 = tpu.memref_squeeze %dma_wait3A_82 : memref<1x125xi32, #tpu.memory_space<vmem>> -> memref<125xi32, #tpu.memory_space<vmem>>
      %dma_wait3A_84 = arith.constant 0 : i32
      %dma_wait3A_85 = arith.constant 0 : i32
      %dma_wait3A_86 = tpu.memref_slice %arg12[%dma_wait3A_84, %dma_wait3A_85] : memref<10000x32xf32, #tpu.memory_space<vmem_shared>> -> memref<10000x32xf32, #tpu.memory_space<vmem_shared>>
      tpu.wait_indirect_dma semaphore(%run_scoped3A_74 : memref<!tpu.dma_semaphore, #tpu.memory_space<semaphore_mem>>) src(%arg8 : memref<125x32xf32, #tpu.memory_space<vmem>>) dst(%dma_wait3A_86 : memref<10000x32xf32, #tpu.memory_space<vmem_shared>>)
      tpu.yield
    }) : () -> ()
    %dma_wait3A_44 = arith.constant 77 : i32
    %dma_wait3A_45 = arith.constant 0 : i32
    %dma_wait3A_46 = tpu.memref_slice %arg6[%dma_wait3A_44, %dma_wait3A_45] : memref<80x125xi32, #tpu.memory_space<vmem>> -> memref<1x125xi32, #tpu.memory_space<vmem>>
    %dma_wait3A_47 = tpu.memref_squeeze %dma_wait3A_46 : memref<1x125xi32, #tpu.memory_space<vmem>> -> memref<125xi32, #tpu.memory_space<vmem>>
    %dma_wait3A_48 = arith.constant 0 : i32
    %dma_wait3A_49 = arith.constant 0 : i32
    %dma_wait3A_50 = tpu.memref_slice %arg2[%dma_wait3A_48, %dma_wait3A_49] : memref<10000x32xf32, #tpu.memory_space<hbm>> -> memref<10000x32xf32, #tpu.memory_space<hbm>>
    tpu.wait_indirect_dma semaphore(%arg14 : memref<!tpu.dma_semaphore, #tpu.memory_space<semaphore_mem>>) src(%dma_wait3A_50 : memref<10000x32xf32, #tpu.memory_space<hbm>>) dst(%arg9 : memref<125x32xf32, #tpu.memory_space<vmem>>)
    %run_scoped3A_51 = arith.constant 77 : i32
    "tpu.region"() ({
      %run_scoped3A_74 = tpu.sem_alloc : memref<!tpu.dma_semaphore, #tpu.memory_space<semaphore_mem>>
      %dma_start3A_75 = arith.constant 0 : i32
      %dma_start3A_76 = tpu.memref_slice %arg7[%run_scoped3A_51, %dma_start3A_75] : memref<80x125xi32, #tpu.memory_space<vmem>> -> memref<1x125xi32, #tpu.memory_space<vmem>>
      %dma_start3A_77 = tpu.memref_squeeze %dma_start3A_76 : memref<1x125xi32, #tpu.memory_space<vmem>> -> memref<125xi32, #tpu.memory_space<vmem>>
      %dma_start3A_78 = arith.constant 0 : i32
      %dma_start3A_79 = arith.constant 0 : i32
      %dma_start3A_80 = tpu.memref_slice %arg12[%dma_start3A_78, %dma_start3A_79] : memref<10000x32xf32, #tpu.memory_space<vmem_shared>> -> memref<10000x32xf32, #tpu.memory_space<vmem_shared>>
      tpu.enqueue_indirect_dma source(%arg9 : memref<125x32xf32, #tpu.memory_space<vmem>>) target(%dma_start3A_80 : memref<10000x32xf32, #tpu.memory_space<vmem_shared>>) offsets(%dma_start3A_77 : memref<125xi32, #tpu.memory_space<vmem>>) semaphore(%run_scoped3A_74 : memref<!tpu.dma_semaphore, #tpu.memory_space<semaphore_mem>>) {add = true}
      %dma_wait3A_81 = arith.constant 0 : i32
      %dma_wait3A_82 = tpu.memref_slice %arg7[%run_scoped3A_51, %dma_wait3A_81] : memref<80x125xi32, #tpu.memory_space<vmem>> -> memref<1x125xi32, #tpu.memory_space<vmem>>
      %dma_wait3A_83 = tpu.memref_squeeze %dma_wait3A_82 : memref<1x125xi32, #tpu.memory_space<vmem>> -> memref<125xi32, #tpu.memory_space<vmem>>
      %dma_wait3A_84 = arith.constant 0 : i32
      %dma_wait3A_85 = arith.constant 0 : i32
      %dma_wait3A_86 = tpu.memref_slice %arg12[%dma_wait3A_84, %dma_wait3A_85] : memref<10000x32xf32, #tpu.memory_space<vmem_shared>> -> memref<10000x32xf32, #tpu.memory_space<vmem_shared>>
      tpu.wait_indirect_dma semaphore(%run_scoped3A_74 : memref<!tpu.dma_semaphore, #tpu.memory_space<semaphore_mem>>) src(%arg9 : memref<125x32xf32, #tpu.memory_space<vmem>>) dst(%dma_wait3A_86 : memref<10000x32xf32, #tpu.memory_space<vmem_shared>>)
      tpu.yield
    }) : () -> ()
    %dma_wait3A_52 = arith.constant 78 : i32
    %dma_wait3A_53 = arith.constant 0 : i32
    %dma_wait3A_54 = tpu.memref_slice %arg6[%dma_wait3A_52, %dma_wait3A_53] : memref<80x125xi32, #tpu.memory_space<vmem>> -> memref<1x125xi32, #tpu.memory_space<vmem>>
    %dma_wait3A_55 = tpu.memref_squeeze %dma_wait3A_54 : memref<1x125xi32, #tpu.memory_space<vmem>> -> memref<125xi32, #tpu.memory_space<vmem>>
    %dma_wait3A_56 = arith.constant 0 : i32
    %dma_wait3A_57 = arith.constant 0 : i32
    %dma_wait3A_58 = tpu.memref_slice %arg2[%dma_wait3A_56, %dma_wait3A_57] : memref<10000x32xf32, #tpu.memory_space<hbm>> -> memref<10000x32xf32, #tpu.memory_space<hbm>>
    tpu.wait_indirect_dma semaphore(%arg15 : memref<!tpu.dma_semaphore, #tpu.memory_space<semaphore_mem>>) src(%dma_wait3A_58 : memref<10000x32xf32, #tpu.memory_space<hbm>>) dst(%arg10 : memref<125x32xf32, #tpu.memory_space<vmem>>)
    %run_scoped3A_59 = arith.constant 78 : i32
    "tpu.region"() ({
      %run_scoped3A_74 = tpu.sem_alloc : memref<!tpu.dma_semaphore, #tpu.memory_space<semaphore_mem>>
      %dma_start3A_75 = arith.constant 0 : i32
      %dma_start3A_76 = tpu.memref_slice %arg7[%run_scoped3A_59, %dma_start3A_75] : memref<80x125xi32, #tpu.memory_space<vmem>> -> memref<1x125xi32, #tpu.memory_space<vmem>>
      %dma_start3A_77 = tpu.memref_squeeze %dma_start3A_76 : memref<1x125xi32, #tpu.memory_space<vmem>> -> memref<125xi32, #tpu.memory_space<vmem>>
      %dma_start3A_78 = arith.constant 0 : i32
      %dma_start3A_79 = arith.constant 0 : i32
      %dma_start3A_80 = tpu.memref_slice %arg12[%dma_start3A_78, %dma_start3A_79] : memref<10000x32xf32, #tpu.memory_space<vmem_shared>> -> memref<10000x32xf32, #tpu.memory_space<vmem_shared>>
      tpu.enqueue_indirect_dma source(%arg10 : memref<125x32xf32, #tpu.memory_space<vmem>>) target(%dma_start3A_80 : memref<10000x32xf32, #tpu.memory_space<vmem_shared>>) offsets(%dma_start3A_77 : memref<125xi32, #tpu.memory_space<vmem>>) semaphore(%run_scoped3A_74 : memref<!tpu.dma_semaphore, #tpu.memory_space<semaphore_mem>>) {add = true}
      %dma_wait3A_81 = arith.constant 0 : i32
      %dma_wait3A_82 = tpu.memref_slice %arg7[%run_scoped3A_59, %dma_wait3A_81] : memref<80x125xi32, #tpu.memory_space<vmem>> -> memref<1x125xi32, #tpu.memory_space<vmem>>
      %dma_wait3A_83 = tpu.memref_squeeze %dma_wait3A_82 : memref<1x125xi32, #tpu.memory_space<vmem>> -> memref<125xi32, #tpu.memory_space<vmem>>
      %dma_wait3A_84 = arith.constant 0 : i32
      %dma_wait3A_85 = arith.constant 0 : i32
      %dma_wait3A_86 = tpu.memref_slice %arg12[%dma_wait3A_84, %dma_wait3A_85] : memref<10000x32xf32, #tpu.memory_space<vmem_shared>> -> memref<10000x32xf32, #tpu.memory_space<vmem_shared>>
      tpu.wait_indirect_dma semaphore(%run_scoped3A_74 : memref<!tpu.dma_semaphore, #tpu.memory_space<semaphore_mem>>) src(%arg10 : memref<125x32xf32, #tpu.memory_space<vmem>>) dst(%dma_wait3A_86 : memref<10000x32xf32, #tpu.memory_space<vmem_shared>>)
      tpu.yield
    }) : () -> ()
    %dma_wait3A_60 = arith.constant 79 : i32
    %dma_wait3A_61 = arith.constant 0 : i32
    %dma_wait3A_62 = tpu.memref_slice %arg6[%dma_wait3A_60, %dma_wait3A_61] : memref<80x125xi32, #tpu.memory_space<vmem>> -> memref<1x125xi32, #tpu.memory_space<vmem>>
    %dma_wait3A_63 = tpu.memref_squeeze %dma_wait3A_62 : memref<1x125xi32, #tpu.memory_space<vmem>> -> memref<125xi32, #tpu.memory_space<vmem>>
    %dma_wait3A_64 = arith.constant 0 : i32
    %dma_wait3A_65 = arith.constant 0 : i32
    %dma_wait3A_66 = tpu.memref_slice %arg2[%dma_wait3A_64, %dma_wait3A_65] : memref<10000x32xf32, #tpu.memory_space<hbm>> -> memref<10000x32xf32, #tpu.memory_space<hbm>>
    tpu.wait_indirect_dma semaphore(%arg16 : memref<!tpu.dma_semaphore, #tpu.memory_space<semaphore_mem>>) src(%dma_wait3A_66 : memref<10000x32xf32, #tpu.memory_space<hbm>>) dst(%arg11 : memref<125x32xf32, #tpu.memory_space<vmem>>)
    %run_scoped3A_67 = arith.constant 79 : i32
    "tpu.region"() ({
      %run_scoped3A_74 = tpu.sem_alloc : memref<!tpu.dma_semaphore, #tpu.memory_space<semaphore_mem>>
      %dma_start3A_75 = arith.constant 0 : i32
      %dma_start3A_76 = tpu.memref_slice %arg7[%run_scoped3A_67, %dma_start3A_75] : memref<80x125xi32, #tpu.memory_space<vmem>> -> memref<1x125xi32, #tpu.memory_space<vmem>>
      %dma_start3A_77 = tpu.memref_squeeze %dma_start3A_76 : memref<1x125xi32, #tpu.memory_space<vmem>> -> memref<125xi32, #tpu.memory_space<vmem>>
      %dma_start3A_78 = arith.constant 0 : i32
      %dma_start3A_79 = arith.constant 0 : i32
      %dma_start3A_80 = tpu.memref_slice %arg12[%dma_start3A_78, %dma_start3A_79] : memref<10000x32xf32, #tpu.memory_space<vmem_shared>> -> memref<10000x32xf32, #tpu.memory_space<vmem_shared>>
      tpu.enqueue_indirect_dma source(%arg11 : memref<125x32xf32, #tpu.memory_space<vmem>>) target(%dma_start3A_80 : memref<10000x32xf32, #tpu.memory_space<vmem_shared>>) offsets(%dma_start3A_77 : memref<125xi32, #tpu.memory_space<vmem>>) semaphore(%run_scoped3A_74 : memref<!tpu.dma_semaphore, #tpu.memory_space<semaphore_mem>>) {add = true}
      %dma_wait3A_81 = arith.constant 0 : i32
      %dma_wait3A_82 = tpu.memref_slice %arg7[%run_scoped3A_67, %dma_wait3A_81] : memref<80x125xi32, #tpu.memory_space<vmem>> -> memref<1x125xi32, #tpu.memory_space<vmem>>
      %dma_wait3A_83 = tpu.memref_squeeze %dma_wait3A_82 : memref<1x125xi32, #tpu.memory_space<vmem>> -> memref<125xi32, #tpu.memory_space<vmem>>
      %dma_wait3A_84 = arith.constant 0 : i32
      %dma_wait3A_85 = arith.constant 0 : i32
      %dma_wait3A_86 = tpu.memref_slice %arg12[%dma_wait3A_84, %dma_wait3A_85] : memref<10000x32xf32, #tpu.memory_space<vmem_shared>> -> memref<10000x32xf32, #tpu.memory_space<vmem_shared>>
      tpu.wait_indirect_dma semaphore(%run_scoped3A_74 : memref<!tpu.dma_semaphore, #tpu.memory_space<semaphore_mem>>) src(%arg11 : memref<125x32xf32, #tpu.memory_space<vmem>>) dst(%dma_wait3A_86 : memref<10000x32xf32, #tpu.memory_space<vmem_shared>>)
      tpu.yield
    }) : () -> ()
    %barrier3A_68 = arith.constant 0 : index
    tpu.barrier barrier_id(%barrier3A_68)
    "tpu.region"() ({
      %run_scoped3A_74 = tpu.sem_alloc : memref<!tpu.dma_semaphore, #tpu.memory_space<semaphore_mem>>
      %dma_start3A_75 = arith.constant 0 : i32
      %dma_start3A_76 = tpu.memref_slice %arg5[%arg0, %mul3A_3, %dma_start3A_75] : memref<2x10000x32xf32, #tpu.memory_space<hbm>> -> memref<1x624x32xf32, #tpu.memory_space<hbm>>
      %dma_start3A_77 = tpu.memref_squeeze %dma_start3A_76 : memref<1x624x32xf32, #tpu.memory_space<hbm>> -> memref<624x32xf32, #tpu.memory_space<hbm>>
      %dma_start3A_78 = arith.constant 0 : i32
      %dma_start3A_79 = tpu.memref_slice %arg12[%mul3A_3, %dma_start3A_78] : memref<10000x32xf32, #tpu.memory_space<vmem_shared>> -> memref<624x32xf32, #tpu.memory_space<vmem_shared>>
      tpu.enqueue_dma source(%dma_start3A_79 : memref<624x32xf32, #tpu.memory_space<vmem_shared>>) target(%dma_start3A_77 : memref<624x32xf32, #tpu.memory_space<hbm>>) target_semaphore(%run_scoped3A_74 : memref<!tpu.dma_semaphore, #tpu.memory_space<semaphore_mem>>)
      %dma_wait3A_80 = arith.constant 0 : i32
      %dma_wait3A_81 = tpu.memref_slice %arg5[%arg0, %mul3A_3, %dma_wait3A_80] : memref<2x10000x32xf32, #tpu.memory_space<hbm>> -> memref<1x624x32xf32, #tpu.memory_space<hbm>>
      %dma_wait3A_82 = tpu.memref_squeeze %dma_wait3A_81 : memref<1x624x32xf32, #tpu.memory_space<hbm>> -> memref<624x32xf32, #tpu.memory_space<hbm>>
      %dma_wait3A_83 = arith.constant 0 : i32
      %dma_wait3A_84 = tpu.memref_slice %arg12[%mul3A_3, %dma_wait3A_83] : memref<10000x32xf32, #tpu.memory_space<vmem_shared>> -> memref<624x32xf32, #tpu.memory_space<vmem_shared>>
      tpu.wait_dma2 semaphore(%run_scoped3A_74 : memref<!tpu.dma_semaphore, #tpu.memory_space<semaphore_mem>>) src(%dma_wait3A_84 : memref<624x32xf32, #tpu.memory_space<vmem_shared>>) dst(%dma_wait3A_82 : memref<624x32xf32, #tpu.memory_space<hbm>>)
      tpu.yield
    }) : () -> ()
    %eq3A_69 = arith.constant 0 : i32
    %eq3A_70 = arith.cmpi eq, %arg1, %eq3A_69 : i32
    %convert_element_type3A_71 = arith.extui %eq3A_70 : i1 to i32
    %cond3A_72 = arith.constant 0 : i32
    %cond3A_73 = arith.cmpi ne, %convert_element_type3A_71, %cond3A_72 : i32
    scf.if %cond3A_73 {
      "tpu.region"() ({
        %run_scoped3A_74 = tpu.sem_alloc : memref<!tpu.dma_semaphore, #tpu.memory_space<semaphore_mem>>
        %dma_start3A_75 = arith.constant 9984 : i32
        %dma_start3A_76 = arith.constant 0 : i32
        %dma_start3A_77 = tpu.memref_slice %arg5[%arg0, %dma_start3A_75, %dma_start3A_76] : memref<2x10000x32xf32, #tpu.memory_space<hbm>> -> memref<1x16x32xf32, #tpu.memory_space<hbm>>
        %dma_start3A_78 = tpu.memref_squeeze %dma_start3A_77 : memref<1x16x32xf32, #tpu.memory_space<hbm>> -> memref<16x32xf32, #tpu.memory_space<hbm>>
        %dma_start3A_79 = arith.constant 9984 : i32
        %dma_start3A_80 = arith.constant 0 : i32
        %dma_start3A_81 = tpu.memref_slice %arg12[%dma_start3A_79, %dma_start3A_80] : memref<10000x32xf32, #tpu.memory_space<vmem_shared>> -> memref<16x32xf32, #tpu.memory_space<vmem_shared>>
        tpu.enqueue_dma source(%dma_start3A_81 : memref<16x32xf32, #tpu.memory_space<vmem_shared>>) target(%dma_start3A_78 : memref<16x32xf32, #tpu.memory_space<hbm>>) target_semaphore(%run_scoped3A_74 : memref<!tpu.dma_semaphore, #tpu.memory_space<semaphore_mem>>)
        %dma_wait3A_82 = arith.constant 9984 : i32
        %dma_wait3A_83 = arith.constant 0 : i32
        %dma_wait3A_84 = tpu.memref_slice %arg5[%arg0, %dma_wait3A_82, %dma_wait3A_83] : memref<2x10000x32xf32, #tpu.memory_space<hbm>> -> memref<1x16x32xf32, #tpu.memory_space<hbm>>
        %dma_wait3A_85 = tpu.memref_squeeze %dma_wait3A_84 : memref<1x16x32xf32, #tpu.memory_space<hbm>> -> memref<16x32xf32, #tpu.memory_space<hbm>>
        %dma_wait3A_86 = arith.constant 9984 : i32
        %dma_wait3A_87 = arith.constant 0 : i32
        %dma_wait3A_88 = tpu.memref_slice %arg12[%dma_wait3A_86, %dma_wait3A_87] : memref<10000x32xf32, #tpu.memory_space<vmem_shared>> -> memref<16x32xf32, #tpu.memory_space<vmem_shared>>
        tpu.wait_dma2 semaphore(%run_scoped3A_74 : memref<!tpu.dma_semaphore, #tpu.memory_space<semaphore_mem>>) src(%dma_wait3A_88 : memref<16x32xf32, #tpu.memory_space<vmem_shared>>) dst(%dma_wait3A_85 : memref<16x32xf32, #tpu.memory_space<hbm>>)
        tpu.yield
      }) : () -> ()
    } else {
    }
    return
  }
}

#map = affine_map<(d0, d1) -> (0, 0)>
#map1 = affine_map<(d0, d1) -> (0, 0, 0, 0)>
#map2 = affine_map<(d0, d1) -> (0, 0, 0)>
module attributes {stable_mosaic.version = 14 : i64} {
  func.func @sc_seg_sum_64(%arg0: i32, %arg1: i32, %arg2: memref<10000x64xf32, #tpu.memory_space<hbm>>, %arg3: memref<2x32x80x125xi32, #tpu.memory_space<hbm>>, %arg4: memref<640x64xf32, #tpu.memory_space<hbm>>, %arg5: memref<2x10000x64xf32, #tpu.memory_space<hbm>>, %arg6: memref<80x125xi32, #tpu.memory_space<vmem>>, %arg7: memref<80x125xi32, #tpu.memory_space<vmem>>, %arg8: memref<125x64xf32, #tpu.memory_space<vmem>>, %arg9: memref<125x64xf32, #tpu.memory_space<vmem>>, %arg10: memref<125x64xf32, #tpu.memory_space<vmem>>, %arg11: memref<125x64xf32, #tpu.memory_space<vmem>>, %arg12: memref<10000x64xf32, #tpu.memory_space<vmem_shared>>, %arg13: memref<!tpu.dma_semaphore, #tpu.memory_space<semaphore_mem>>, %arg14: memref<!tpu.dma_semaphore, #tpu.memory_space<semaphore_mem>>, %arg15: memref<!tpu.dma_semaphore, #tpu.memory_space<semaphore_mem>>, %arg16: memref<!tpu.dma_semaphore, #tpu.memory_space<semaphore_mem>>) attributes {dimension_semantics = [#tpu.dimension_semantics<core_parallel>, #tpu.dimension_semantics<subcore_parallel>], iteration_bounds = array<i64: 2, 16>, scalar_prefetch = 0 : i64, scratch_operands = 11 : i64, tpu.core_type = #tpu.core_type<sc_vector_subcore>, window_params = [{transform_indices = #map}, {transform_indices = #map1}, {transform_indices = #map}, {transform_indices = #map2}]} {
    %mul3A = arith.constant 16 : i32
    %mul3A_0 = arith.muli %arg0, %mul3A : i32
    %add3A = arith.addi %mul3A_0, %arg1 : i32
    %run_scoped3A = arith.constant 0 : i32
    "tpu.region"() ({
      %run_scoped3A_74 = tpu.sem_alloc : memref<!tpu.dma_semaphore, #tpu.memory_space<semaphore_mem>>
      %dma_start3A_75 = arith.constant 0 : i32
      %dma_start3A_76 = arith.constant 0 : i32
      %dma_start3A_77 = tpu.memref_slice %arg3[%run_scoped3A, %add3A, %dma_start3A_75, %dma_start3A_76] : memref<2x32x80x125xi32, #tpu.memory_space<hbm>> -> memref<1x1x80x125xi32, #tpu.memory_space<hbm>>
      %dma_start3A_78 = tpu.memref_squeeze %dma_start3A_77 : memref<1x1x80x125xi32, #tpu.memory_space<hbm>> -> memref<80x125xi32, #tpu.memory_space<hbm>>
      %dma_start3A_79 = arith.constant 0 : i32
      %dma_start3A_80 = arith.constant 0 : i32
      %dma_start3A_81 = tpu.memref_slice %arg3[%run_scoped3A, %add3A, %dma_start3A_79, %dma_start3A_80] : memref<2x32x80x125xi32, #tpu.memory_space<hbm>> -> memref<1x1x80x125xi32, #tpu.memory_space<hbm>>
      %dma_start3A_82 = tpu.memref_squeeze %dma_start3A_81 : memref<1x1x80x125xi32, #tpu.memory_space<hbm>> -> memref<80x125xi32, #tpu.memory_space<hbm>>
      tpu.enqueue_dma source(%dma_start3A_82 : memref<80x125xi32, #tpu.memory_space<hbm>>) target(%arg6 : memref<80x125xi32, #tpu.memory_space<vmem>>) target_semaphore(%run_scoped3A_74 : memref<!tpu.dma_semaphore, #tpu.memory_space<semaphore_mem>>)
      %dma_wait3A_83 = arith.constant 0 : i32
      %dma_wait3A_84 = arith.constant 0 : i32
      %dma_wait3A_85 = tpu.memref_slice %arg3[%run_scoped3A, %add3A, %dma_wait3A_83, %dma_wait3A_84] : memref<2x32x80x125xi32, #tpu.memory_space<hbm>> -> memref<1x1x80x125xi32, #tpu.memory_space<hbm>>
      %dma_wait3A_86 = tpu.memref_squeeze %dma_wait3A_85 : memref<1x1x80x125xi32, #tpu.memory_space<hbm>> -> memref<80x125xi32, #tpu.memory_space<hbm>>
      %dma_wait3A_87 = arith.constant 0 : i32
      %dma_wait3A_88 = arith.constant 0 : i32
      %dma_wait3A_89 = tpu.memref_slice %arg3[%run_scoped3A, %add3A, %dma_wait3A_87, %dma_wait3A_88] : memref<2x32x80x125xi32, #tpu.memory_space<hbm>> -> memref<1x1x80x125xi32, #tpu.memory_space<hbm>>
      %dma_wait3A_90 = tpu.memref_squeeze %dma_wait3A_89 : memref<1x1x80x125xi32, #tpu.memory_space<hbm>> -> memref<80x125xi32, #tpu.memory_space<hbm>>
      tpu.wait_dma2 semaphore(%run_scoped3A_74 : memref<!tpu.dma_semaphore, #tpu.memory_space<semaphore_mem>>) src(%dma_wait3A_90 : memref<80x125xi32, #tpu.memory_space<hbm>>) dst(%arg6 : memref<80x125xi32, #tpu.memory_space<vmem>>)
      tpu.yield
    }) : () -> ()
    %run_scoped3A_1 = arith.constant 1 : i32
    "tpu.region"() ({
      %run_scoped3A_74 = tpu.sem_alloc : memref<!tpu.dma_semaphore, #tpu.memory_space<semaphore_mem>>
      %dma_start3A_75 = arith.constant 0 : i32
      %dma_start3A_76 = arith.constant 0 : i32
      %dma_start3A_77 = tpu.memref_slice %arg3[%run_scoped3A_1, %add3A, %dma_start3A_75, %dma_start3A_76] : memref<2x32x80x125xi32, #tpu.memory_space<hbm>> -> memref<1x1x80x125xi32, #tpu.memory_space<hbm>>
      %dma_start3A_78 = tpu.memref_squeeze %dma_start3A_77 : memref<1x1x80x125xi32, #tpu.memory_space<hbm>> -> memref<80x125xi32, #tpu.memory_space<hbm>>
      %dma_start3A_79 = arith.constant 0 : i32
      %dma_start3A_80 = arith.constant 0 : i32
      %dma_start3A_81 = tpu.memref_slice %arg3[%run_scoped3A_1, %add3A, %dma_start3A_79, %dma_start3A_80] : memref<2x32x80x125xi32, #tpu.memory_space<hbm>> -> memref<1x1x80x125xi32, #tpu.memory_space<hbm>>
      %dma_start3A_82 = tpu.memref_squeeze %dma_start3A_81 : memref<1x1x80x125xi32, #tpu.memory_space<hbm>> -> memref<80x125xi32, #tpu.memory_space<hbm>>
      tpu.enqueue_dma source(%dma_start3A_82 : memref<80x125xi32, #tpu.memory_space<hbm>>) target(%arg7 : memref<80x125xi32, #tpu.memory_space<vmem>>) target_semaphore(%run_scoped3A_74 : memref<!tpu.dma_semaphore, #tpu.memory_space<semaphore_mem>>)
      %dma_wait3A_83 = arith.constant 0 : i32
      %dma_wait3A_84 = arith.constant 0 : i32
      %dma_wait3A_85 = tpu.memref_slice %arg3[%run_scoped3A_1, %add3A, %dma_wait3A_83, %dma_wait3A_84] : memref<2x32x80x125xi32, #tpu.memory_space<hbm>> -> memref<1x1x80x125xi32, #tpu.memory_space<hbm>>
      %dma_wait3A_86 = tpu.memref_squeeze %dma_wait3A_85 : memref<1x1x80x125xi32, #tpu.memory_space<hbm>> -> memref<80x125xi32, #tpu.memory_space<hbm>>
      %dma_wait3A_87 = arith.constant 0 : i32
      %dma_wait3A_88 = arith.constant 0 : i32
      %dma_wait3A_89 = tpu.memref_slice %arg3[%run_scoped3A_1, %add3A, %dma_wait3A_87, %dma_wait3A_88] : memref<2x32x80x125xi32, #tpu.memory_space<hbm>> -> memref<1x1x80x125xi32, #tpu.memory_space<hbm>>
      %dma_wait3A_90 = tpu.memref_squeeze %dma_wait3A_89 : memref<1x1x80x125xi32, #tpu.memory_space<hbm>> -> memref<80x125xi32, #tpu.memory_space<hbm>>
      tpu.wait_dma2 semaphore(%run_scoped3A_74 : memref<!tpu.dma_semaphore, #tpu.memory_space<semaphore_mem>>) src(%dma_wait3A_90 : memref<80x125xi32, #tpu.memory_space<hbm>>) dst(%arg7 : memref<80x125xi32, #tpu.memory_space<vmem>>)
      tpu.yield
    }) : () -> ()
    %mul3A_2 = arith.constant 624 : i32
    %mul3A_3 = arith.muli %arg1, %mul3A_2 : i32
    "tpu.region"() ({
      %run_scoped3A_74 = tpu.sem_alloc : memref<!tpu.dma_semaphore, #tpu.memory_space<semaphore_mem>>
      %dma_start3A_75 = arith.constant 0 : i32
      %dma_start3A_76 = tpu.memref_slice %arg12[%mul3A_3, %dma_start3A_75] : memref<10000x64xf32, #tpu.memory_space<vmem_shared>> -> memref<624x64xf32, #tpu.memory_space<vmem_shared>>
      %dma_start3A_77 = arith.constant 0 : i32
      %dma_start3A_78 = arith.constant 0 : i32
      %dma_start3A_79 = tpu.memref_slice %arg4[%dma_start3A_77, %dma_start3A_78] : memref<640x64xf32, #tpu.memory_space<hbm>> -> memref<624x64xf32, #tpu.memory_space<hbm>>
      tpu.enqueue_dma source(%dma_start3A_79 : memref<624x64xf32, #tpu.memory_space<hbm>>) target(%dma_start3A_76 : memref<624x64xf32, #tpu.memory_space<vmem_shared>>) target_semaphore(%run_scoped3A_74 : memref<!tpu.dma_semaphore, #tpu.memory_space<semaphore_mem>>)
      %dma_wait3A_80 = arith.constant 0 : i32
      %dma_wait3A_81 = tpu.memref_slice %arg12[%mul3A_3, %dma_wait3A_80] : memref<10000x64xf32, #tpu.memory_space<vmem_shared>> -> memref<624x64xf32, #tpu.memory_space<vmem_shared>>
      %dma_wait3A_82 = arith.constant 0 : i32
      %dma_wait3A_83 = arith.constant 0 : i32
      %dma_wait3A_84 = tpu.memref_slice %arg4[%dma_wait3A_82, %dma_wait3A_83] : memref<640x64xf32, #tpu.memory_space<hbm>> -> memref<624x64xf32, #tpu.memory_space<hbm>>
      tpu.wait_dma2 semaphore(%run_scoped3A_74 : memref<!tpu.dma_semaphore, #tpu.memory_space<semaphore_mem>>) src(%dma_wait3A_84 : memref<624x64xf32, #tpu.memory_space<hbm>>) dst(%dma_wait3A_81 : memref<624x64xf32, #tpu.memory_space<vmem_shared>>)
      tpu.yield
    }) : () -> ()
    %eq3A = arith.constant 0 : i32
    %eq3A_4 = arith.cmpi eq, %arg1, %eq3A : i32
    %convert_element_type3A = arith.extui %eq3A_4 : i1 to i32
    %cond3A = arith.constant 0 : i32
    %cond3A_5 = arith.cmpi ne, %convert_element_type3A, %cond3A : i32
    scf.if %cond3A_5 {
      "tpu.region"() ({
        %run_scoped3A_74 = tpu.sem_alloc : memref<!tpu.dma_semaphore, #tpu.memory_space<semaphore_mem>>
        %dma_start3A_75 = arith.constant 9984 : i32
        %dma_start3A_76 = arith.constant 0 : i32
        %dma_start3A_77 = tpu.memref_slice %arg12[%dma_start3A_75, %dma_start3A_76] : memref<10000x64xf32, #tpu.memory_space<vmem_shared>> -> memref<16x64xf32, #tpu.memory_space<vmem_shared>>
        %dma_start3A_78 = arith.constant 624 : i32
        %dma_start3A_79 = arith.constant 0 : i32
        %dma_start3A_80 = tpu.memref_slice %arg4[%dma_start3A_78, %dma_start3A_79] : memref<640x64xf32, #tpu.memory_space<hbm>> -> memref<16x64xf32, #tpu.memory_space<hbm>>
        tpu.enqueue_dma source(%dma_start3A_80 : memref<16x64xf32, #tpu.memory_space<hbm>>) target(%dma_start3A_77 : memref<16x64xf32, #tpu.memory_space<vmem_shared>>) target_semaphore(%run_scoped3A_74 : memref<!tpu.dma_semaphore, #tpu.memory_space<semaphore_mem>>)
        %dma_wait3A_81 = arith.constant 9984 : i32
        %dma_wait3A_82 = arith.constant 0 : i32
        %dma_wait3A_83 = tpu.memref_slice %arg12[%dma_wait3A_81, %dma_wait3A_82] : memref<10000x64xf32, #tpu.memory_space<vmem_shared>> -> memref<16x64xf32, #tpu.memory_space<vmem_shared>>
        %dma_wait3A_84 = arith.constant 624 : i32
        %dma_wait3A_85 = arith.constant 0 : i32
        %dma_wait3A_86 = tpu.memref_slice %arg4[%dma_wait3A_84, %dma_wait3A_85] : memref<640x64xf32, #tpu.memory_space<hbm>> -> memref<16x64xf32, #tpu.memory_space<hbm>>
        tpu.wait_dma2 semaphore(%run_scoped3A_74 : memref<!tpu.dma_semaphore, #tpu.memory_space<semaphore_mem>>) src(%dma_wait3A_86 : memref<16x64xf32, #tpu.memory_space<hbm>>) dst(%dma_wait3A_83 : memref<16x64xf32, #tpu.memory_space<vmem_shared>>)
        tpu.yield
      }) : () -> ()
    } else {
    }
    %barrier3A = arith.constant 0 : index
    tpu.barrier barrier_id(%barrier3A)
    %dma_start3A = arith.constant 0 : i32
    %dma_start3A_6 = arith.constant 0 : i32
    %dma_start3A_7 = tpu.memref_slice %arg6[%dma_start3A, %dma_start3A_6] : memref<80x125xi32, #tpu.memory_space<vmem>> -> memref<1x125xi32, #tpu.memory_space<vmem>>
    %dma_start3A_8 = tpu.memref_squeeze %dma_start3A_7 : memref<1x125xi32, #tpu.memory_space<vmem>> -> memref<125xi32, #tpu.memory_space<vmem>>
    %dma_start3A_9 = arith.constant 0 : i32
    %dma_start3A_10 = arith.constant 0 : i32
    %dma_start3A_11 = tpu.memref_slice %arg2[%dma_start3A_9, %dma_start3A_10] : memref<10000x64xf32, #tpu.memory_space<hbm>> -> memref<10000x64xf32, #tpu.memory_space<hbm>>
    tpu.enqueue_indirect_dma source(%dma_start3A_11 : memref<10000x64xf32, #tpu.memory_space<hbm>>) target(%arg8 : memref<125x64xf32, #tpu.memory_space<vmem>>) offsets(%dma_start3A_8 : memref<125xi32, #tpu.memory_space<vmem>>) semaphore(%arg13 : memref<!tpu.dma_semaphore, #tpu.memory_space<semaphore_mem>>)
    %dma_start3A_12 = arith.constant 1 : i32
    %dma_start3A_13 = arith.constant 0 : i32
    %dma_start3A_14 = tpu.memref_slice %arg6[%dma_start3A_12, %dma_start3A_13] : memref<80x125xi32, #tpu.memory_space<vmem>> -> memref<1x125xi32, #tpu.memory_space<vmem>>
    %dma_start3A_15 = tpu.memref_squeeze %dma_start3A_14 : memref<1x125xi32, #tpu.memory_space<vmem>> -> memref<125xi32, #tpu.memory_space<vmem>>
    %dma_start3A_16 = arith.constant 0 : i32
    %dma_start3A_17 = arith.constant 0 : i32
    %dma_start3A_18 = tpu.memref_slice %arg2[%dma_start3A_16, %dma_start3A_17] : memref<10000x64xf32, #tpu.memory_space<hbm>> -> memref<10000x64xf32, #tpu.memory_space<hbm>>
    tpu.enqueue_indirect_dma source(%dma_start3A_18 : memref<10000x64xf32, #tpu.memory_space<hbm>>) target(%arg9 : memref<125x64xf32, #tpu.memory_space<vmem>>) offsets(%dma_start3A_15 : memref<125xi32, #tpu.memory_space<vmem>>) semaphore(%arg14 : memref<!tpu.dma_semaphore, #tpu.memory_space<semaphore_mem>>)
    %dma_start3A_19 = arith.constant 2 : i32
    %dma_start3A_20 = arith.constant 0 : i32
    %dma_start3A_21 = tpu.memref_slice %arg6[%dma_start3A_19, %dma_start3A_20] : memref<80x125xi32, #tpu.memory_space<vmem>> -> memref<1x125xi32, #tpu.memory_space<vmem>>
    %dma_start3A_22 = tpu.memref_squeeze %dma_start3A_21 : memref<1x125xi32, #tpu.memory_space<vmem>> -> memref<125xi32, #tpu.memory_space<vmem>>
    %dma_start3A_23 = arith.constant 0 : i32
    %dma_start3A_24 = arith.constant 0 : i32
    %dma_start3A_25 = tpu.memref_slice %arg2[%dma_start3A_23, %dma_start3A_24] : memref<10000x64xf32, #tpu.memory_space<hbm>> -> memref<10000x64xf32, #tpu.memory_space<hbm>>
    tpu.enqueue_indirect_dma source(%dma_start3A_25 : memref<10000x64xf32, #tpu.memory_space<hbm>>) target(%arg10 : memref<125x64xf32, #tpu.memory_space<vmem>>) offsets(%dma_start3A_22 : memref<125xi32, #tpu.memory_space<vmem>>) semaphore(%arg15 : memref<!tpu.dma_semaphore, #tpu.memory_space<semaphore_mem>>)
    %scan3A = arith.constant 0 : i32
    %scan3A_26 = arith.constant 19 : i32
    %scan3A_27 = arith.addi %scan3A, %scan3A_26 : i32
    %scan3A_28 = arith.constant 1 : i32
    scf.for %scan3A_74 = %scan3A to %scan3A_27 step %scan3A_28  : i32 {
      %mul3A_75 = arith.constant 4 : i32
      %mul3A_76 = arith.muli %mul3A_75, %scan3A_74 : i32
      %add3A_77 = arith.constant 3 : i32
      %add3A_78 = arith.addi %mul3A_76, %add3A_77 : i32
      %dma_start3A_79 = arith.constant 0 : i32
      %dma_start3A_80 = tpu.memref_slice %arg6[%add3A_78, %dma_start3A_79] : memref<80x125xi32, #tpu.memory_space<vmem>> -> memref<1x125xi32, #tpu.memory_space<vmem>>
      %dma_start3A_81 = tpu.memref_squeeze %dma_start3A_80 : memref<1x125xi32, #tpu.memory_space<vmem>> -> memref<125xi32, #tpu.memory_space<vmem>>
      %dma_start3A_82 = arith.constant 0 : i32
      %dma_start3A_83 = arith.constant 0 : i32
      %dma_start3A_84 = tpu.memref_slice %arg2[%dma_start3A_82, %dma_start3A_83] : memref<10000x64xf32, #tpu.memory_space<hbm>> -> memref<10000x64xf32, #tpu.memory_space<hbm>>
      tpu.enqueue_indirect_dma source(%dma_start3A_84 : memref<10000x64xf32, #tpu.memory_space<hbm>>) target(%arg11 : memref<125x64xf32, #tpu.memory_space<vmem>>) offsets(%dma_start3A_81 : memref<125xi32, #tpu.memory_space<vmem>>) semaphore(%arg16 : memref<!tpu.dma_semaphore, #tpu.memory_space<semaphore_mem>>)
      %dma_wait3A_85 = arith.constant 0 : i32
      %dma_wait3A_86 = tpu.memref_slice %arg6[%mul3A_76, %dma_wait3A_85] : memref<80x125xi32, #tpu.memory_space<vmem>> -> memref<1x125xi32, #tpu.memory_space<vmem>>
      %dma_wait3A_87 = tpu.memref_squeeze %dma_wait3A_86 : memref<1x125xi32, #tpu.memory_space<vmem>> -> memref<125xi32, #tpu.memory_space<vmem>>
      %dma_wait3A_88 = arith.constant 0 : i32
      %dma_wait3A_89 = arith.constant 0 : i32
      %dma_wait3A_90 = tpu.memref_slice %arg2[%dma_wait3A_88, %dma_wait3A_89] : memref<10000x64xf32, #tpu.memory_space<hbm>> -> memref<10000x64xf32, #tpu.memory_space<hbm>>
      tpu.wait_indirect_dma semaphore(%arg13 : memref<!tpu.dma_semaphore, #tpu.memory_space<semaphore_mem>>) src(%dma_wait3A_90 : memref<10000x64xf32, #tpu.memory_space<hbm>>) dst(%arg8 : memref<125x64xf32, #tpu.memory_space<vmem>>)
      "tpu.region"() ({
        %run_scoped3A_139 = tpu.sem_alloc : memref<!tpu.dma_semaphore, #tpu.memory_space<semaphore_mem>>
        %dma_start3A_140 = arith.constant 0 : i32
        %dma_start3A_141 = tpu.memref_slice %arg7[%mul3A_76, %dma_start3A_140] : memref<80x125xi32, #tpu.memory_space<vmem>> -> memref<1x125xi32, #tpu.memory_space<vmem>>
        %dma_start3A_142 = tpu.memref_squeeze %dma_start3A_141 : memref<1x125xi32, #tpu.memory_space<vmem>> -> memref<125xi32, #tpu.memory_space<vmem>>
        %dma_start3A_143 = arith.constant 0 : i32
        %dma_start3A_144 = arith.constant 0 : i32
        %dma_start3A_145 = tpu.memref_slice %arg12[%dma_start3A_143, %dma_start3A_144] : memref<10000x64xf32, #tpu.memory_space<vmem_shared>> -> memref<10000x64xf32, #tpu.memory_space<vmem_shared>>
        tpu.enqueue_indirect_dma source(%arg8 : memref<125x64xf32, #tpu.memory_space<vmem>>) target(%dma_start3A_145 : memref<10000x64xf32, #tpu.memory_space<vmem_shared>>) offsets(%dma_start3A_142 : memref<125xi32, #tpu.memory_space<vmem>>) semaphore(%run_scoped3A_139 : memref<!tpu.dma_semaphore, #tpu.memory_space<semaphore_mem>>) {add = true}
        %dma_wait3A_146 = arith.constant 0 : i32
        %dma_wait3A_147 = tpu.memref_slice %arg7[%mul3A_76, %dma_wait3A_146] : memref<80x125xi32, #tpu.memory_space<vmem>> -> memref<1x125xi32, #tpu.memory_space<vmem>>
        %dma_wait3A_148 = tpu.memref_squeeze %dma_wait3A_147 : memref<1x125xi32, #tpu.memory_space<vmem>> -> memref<125xi32, #tpu.memory_space<vmem>>
        %dma_wait3A_149 = arith.constant 0 : i32
        %dma_wait3A_150 = arith.constant 0 : i32
        %dma_wait3A_151 = tpu.memref_slice %arg12[%dma_wait3A_149, %dma_wait3A_150] : memref<10000x64xf32, #tpu.memory_space<vmem_shared>> -> memref<10000x64xf32, #tpu.memory_space<vmem_shared>>
        tpu.wait_indirect_dma semaphore(%run_scoped3A_139 : memref<!tpu.dma_semaphore, #tpu.memory_space<semaphore_mem>>) src(%arg8 : memref<125x64xf32, #tpu.memory_space<vmem>>) dst(%dma_wait3A_151 : memref<10000x64xf32, #tpu.memory_space<vmem_shared>>)
        tpu.yield
      }) : () -> ()
      %add3A_91 = arith.constant 4 : i32
      %add3A_92 = arith.addi %mul3A_76, %add3A_91 : i32
      %dma_start3A_93 = arith.constant 0 : i32
      %dma_start3A_94 = tpu.memref_slice %arg6[%add3A_92, %dma_start3A_93] : memref<80x125xi32, #tpu.memory_space<vmem>> -> memref<1x125xi32, #tpu.memory_space<vmem>>
      %dma_start3A_95 = tpu.memref_squeeze %dma_start3A_94 : memref<1x125xi32, #tpu.memory_space<vmem>> -> memref<125xi32, #tpu.memory_space<vmem>>
      %dma_start3A_96 = arith.constant 0 : i32
      %dma_start3A_97 = arith.constant 0 : i32
      %dma_start3A_98 = tpu.memref_slice %arg2[%dma_start3A_96, %dma_start3A_97] : memref<10000x64xf32, #tpu.memory_space<hbm>> -> memref<10000x64xf32, #tpu.memory_space<hbm>>
      tpu.enqueue_indirect_dma source(%dma_start3A_98 : memref<10000x64xf32, #tpu.memory_space<hbm>>) target(%arg8 : memref<125x64xf32, #tpu.memory_space<vmem>>) offsets(%dma_start3A_95 : memref<125xi32, #tpu.memory_space<vmem>>) semaphore(%arg13 : memref<!tpu.dma_semaphore, #tpu.memory_space<semaphore_mem>>)
      %add3A_99 = arith.constant 1 : i32
      %add3A_100 = arith.addi %mul3A_76, %add3A_99 : i32
      %dma_wait3A_101 = arith.constant 0 : i32
      %dma_wait3A_102 = tpu.memref_slice %arg6[%add3A_100, %dma_wait3A_101] : memref<80x125xi32, #tpu.memory_space<vmem>> -> memref<1x125xi32, #tpu.memory_space<vmem>>
      %dma_wait3A_103 = tpu.memref_squeeze %dma_wait3A_102 : memref<1x125xi32, #tpu.memory_space<vmem>> -> memref<125xi32, #tpu.memory_space<vmem>>
      %dma_wait3A_104 = arith.constant 0 : i32
      %dma_wait3A_105 = arith.constant 0 : i32
      %dma_wait3A_106 = tpu.memref_slice %arg2[%dma_wait3A_104, %dma_wait3A_105] : memref<10000x64xf32, #tpu.memory_space<hbm>> -> memref<10000x64xf32, #tpu.memory_space<hbm>>
      tpu.wait_indirect_dma semaphore(%arg14 : memref<!tpu.dma_semaphore, #tpu.memory_space<semaphore_mem>>) src(%dma_wait3A_106 : memref<10000x64xf32, #tpu.memory_space<hbm>>) dst(%arg9 : memref<125x64xf32, #tpu.memory_space<vmem>>)
      "tpu.region"() ({
        %run_scoped3A_139 = tpu.sem_alloc : memref<!tpu.dma_semaphore, #tpu.memory_space<semaphore_mem>>
        %dma_start3A_140 = arith.constant 0 : i32
        %dma_start3A_141 = tpu.memref_slice %arg7[%add3A_100, %dma_start3A_140] : memref<80x125xi32, #tpu.memory_space<vmem>> -> memref<1x125xi32, #tpu.memory_space<vmem>>
        %dma_start3A_142 = tpu.memref_squeeze %dma_start3A_141 : memref<1x125xi32, #tpu.memory_space<vmem>> -> memref<125xi32, #tpu.memory_space<vmem>>
        %dma_start3A_143 = arith.constant 0 : i32
        %dma_start3A_144 = arith.constant 0 : i32
        %dma_start3A_145 = tpu.memref_slice %arg12[%dma_start3A_143, %dma_start3A_144] : memref<10000x64xf32, #tpu.memory_space<vmem_shared>> -> memref<10000x64xf32, #tpu.memory_space<vmem_shared>>
        tpu.enqueue_indirect_dma source(%arg9 : memref<125x64xf32, #tpu.memory_space<vmem>>) target(%dma_start3A_145 : memref<10000x64xf32, #tpu.memory_space<vmem_shared>>) offsets(%dma_start3A_142 : memref<125xi32, #tpu.memory_space<vmem>>) semaphore(%run_scoped3A_139 : memref<!tpu.dma_semaphore, #tpu.memory_space<semaphore_mem>>) {add = true}
        %dma_wait3A_146 = arith.constant 0 : i32
        %dma_wait3A_147 = tpu.memref_slice %arg7[%add3A_100, %dma_wait3A_146] : memref<80x125xi32, #tpu.memory_space<vmem>> -> memref<1x125xi32, #tpu.memory_space<vmem>>
        %dma_wait3A_148 = tpu.memref_squeeze %dma_wait3A_147 : memref<1x125xi32, #tpu.memory_space<vmem>> -> memref<125xi32, #tpu.memory_space<vmem>>
        %dma_wait3A_149 = arith.constant 0 : i32
        %dma_wait3A_150 = arith.constant 0 : i32
        %dma_wait3A_151 = tpu.memref_slice %arg12[%dma_wait3A_149, %dma_wait3A_150] : memref<10000x64xf32, #tpu.memory_space<vmem_shared>> -> memref<10000x64xf32, #tpu.memory_space<vmem_shared>>
        tpu.wait_indirect_dma semaphore(%run_scoped3A_139 : memref<!tpu.dma_semaphore, #tpu.memory_space<semaphore_mem>>) src(%arg9 : memref<125x64xf32, #tpu.memory_space<vmem>>) dst(%dma_wait3A_151 : memref<10000x64xf32, #tpu.memory_space<vmem_shared>>)
        tpu.yield
      }) : () -> ()
      %add3A_107 = arith.constant 5 : i32
      %add3A_108 = arith.addi %mul3A_76, %add3A_107 : i32
      %dma_start3A_109 = arith.constant 0 : i32
      %dma_start3A_110 = tpu.memref_slice %arg6[%add3A_108, %dma_start3A_109] : memref<80x125xi32, #tpu.memory_space<vmem>> -> memref<1x125xi32, #tpu.memory_space<vmem>>
      %dma_start3A_111 = tpu.memref_squeeze %dma_start3A_110 : memref<1x125xi32, #tpu.memory_space<vmem>> -> memref<125xi32, #tpu.memory_space<vmem>>
      %dma_start3A_112 = arith.constant 0 : i32
      %dma_start3A_113 = arith.constant 0 : i32
      %dma_start3A_114 = tpu.memref_slice %arg2[%dma_start3A_112, %dma_start3A_113] : memref<10000x64xf32, #tpu.memory_space<hbm>> -> memref<10000x64xf32, #tpu.memory_space<hbm>>
      tpu.enqueue_indirect_dma source(%dma_start3A_114 : memref<10000x64xf32, #tpu.memory_space<hbm>>) target(%arg9 : memref<125x64xf32, #tpu.memory_space<vmem>>) offsets(%dma_start3A_111 : memref<125xi32, #tpu.memory_space<vmem>>) semaphore(%arg14 : memref<!tpu.dma_semaphore, #tpu.memory_space<semaphore_mem>>)
      %add3A_115 = arith.constant 2 : i32
      %add3A_116 = arith.addi %mul3A_76, %add3A_115 : i32
      %dma_wait3A_117 = arith.constant 0 : i32
      %dma_wait3A_118 = tpu.memref_slice %arg6[%add3A_116, %dma_wait3A_117] : memref<80x125xi32, #tpu.memory_space<vmem>> -> memref<1x125xi32, #tpu.memory_space<vmem>>
      %dma_wait3A_119 = tpu.memref_squeeze %dma_wait3A_118 : memref<1x125xi32, #tpu.memory_space<vmem>> -> memref<125xi32, #tpu.memory_space<vmem>>
      %dma_wait3A_120 = arith.constant 0 : i32
      %dma_wait3A_121 = arith.constant 0 : i32
      %dma_wait3A_122 = tpu.memref_slice %arg2[%dma_wait3A_120, %dma_wait3A_121] : memref<10000x64xf32, #tpu.memory_space<hbm>> -> memref<10000x64xf32, #tpu.memory_space<hbm>>
      tpu.wait_indirect_dma semaphore(%arg15 : memref<!tpu.dma_semaphore, #tpu.memory_space<semaphore_mem>>) src(%dma_wait3A_122 : memref<10000x64xf32, #tpu.memory_space<hbm>>) dst(%arg10 : memref<125x64xf32, #tpu.memory_space<vmem>>)
      "tpu.region"() ({
        %run_scoped3A_139 = tpu.sem_alloc : memref<!tpu.dma_semaphore, #tpu.memory_space<semaphore_mem>>
        %dma_start3A_140 = arith.constant 0 : i32
        %dma_start3A_141 = tpu.memref_slice %arg7[%add3A_116, %dma_start3A_140] : memref<80x125xi32, #tpu.memory_space<vmem>> -> memref<1x125xi32, #tpu.memory_space<vmem>>
        %dma_start3A_142 = tpu.memref_squeeze %dma_start3A_141 : memref<1x125xi32, #tpu.memory_space<vmem>> -> memref<125xi32, #tpu.memory_space<vmem>>
        %dma_start3A_143 = arith.constant 0 : i32
        %dma_start3A_144 = arith.constant 0 : i32
        %dma_start3A_145 = tpu.memref_slice %arg12[%dma_start3A_143, %dma_start3A_144] : memref<10000x64xf32, #tpu.memory_space<vmem_shared>> -> memref<10000x64xf32, #tpu.memory_space<vmem_shared>>
        tpu.enqueue_indirect_dma source(%arg10 : memref<125x64xf32, #tpu.memory_space<vmem>>) target(%dma_start3A_145 : memref<10000x64xf32, #tpu.memory_space<vmem_shared>>) offsets(%dma_start3A_142 : memref<125xi32, #tpu.memory_space<vmem>>) semaphore(%run_scoped3A_139 : memref<!tpu.dma_semaphore, #tpu.memory_space<semaphore_mem>>) {add = true}
        %dma_wait3A_146 = arith.constant 0 : i32
        %dma_wait3A_147 = tpu.memref_slice %arg7[%add3A_116, %dma_wait3A_146] : memref<80x125xi32, #tpu.memory_space<vmem>> -> memref<1x125xi32, #tpu.memory_space<vmem>>
        %dma_wait3A_148 = tpu.memref_squeeze %dma_wait3A_147 : memref<1x125xi32, #tpu.memory_space<vmem>> -> memref<125xi32, #tpu.memory_space<vmem>>
        %dma_wait3A_149 = arith.constant 0 : i32
        %dma_wait3A_150 = arith.constant 0 : i32
        %dma_wait3A_151 = tpu.memref_slice %arg12[%dma_wait3A_149, %dma_wait3A_150] : memref<10000x64xf32, #tpu.memory_space<vmem_shared>> -> memref<10000x64xf32, #tpu.memory_space<vmem_shared>>
        tpu.wait_indirect_dma semaphore(%run_scoped3A_139 : memref<!tpu.dma_semaphore, #tpu.memory_space<semaphore_mem>>) src(%arg10 : memref<125x64xf32, #tpu.memory_space<vmem>>) dst(%dma_wait3A_151 : memref<10000x64xf32, #tpu.memory_space<vmem_shared>>)
        tpu.yield
      }) : () -> ()
      %add3A_123 = arith.constant 6 : i32
      %add3A_124 = arith.addi %mul3A_76, %add3A_123 : i32
      %dma_start3A_125 = arith.constant 0 : i32
      %dma_start3A_126 = tpu.memref_slice %arg6[%add3A_124, %dma_start3A_125] : memref<80x125xi32, #tpu.memory_space<vmem>> -> memref<1x125xi32, #tpu.memory_space<vmem>>
      %dma_start3A_127 = tpu.memref_squeeze %dma_start3A_126 : memref<1x125xi32, #tpu.memory_space<vmem>> -> memref<125xi32, #tpu.memory_space<vmem>>
      %dma_start3A_128 = arith.constant 0 : i32
      %dma_start3A_129 = arith.constant 0 : i32
      %dma_start3A_130 = tpu.memref_slice %arg2[%dma_start3A_128, %dma_start3A_129] : memref<10000x64xf32, #tpu.memory_space<hbm>> -> memref<10000x64xf32, #tpu.memory_space<hbm>>
      tpu.enqueue_indirect_dma source(%dma_start3A_130 : memref<10000x64xf32, #tpu.memory_space<hbm>>) target(%arg10 : memref<125x64xf32, #tpu.memory_space<vmem>>) offsets(%dma_start3A_127 : memref<125xi32, #tpu.memory_space<vmem>>) semaphore(%arg15 : memref<!tpu.dma_semaphore, #tpu.memory_space<semaphore_mem>>)
      %add3A_131 = arith.constant 3 : i32
      %add3A_132 = arith.addi %mul3A_76, %add3A_131 : i32
      %dma_wait3A_133 = arith.constant 0 : i32
      %dma_wait3A_134 = tpu.memref_slice %arg6[%add3A_132, %dma_wait3A_133] : memref<80x125xi32, #tpu.memory_space<vmem>> -> memref<1x125xi32, #tpu.memory_space<vmem>>
      %dma_wait3A_135 = tpu.memref_squeeze %dma_wait3A_134 : memref<1x125xi32, #tpu.memory_space<vmem>> -> memref<125xi32, #tpu.memory_space<vmem>>
      %dma_wait3A_136 = arith.constant 0 : i32
      %dma_wait3A_137 = arith.constant 0 : i32
      %dma_wait3A_138 = tpu.memref_slice %arg2[%dma_wait3A_136, %dma_wait3A_137] : memref<10000x64xf32, #tpu.memory_space<hbm>> -> memref<10000x64xf32, #tpu.memory_space<hbm>>
      tpu.wait_indirect_dma semaphore(%arg16 : memref<!tpu.dma_semaphore, #tpu.memory_space<semaphore_mem>>) src(%dma_wait3A_138 : memref<10000x64xf32, #tpu.memory_space<hbm>>) dst(%arg11 : memref<125x64xf32, #tpu.memory_space<vmem>>)
      "tpu.region"() ({
        %run_scoped3A_139 = tpu.sem_alloc : memref<!tpu.dma_semaphore, #tpu.memory_space<semaphore_mem>>
        %dma_start3A_140 = arith.constant 0 : i32
        %dma_start3A_141 = tpu.memref_slice %arg7[%add3A_132, %dma_start3A_140] : memref<80x125xi32, #tpu.memory_space<vmem>> -> memref<1x125xi32, #tpu.memory_space<vmem>>
        %dma_start3A_142 = tpu.memref_squeeze %dma_start3A_141 : memref<1x125xi32, #tpu.memory_space<vmem>> -> memref<125xi32, #tpu.memory_space<vmem>>
        %dma_start3A_143 = arith.constant 0 : i32
        %dma_start3A_144 = arith.constant 0 : i32
        %dma_start3A_145 = tpu.memref_slice %arg12[%dma_start3A_143, %dma_start3A_144] : memref<10000x64xf32, #tpu.memory_space<vmem_shared>> -> memref<10000x64xf32, #tpu.memory_space<vmem_shared>>
        tpu.enqueue_indirect_dma source(%arg11 : memref<125x64xf32, #tpu.memory_space<vmem>>) target(%dma_start3A_145 : memref<10000x64xf32, #tpu.memory_space<vmem_shared>>) offsets(%dma_start3A_142 : memref<125xi32, #tpu.memory_space<vmem>>) semaphore(%run_scoped3A_139 : memref<!tpu.dma_semaphore, #tpu.memory_space<semaphore_mem>>) {add = true}
        %dma_wait3A_146 = arith.constant 0 : i32
        %dma_wait3A_147 = tpu.memref_slice %arg7[%add3A_132, %dma_wait3A_146] : memref<80x125xi32, #tpu.memory_space<vmem>> -> memref<1x125xi32, #tpu.memory_space<vmem>>
        %dma_wait3A_148 = tpu.memref_squeeze %dma_wait3A_147 : memref<1x125xi32, #tpu.memory_space<vmem>> -> memref<125xi32, #tpu.memory_space<vmem>>
        %dma_wait3A_149 = arith.constant 0 : i32
        %dma_wait3A_150 = arith.constant 0 : i32
        %dma_wait3A_151 = tpu.memref_slice %arg12[%dma_wait3A_149, %dma_wait3A_150] : memref<10000x64xf32, #tpu.memory_space<vmem_shared>> -> memref<10000x64xf32, #tpu.memory_space<vmem_shared>>
        tpu.wait_indirect_dma semaphore(%run_scoped3A_139 : memref<!tpu.dma_semaphore, #tpu.memory_space<semaphore_mem>>) src(%arg11 : memref<125x64xf32, #tpu.memory_space<vmem>>) dst(%dma_wait3A_151 : memref<10000x64xf32, #tpu.memory_space<vmem_shared>>)
        tpu.yield
      }) : () -> ()
    }
    %scan3A_29 = arith.constant 19 : i32
    %dma_start3A_30 = arith.constant 79 : i32
    %dma_start3A_31 = arith.constant 0 : i32
    %dma_start3A_32 = tpu.memref_slice %arg6[%dma_start3A_30, %dma_start3A_31] : memref<80x125xi32, #tpu.memory_space<vmem>> -> memref<1x125xi32, #tpu.memory_space<vmem>>
    %dma_start3A_33 = tpu.memref_squeeze %dma_start3A_32 : memref<1x125xi32, #tpu.memory_space<vmem>> -> memref<125xi32, #tpu.memory_space<vmem>>
    %dma_start3A_34 = arith.constant 0 : i32
    %dma_start3A_35 = arith.constant 0 : i32
    %dma_start3A_36 = tpu.memref_slice %arg2[%dma_start3A_34, %dma_start3A_35] : memref<10000x64xf32, #tpu.memory_space<hbm>> -> memref<10000x64xf32, #tpu.memory_space<hbm>>
    tpu.enqueue_indirect_dma source(%dma_start3A_36 : memref<10000x64xf32, #tpu.memory_space<hbm>>) target(%arg11 : memref<125x64xf32, #tpu.memory_space<vmem>>) offsets(%dma_start3A_33 : memref<125xi32, #tpu.memory_space<vmem>>) semaphore(%arg16 : memref<!tpu.dma_semaphore, #tpu.memory_space<semaphore_mem>>)
    %dma_wait3A = arith.constant 76 : i32
    %dma_wait3A_37 = arith.constant 0 : i32
    %dma_wait3A_38 = tpu.memref_slice %arg6[%dma_wait3A, %dma_wait3A_37] : memref<80x125xi32, #tpu.memory_space<vmem>> -> memref<1x125xi32, #tpu.memory_space<vmem>>
    %dma_wait3A_39 = tpu.memref_squeeze %dma_wait3A_38 : memref<1x125xi32, #tpu.memory_space<vmem>> -> memref<125xi32, #tpu.memory_space<vmem>>
    %dma_wait3A_40 = arith.constant 0 : i32
    %dma_wait3A_41 = arith.constant 0 : i32
    %dma_wait3A_42 = tpu.memref_slice %arg2[%dma_wait3A_40, %dma_wait3A_41] : memref<10000x64xf32, #tpu.memory_space<hbm>> -> memref<10000x64xf32, #tpu.memory_space<hbm>>
    tpu.wait_indirect_dma semaphore(%arg13 : memref<!tpu.dma_semaphore, #tpu.memory_space<semaphore_mem>>) src(%dma_wait3A_42 : memref<10000x64xf32, #tpu.memory_space<hbm>>) dst(%arg8 : memref<125x64xf32, #tpu.memory_space<vmem>>)
    %run_scoped3A_43 = arith.constant 76 : i32
    "tpu.region"() ({
      %run_scoped3A_74 = tpu.sem_alloc : memref<!tpu.dma_semaphore, #tpu.memory_space<semaphore_mem>>
      %dma_start3A_75 = arith.constant 0 : i32
      %dma_start3A_76 = tpu.memref_slice %arg7[%run_scoped3A_43, %dma_start3A_75] : memref<80x125xi32, #tpu.memory_space<vmem>> -> memref<1x125xi32, #tpu.memory_space<vmem>>
      %dma_start3A_77 = tpu.memref_squeeze %dma_start3A_76 : memref<1x125xi32, #tpu.memory_space<vmem>> -> memref<125xi32, #tpu.memory_space<vmem>>
      %dma_start3A_78 = arith.constant 0 : i32
      %dma_start3A_79 = arith.constant 0 : i32
      %dma_start3A_80 = tpu.memref_slice %arg12[%dma_start3A_78, %dma_start3A_79] : memref<10000x64xf32, #tpu.memory_space<vmem_shared>> -> memref<10000x64xf32, #tpu.memory_space<vmem_shared>>
      tpu.enqueue_indirect_dma source(%arg8 : memref<125x64xf32, #tpu.memory_space<vmem>>) target(%dma_start3A_80 : memref<10000x64xf32, #tpu.memory_space<vmem_shared>>) offsets(%dma_start3A_77 : memref<125xi32, #tpu.memory_space<vmem>>) semaphore(%run_scoped3A_74 : memref<!tpu.dma_semaphore, #tpu.memory_space<semaphore_mem>>) {add = true}
      %dma_wait3A_81 = arith.constant 0 : i32
      %dma_wait3A_82 = tpu.memref_slice %arg7[%run_scoped3A_43, %dma_wait3A_81] : memref<80x125xi32, #tpu.memory_space<vmem>> -> memref<1x125xi32, #tpu.memory_space<vmem>>
      %dma_wait3A_83 = tpu.memref_squeeze %dma_wait3A_82 : memref<1x125xi32, #tpu.memory_space<vmem>> -> memref<125xi32, #tpu.memory_space<vmem>>
      %dma_wait3A_84 = arith.constant 0 : i32
      %dma_wait3A_85 = arith.constant 0 : i32
      %dma_wait3A_86 = tpu.memref_slice %arg12[%dma_wait3A_84, %dma_wait3A_85] : memref<10000x64xf32, #tpu.memory_space<vmem_shared>> -> memref<10000x64xf32, #tpu.memory_space<vmem_shared>>
      tpu.wait_indirect_dma semaphore(%run_scoped3A_74 : memref<!tpu.dma_semaphore, #tpu.memory_space<semaphore_mem>>) src(%arg8 : memref<125x64xf32, #tpu.memory_space<vmem>>) dst(%dma_wait3A_86 : memref<10000x64xf32, #tpu.memory_space<vmem_shared>>)
      tpu.yield
    }) : () -> ()
    %dma_wait3A_44 = arith.constant 77 : i32
    %dma_wait3A_45 = arith.constant 0 : i32
    %dma_wait3A_46 = tpu.memref_slice %arg6[%dma_wait3A_44, %dma_wait3A_45] : memref<80x125xi32, #tpu.memory_space<vmem>> -> memref<1x125xi32, #tpu.memory_space<vmem>>
    %dma_wait3A_47 = tpu.memref_squeeze %dma_wait3A_46 : memref<1x125xi32, #tpu.memory_space<vmem>> -> memref<125xi32, #tpu.memory_space<vmem>>
    %dma_wait3A_48 = arith.constant 0 : i32
    %dma_wait3A_49 = arith.constant 0 : i32
    %dma_wait3A_50 = tpu.memref_slice %arg2[%dma_wait3A_48, %dma_wait3A_49] : memref<10000x64xf32, #tpu.memory_space<hbm>> -> memref<10000x64xf32, #tpu.memory_space<hbm>>
    tpu.wait_indirect_dma semaphore(%arg14 : memref<!tpu.dma_semaphore, #tpu.memory_space<semaphore_mem>>) src(%dma_wait3A_50 : memref<10000x64xf32, #tpu.memory_space<hbm>>) dst(%arg9 : memref<125x64xf32, #tpu.memory_space<vmem>>)
    %run_scoped3A_51 = arith.constant 77 : i32
    "tpu.region"() ({
      %run_scoped3A_74 = tpu.sem_alloc : memref<!tpu.dma_semaphore, #tpu.memory_space<semaphore_mem>>
      %dma_start3A_75 = arith.constant 0 : i32
      %dma_start3A_76 = tpu.memref_slice %arg7[%run_scoped3A_51, %dma_start3A_75] : memref<80x125xi32, #tpu.memory_space<vmem>> -> memref<1x125xi32, #tpu.memory_space<vmem>>
      %dma_start3A_77 = tpu.memref_squeeze %dma_start3A_76 : memref<1x125xi32, #tpu.memory_space<vmem>> -> memref<125xi32, #tpu.memory_space<vmem>>
      %dma_start3A_78 = arith.constant 0 : i32
      %dma_start3A_79 = arith.constant 0 : i32
      %dma_start3A_80 = tpu.memref_slice %arg12[%dma_start3A_78, %dma_start3A_79] : memref<10000x64xf32, #tpu.memory_space<vmem_shared>> -> memref<10000x64xf32, #tpu.memory_space<vmem_shared>>
      tpu.enqueue_indirect_dma source(%arg9 : memref<125x64xf32, #tpu.memory_space<vmem>>) target(%dma_start3A_80 : memref<10000x64xf32, #tpu.memory_space<vmem_shared>>) offsets(%dma_start3A_77 : memref<125xi32, #tpu.memory_space<vmem>>) semaphore(%run_scoped3A_74 : memref<!tpu.dma_semaphore, #tpu.memory_space<semaphore_mem>>) {add = true}
      %dma_wait3A_81 = arith.constant 0 : i32
      %dma_wait3A_82 = tpu.memref_slice %arg7[%run_scoped3A_51, %dma_wait3A_81] : memref<80x125xi32, #tpu.memory_space<vmem>> -> memref<1x125xi32, #tpu.memory_space<vmem>>
      %dma_wait3A_83 = tpu.memref_squeeze %dma_wait3A_82 : memref<1x125xi32, #tpu.memory_space<vmem>> -> memref<125xi32, #tpu.memory_space<vmem>>
      %dma_wait3A_84 = arith.constant 0 : i32
      %dma_wait3A_85 = arith.constant 0 : i32
      %dma_wait3A_86 = tpu.memref_slice %arg12[%dma_wait3A_84, %dma_wait3A_85] : memref<10000x64xf32, #tpu.memory_space<vmem_shared>> -> memref<10000x64xf32, #tpu.memory_space<vmem_shared>>
      tpu.wait_indirect_dma semaphore(%run_scoped3A_74 : memref<!tpu.dma_semaphore, #tpu.memory_space<semaphore_mem>>) src(%arg9 : memref<125x64xf32, #tpu.memory_space<vmem>>) dst(%dma_wait3A_86 : memref<10000x64xf32, #tpu.memory_space<vmem_shared>>)
      tpu.yield
    }) : () -> ()
    %dma_wait3A_52 = arith.constant 78 : i32
    %dma_wait3A_53 = arith.constant 0 : i32
    %dma_wait3A_54 = tpu.memref_slice %arg6[%dma_wait3A_52, %dma_wait3A_53] : memref<80x125xi32, #tpu.memory_space<vmem>> -> memref<1x125xi32, #tpu.memory_space<vmem>>
    %dma_wait3A_55 = tpu.memref_squeeze %dma_wait3A_54 : memref<1x125xi32, #tpu.memory_space<vmem>> -> memref<125xi32, #tpu.memory_space<vmem>>
    %dma_wait3A_56 = arith.constant 0 : i32
    %dma_wait3A_57 = arith.constant 0 : i32
    %dma_wait3A_58 = tpu.memref_slice %arg2[%dma_wait3A_56, %dma_wait3A_57] : memref<10000x64xf32, #tpu.memory_space<hbm>> -> memref<10000x64xf32, #tpu.memory_space<hbm>>
    tpu.wait_indirect_dma semaphore(%arg15 : memref<!tpu.dma_semaphore, #tpu.memory_space<semaphore_mem>>) src(%dma_wait3A_58 : memref<10000x64xf32, #tpu.memory_space<hbm>>) dst(%arg10 : memref<125x64xf32, #tpu.memory_space<vmem>>)
    %run_scoped3A_59 = arith.constant 78 : i32
    "tpu.region"() ({
      %run_scoped3A_74 = tpu.sem_alloc : memref<!tpu.dma_semaphore, #tpu.memory_space<semaphore_mem>>
      %dma_start3A_75 = arith.constant 0 : i32
      %dma_start3A_76 = tpu.memref_slice %arg7[%run_scoped3A_59, %dma_start3A_75] : memref<80x125xi32, #tpu.memory_space<vmem>> -> memref<1x125xi32, #tpu.memory_space<vmem>>
      %dma_start3A_77 = tpu.memref_squeeze %dma_start3A_76 : memref<1x125xi32, #tpu.memory_space<vmem>> -> memref<125xi32, #tpu.memory_space<vmem>>
      %dma_start3A_78 = arith.constant 0 : i32
      %dma_start3A_79 = arith.constant 0 : i32
      %dma_start3A_80 = tpu.memref_slice %arg12[%dma_start3A_78, %dma_start3A_79] : memref<10000x64xf32, #tpu.memory_space<vmem_shared>> -> memref<10000x64xf32, #tpu.memory_space<vmem_shared>>
      tpu.enqueue_indirect_dma source(%arg10 : memref<125x64xf32, #tpu.memory_space<vmem>>) target(%dma_start3A_80 : memref<10000x64xf32, #tpu.memory_space<vmem_shared>>) offsets(%dma_start3A_77 : memref<125xi32, #tpu.memory_space<vmem>>) semaphore(%run_scoped3A_74 : memref<!tpu.dma_semaphore, #tpu.memory_space<semaphore_mem>>) {add = true}
      %dma_wait3A_81 = arith.constant 0 : i32
      %dma_wait3A_82 = tpu.memref_slice %arg7[%run_scoped3A_59, %dma_wait3A_81] : memref<80x125xi32, #tpu.memory_space<vmem>> -> memref<1x125xi32, #tpu.memory_space<vmem>>
      %dma_wait3A_83 = tpu.memref_squeeze %dma_wait3A_82 : memref<1x125xi32, #tpu.memory_space<vmem>> -> memref<125xi32, #tpu.memory_space<vmem>>
      %dma_wait3A_84 = arith.constant 0 : i32
      %dma_wait3A_85 = arith.constant 0 : i32
      %dma_wait3A_86 = tpu.memref_slice %arg12[%dma_wait3A_84, %dma_wait3A_85] : memref<10000x64xf32, #tpu.memory_space<vmem_shared>> -> memref<10000x64xf32, #tpu.memory_space<vmem_shared>>
      tpu.wait_indirect_dma semaphore(%run_scoped3A_74 : memref<!tpu.dma_semaphore, #tpu.memory_space<semaphore_mem>>) src(%arg10 : memref<125x64xf32, #tpu.memory_space<vmem>>) dst(%dma_wait3A_86 : memref<10000x64xf32, #tpu.memory_space<vmem_shared>>)
      tpu.yield
    }) : () -> ()
    %dma_wait3A_60 = arith.constant 79 : i32
    %dma_wait3A_61 = arith.constant 0 : i32
    %dma_wait3A_62 = tpu.memref_slice %arg6[%dma_wait3A_60, %dma_wait3A_61] : memref<80x125xi32, #tpu.memory_space<vmem>> -> memref<1x125xi32, #tpu.memory_space<vmem>>
    %dma_wait3A_63 = tpu.memref_squeeze %dma_wait3A_62 : memref<1x125xi32, #tpu.memory_space<vmem>> -> memref<125xi32, #tpu.memory_space<vmem>>
    %dma_wait3A_64 = arith.constant 0 : i32
    %dma_wait3A_65 = arith.constant 0 : i32
    %dma_wait3A_66 = tpu.memref_slice %arg2[%dma_wait3A_64, %dma_wait3A_65] : memref<10000x64xf32, #tpu.memory_space<hbm>> -> memref<10000x64xf32, #tpu.memory_space<hbm>>
    tpu.wait_indirect_dma semaphore(%arg16 : memref<!tpu.dma_semaphore, #tpu.memory_space<semaphore_mem>>) src(%dma_wait3A_66 : memref<10000x64xf32, #tpu.memory_space<hbm>>) dst(%arg11 : memref<125x64xf32, #tpu.memory_space<vmem>>)
    %run_scoped3A_67 = arith.constant 79 : i32
    "tpu.region"() ({
      %run_scoped3A_74 = tpu.sem_alloc : memref<!tpu.dma_semaphore, #tpu.memory_space<semaphore_mem>>
      %dma_start3A_75 = arith.constant 0 : i32
      %dma_start3A_76 = tpu.memref_slice %arg7[%run_scoped3A_67, %dma_start3A_75] : memref<80x125xi32, #tpu.memory_space<vmem>> -> memref<1x125xi32, #tpu.memory_space<vmem>>
      %dma_start3A_77 = tpu.memref_squeeze %dma_start3A_76 : memref<1x125xi32, #tpu.memory_space<vmem>> -> memref<125xi32, #tpu.memory_space<vmem>>
      %dma_start3A_78 = arith.constant 0 : i32
      %dma_start3A_79 = arith.constant 0 : i32
      %dma_start3A_80 = tpu.memref_slice %arg12[%dma_start3A_78, %dma_start3A_79] : memref<10000x64xf32, #tpu.memory_space<vmem_shared>> -> memref<10000x64xf32, #tpu.memory_space<vmem_shared>>
      tpu.enqueue_indirect_dma source(%arg11 : memref<125x64xf32, #tpu.memory_space<vmem>>) target(%dma_start3A_80 : memref<10000x64xf32, #tpu.memory_space<vmem_shared>>) offsets(%dma_start3A_77 : memref<125xi32, #tpu.memory_space<vmem>>) semaphore(%run_scoped3A_74 : memref<!tpu.dma_semaphore, #tpu.memory_space<semaphore_mem>>) {add = true}
      %dma_wait3A_81 = arith.constant 0 : i32
      %dma_wait3A_82 = tpu.memref_slice %arg7[%run_scoped3A_67, %dma_wait3A_81] : memref<80x125xi32, #tpu.memory_space<vmem>> -> memref<1x125xi32, #tpu.memory_space<vmem>>
      %dma_wait3A_83 = tpu.memref_squeeze %dma_wait3A_82 : memref<1x125xi32, #tpu.memory_space<vmem>> -> memref<125xi32, #tpu.memory_space<vmem>>
      %dma_wait3A_84 = arith.constant 0 : i32
      %dma_wait3A_85 = arith.constant 0 : i32
      %dma_wait3A_86 = tpu.memref_slice %arg12[%dma_wait3A_84, %dma_wait3A_85] : memref<10000x64xf32, #tpu.memory_space<vmem_shared>> -> memref<10000x64xf32, #tpu.memory_space<vmem_shared>>
      tpu.wait_indirect_dma semaphore(%run_scoped3A_74 : memref<!tpu.dma_semaphore, #tpu.memory_space<semaphore_mem>>) src(%arg11 : memref<125x64xf32, #tpu.memory_space<vmem>>) dst(%dma_wait3A_86 : memref<10000x64xf32, #tpu.memory_space<vmem_shared>>)
      tpu.yield
    }) : () -> ()
    %barrier3A_68 = arith.constant 0 : index
    tpu.barrier barrier_id(%barrier3A_68)
    "tpu.region"() ({
      %run_scoped3A_74 = tpu.sem_alloc : memref<!tpu.dma_semaphore, #tpu.memory_space<semaphore_mem>>
      %dma_start3A_75 = arith.constant 0 : i32
      %dma_start3A_76 = tpu.memref_slice %arg5[%arg0, %mul3A_3, %dma_start3A_75] : memref<2x10000x64xf32, #tpu.memory_space<hbm>> -> memref<1x624x64xf32, #tpu.memory_space<hbm>>
      %dma_start3A_77 = tpu.memref_squeeze %dma_start3A_76 : memref<1x624x64xf32, #tpu.memory_space<hbm>> -> memref<624x64xf32, #tpu.memory_space<hbm>>
      %dma_start3A_78 = arith.constant 0 : i32
      %dma_start3A_79 = tpu.memref_slice %arg12[%mul3A_3, %dma_start3A_78] : memref<10000x64xf32, #tpu.memory_space<vmem_shared>> -> memref<624x64xf32, #tpu.memory_space<vmem_shared>>
      tpu.enqueue_dma source(%dma_start3A_79 : memref<624x64xf32, #tpu.memory_space<vmem_shared>>) target(%dma_start3A_77 : memref<624x64xf32, #tpu.memory_space<hbm>>) target_semaphore(%run_scoped3A_74 : memref<!tpu.dma_semaphore, #tpu.memory_space<semaphore_mem>>)
      %dma_wait3A_80 = arith.constant 0 : i32
      %dma_wait3A_81 = tpu.memref_slice %arg5[%arg0, %mul3A_3, %dma_wait3A_80] : memref<2x10000x64xf32, #tpu.memory_space<hbm>> -> memref<1x624x64xf32, #tpu.memory_space<hbm>>
      %dma_wait3A_82 = tpu.memref_squeeze %dma_wait3A_81 : memref<1x624x64xf32, #tpu.memory_space<hbm>> -> memref<624x64xf32, #tpu.memory_space<hbm>>
      %dma_wait3A_83 = arith.constant 0 : i32
      %dma_wait3A_84 = tpu.memref_slice %arg12[%mul3A_3, %dma_wait3A_83] : memref<10000x64xf32, #tpu.memory_space<vmem_shared>> -> memref<624x64xf32, #tpu.memory_space<vmem_shared>>
      tpu.wait_dma2 semaphore(%run_scoped3A_74 : memref<!tpu.dma_semaphore, #tpu.memory_space<semaphore_mem>>) src(%dma_wait3A_84 : memref<624x64xf32, #tpu.memory_space<vmem_shared>>) dst(%dma_wait3A_82 : memref<624x64xf32, #tpu.memory_space<hbm>>)
      tpu.yield
    }) : () -> ()
    %eq3A_69 = arith.constant 0 : i32
    %eq3A_70 = arith.cmpi eq, %arg1, %eq3A_69 : i32
    %convert_element_type3A_71 = arith.extui %eq3A_70 : i1 to i32
    %cond3A_72 = arith.constant 0 : i32
    %cond3A_73 = arith.cmpi ne, %convert_element_type3A_71, %cond3A_72 : i32
    scf.if %cond3A_73 {
      "tpu.region"() ({
        %run_scoped3A_74 = tpu.sem_alloc : memref<!tpu.dma_semaphore, #tpu.memory_space<semaphore_mem>>
        %dma_start3A_75 = arith.constant 9984 : i32
        %dma_start3A_76 = arith.constant 0 : i32
        %dma_start3A_77 = tpu.memref_slice %arg5[%arg0, %dma_start3A_75, %dma_start3A_76] : memref<2x10000x64xf32, #tpu.memory_space<hbm>> -> memref<1x16x64xf32, #tpu.memory_space<hbm>>
        %dma_start3A_78 = tpu.memref_squeeze %dma_start3A_77 : memref<1x16x64xf32, #tpu.memory_space<hbm>> -> memref<16x64xf32, #tpu.memory_space<hbm>>
        %dma_start3A_79 = arith.constant 9984 : i32
        %dma_start3A_80 = arith.constant 0 : i32
        %dma_start3A_81 = tpu.memref_slice %arg12[%dma_start3A_79, %dma_start3A_80] : memref<10000x64xf32, #tpu.memory_space<vmem_shared>> -> memref<16x64xf32, #tpu.memory_space<vmem_shared>>
        tpu.enqueue_dma source(%dma_start3A_81 : memref<16x64xf32, #tpu.memory_space<vmem_shared>>) target(%dma_start3A_78 : memref<16x64xf32, #tpu.memory_space<hbm>>) target_semaphore(%run_scoped3A_74 : memref<!tpu.dma_semaphore, #tpu.memory_space<semaphore_mem>>)
        %dma_wait3A_82 = arith.constant 9984 : i32
        %dma_wait3A_83 = arith.constant 0 : i32
        %dma_wait3A_84 = tpu.memref_slice %arg5[%arg0, %dma_wait3A_82, %dma_wait3A_83] : memref<2x10000x64xf32, #tpu.memory_space<hbm>> -> memref<1x16x64xf32, #tpu.memory_space<hbm>>
        %dma_wait3A_85 = tpu.memref_squeeze %dma_wait3A_84 : memref<1x16x64xf32, #tpu.memory_space<hbm>> -> memref<16x64xf32, #tpu.memory_space<hbm>>
        %dma_wait3A_86 = arith.constant 9984 : i32
        %dma_wait3A_87 = arith.constant 0 : i32
        %dma_wait3A_88 = tpu.memref_slice %arg12[%dma_wait3A_86, %dma_wait3A_87] : memref<10000x64xf32, #tpu.memory_space<vmem_shared>> -> memref<16x64xf32, #tpu.memory_space<vmem_shared>>
        tpu.wait_dma2 semaphore(%run_scoped3A_74 : memref<!tpu.dma_semaphore, #tpu.memory_space<semaphore_mem>>) src(%dma_wait3A_88 : memref<16x64xf32, #tpu.memory_space<vmem_shared>>) dst(%dma_wait3A_85 : memref<16x64xf32, #tpu.memory_space<hbm>>)
        tpu.yield
      }) : () -> ()
    } else {
    }
    return
  }
}

#map = affine_map<(d0, d1) -> (0, 0)>
#map1 = affine_map<(d0, d1) -> (0, 0, 0, 0)>
#map2 = affine_map<(d0, d1) -> (0, 0, 0)>
module attributes {stable_mosaic.version = 14 : i64} {
  func.func @sc_seg_sum_128_cnt(%arg0: i32, %arg1: i32, %arg2: memref<10000x128xf32, #tpu.memory_space<hbm>>, %arg3: memref<2x32x125x80xi32, #tpu.memory_space<hbm>>, %arg4: memref<640x128xf32, #tpu.memory_space<hbm>>, %arg5: memref<640x8xf32, #tpu.memory_space<hbm>>, %arg6: memref<2x10000x128xf32, #tpu.memory_space<hbm>>, %arg7: memref<2x10000x8xf32, #tpu.memory_space<hbm>>, %arg8: memref<125x80xi32, #tpu.memory_space<vmem>>, %arg9: memref<125x80xi32, #tpu.memory_space<vmem>>, %arg10: memref<80x128xf32, #tpu.memory_space<vmem>>, %arg11: memref<80x128xf32, #tpu.memory_space<vmem>>, %arg12: memref<80x8xf32, #tpu.memory_space<vmem>>, %arg13: memref<10000x128xf32, #tpu.memory_space<vmem_shared>>, %arg14: memref<10000x8xf32, #tpu.memory_space<vmem_shared>>, %arg15: memref<!tpu.dma_semaphore, #tpu.memory_space<semaphore_mem>>, %arg16: memref<!tpu.dma_semaphore, #tpu.memory_space<semaphore_mem>>, %arg17: memref<!tpu.dma_semaphore, #tpu.memory_space<semaphore_mem>>) attributes {dimension_semantics = [#tpu.dimension_semantics<core_parallel>, #tpu.dimension_semantics<subcore_parallel>], iteration_bounds = array<i64: 2, 16>, scalar_prefetch = 0 : i64, scratch_operands = 10 : i64, tpu.core_type = #tpu.core_type<sc_vector_subcore>, window_params = [{transform_indices = #map}, {transform_indices = #map1}, {transform_indices = #map}, {transform_indices = #map}, {transform_indices = #map2}, {transform_indices = #map2}]} {
    %mul3A = arith.constant 16 : i32
    %mul3A_0 = arith.muli %arg0, %mul3A : i32
    %add3A = arith.addi %mul3A_0, %arg1 : i32
    %run_scoped3A = arith.constant 0 : i32
    "tpu.region"() ({
      %run_scoped3A_46 = tpu.sem_alloc : memref<!tpu.dma_semaphore, #tpu.memory_space<semaphore_mem>>
      %dma_start3A_47 = arith.constant 0 : i32
      %dma_start3A_48 = arith.constant 0 : i32
      %dma_start3A_49 = tpu.memref_slice %arg3[%run_scoped3A, %add3A, %dma_start3A_47, %dma_start3A_48] : memref<2x32x125x80xi32, #tpu.memory_space<hbm>> -> memref<1x1x125x80xi32, #tpu.memory_space<hbm>>
      %dma_start3A_50 = tpu.memref_squeeze %dma_start3A_49 : memref<1x1x125x80xi32, #tpu.memory_space<hbm>> -> memref<125x80xi32, #tpu.memory_space<hbm>>
      %dma_start3A_51 = arith.constant 0 : i32
      %dma_start3A_52 = arith.constant 0 : i32
      %dma_start3A_53 = tpu.memref_slice %arg3[%run_scoped3A, %add3A, %dma_start3A_51, %dma_start3A_52] : memref<2x32x125x80xi32, #tpu.memory_space<hbm>> -> memref<1x1x125x80xi32, #tpu.memory_space<hbm>>
      %dma_start3A_54 = tpu.memref_squeeze %dma_start3A_53 : memref<1x1x125x80xi32, #tpu.memory_space<hbm>> -> memref<125x80xi32, #tpu.memory_space<hbm>>
      tpu.enqueue_dma source(%dma_start3A_54 : memref<125x80xi32, #tpu.memory_space<hbm>>) target(%arg8 : memref<125x80xi32, #tpu.memory_space<vmem>>) target_semaphore(%run_scoped3A_46 : memref<!tpu.dma_semaphore, #tpu.memory_space<semaphore_mem>>)
      %dma_wait3A_55 = arith.constant 0 : i32
      %dma_wait3A_56 = arith.constant 0 : i32
      %dma_wait3A_57 = tpu.memref_slice %arg3[%run_scoped3A, %add3A, %dma_wait3A_55, %dma_wait3A_56] : memref<2x32x125x80xi32, #tpu.memory_space<hbm>> -> memref<1x1x125x80xi32, #tpu.memory_space<hbm>>
      %dma_wait3A_58 = tpu.memref_squeeze %dma_wait3A_57 : memref<1x1x125x80xi32, #tpu.memory_space<hbm>> -> memref<125x80xi32, #tpu.memory_space<hbm>>
      %dma_wait3A_59 = arith.constant 0 : i32
      %dma_wait3A_60 = arith.constant 0 : i32
      %dma_wait3A_61 = tpu.memref_slice %arg3[%run_scoped3A, %add3A, %dma_wait3A_59, %dma_wait3A_60] : memref<2x32x125x80xi32, #tpu.memory_space<hbm>> -> memref<1x1x125x80xi32, #tpu.memory_space<hbm>>
      %dma_wait3A_62 = tpu.memref_squeeze %dma_wait3A_61 : memref<1x1x125x80xi32, #tpu.memory_space<hbm>> -> memref<125x80xi32, #tpu.memory_space<hbm>>
      tpu.wait_dma2 semaphore(%run_scoped3A_46 : memref<!tpu.dma_semaphore, #tpu.memory_space<semaphore_mem>>) src(%dma_wait3A_62 : memref<125x80xi32, #tpu.memory_space<hbm>>) dst(%arg8 : memref<125x80xi32, #tpu.memory_space<vmem>>)
      tpu.yield
    }) : () -> ()
    %run_scoped3A_1 = arith.constant 1 : i32
    "tpu.region"() ({
      %run_scoped3A_46 = tpu.sem_alloc : memref<!tpu.dma_semaphore, #tpu.memory_space<semaphore_mem>>
      %dma_start3A_47 = arith.constant 0 : i32
      %dma_start3A_48 = arith.constant 0 : i32
      %dma_start3A_49 = tpu.memref_slice %arg3[%run_scoped3A_1, %add3A, %dma_start3A_47, %dma_start3A_48] : memref<2x32x125x80xi32, #tpu.memory_space<hbm>> -> memref<1x1x125x80xi32, #tpu.memory_space<hbm>>
      %dma_start3A_50 = tpu.memref_squeeze %dma_start3A_49 : memref<1x1x125x80xi32, #tpu.memory_space<hbm>> -> memref<125x80xi32, #tpu.memory_space<hbm>>
      %dma_start3A_51 = arith.constant 0 : i32
      %dma_start3A_52 = arith.constant 0 : i32
      %dma_start3A_53 = tpu.memref_slice %arg3[%run_scoped3A_1, %add3A, %dma_start3A_51, %dma_start3A_52] : memref<2x32x125x80xi32, #tpu.memory_space<hbm>> -> memref<1x1x125x80xi32, #tpu.memory_space<hbm>>
      %dma_start3A_54 = tpu.memref_squeeze %dma_start3A_53 : memref<1x1x125x80xi32, #tpu.memory_space<hbm>> -> memref<125x80xi32, #tpu.memory_space<hbm>>
      tpu.enqueue_dma source(%dma_start3A_54 : memref<125x80xi32, #tpu.memory_space<hbm>>) target(%arg9 : memref<125x80xi32, #tpu.memory_space<vmem>>) target_semaphore(%run_scoped3A_46 : memref<!tpu.dma_semaphore, #tpu.memory_space<semaphore_mem>>)
      %dma_wait3A_55 = arith.constant 0 : i32
      %dma_wait3A_56 = arith.constant 0 : i32
      %dma_wait3A_57 = tpu.memref_slice %arg3[%run_scoped3A_1, %add3A, %dma_wait3A_55, %dma_wait3A_56] : memref<2x32x125x80xi32, #tpu.memory_space<hbm>> -> memref<1x1x125x80xi32, #tpu.memory_space<hbm>>
      %dma_wait3A_58 = tpu.memref_squeeze %dma_wait3A_57 : memref<1x1x125x80xi32, #tpu.memory_space<hbm>> -> memref<125x80xi32, #tpu.memory_space<hbm>>
      %dma_wait3A_59 = arith.constant 0 : i32
      %dma_wait3A_60 = arith.constant 0 : i32
      %dma_wait3A_61 = tpu.memref_slice %arg3[%run_scoped3A_1, %add3A, %dma_wait3A_59, %dma_wait3A_60] : memref<2x32x125x80xi32, #tpu.memory_space<hbm>> -> memref<1x1x125x80xi32, #tpu.memory_space<hbm>>
      %dma_wait3A_62 = tpu.memref_squeeze %dma_wait3A_61 : memref<1x1x125x80xi32, #tpu.memory_space<hbm>> -> memref<125x80xi32, #tpu.memory_space<hbm>>
      tpu.wait_dma2 semaphore(%run_scoped3A_46 : memref<!tpu.dma_semaphore, #tpu.memory_space<semaphore_mem>>) src(%dma_wait3A_62 : memref<125x80xi32, #tpu.memory_space<hbm>>) dst(%arg9 : memref<125x80xi32, #tpu.memory_space<vmem>>)
      tpu.yield
    }) : () -> ()
    %mul3A_2 = arith.constant 624 : i32
    %mul3A_3 = arith.muli %arg1, %mul3A_2 : i32
    "tpu.region"() ({
      %run_scoped3A_46 = tpu.sem_alloc : memref<!tpu.dma_semaphore, #tpu.memory_space<semaphore_mem>>
      %dma_start3A_47 = arith.constant 0 : i32
      %dma_start3A_48 = tpu.memref_slice %arg13[%mul3A_3, %dma_start3A_47] : memref<10000x128xf32, #tpu.memory_space<vmem_shared>> -> memref<624x128xf32, #tpu.memory_space<vmem_shared>>
      %dma_start3A_49 = arith.constant 0 : i32
      %dma_start3A_50 = arith.constant 0 : i32
      %dma_start3A_51 = tpu.memref_slice %arg4[%dma_start3A_49, %dma_start3A_50] : memref<640x128xf32, #tpu.memory_space<hbm>> -> memref<624x128xf32, #tpu.memory_space<hbm>>
      tpu.enqueue_dma source(%dma_start3A_51 : memref<624x128xf32, #tpu.memory_space<hbm>>) target(%dma_start3A_48 : memref<624x128xf32, #tpu.memory_space<vmem_shared>>) target_semaphore(%run_scoped3A_46 : memref<!tpu.dma_semaphore, #tpu.memory_space<semaphore_mem>>)
      %dma_wait3A_52 = arith.constant 0 : i32
      %dma_wait3A_53 = tpu.memref_slice %arg13[%mul3A_3, %dma_wait3A_52] : memref<10000x128xf32, #tpu.memory_space<vmem_shared>> -> memref<624x128xf32, #tpu.memory_space<vmem_shared>>
      %dma_wait3A_54 = arith.constant 0 : i32
      %dma_wait3A_55 = arith.constant 0 : i32
      %dma_wait3A_56 = tpu.memref_slice %arg4[%dma_wait3A_54, %dma_wait3A_55] : memref<640x128xf32, #tpu.memory_space<hbm>> -> memref<624x128xf32, #tpu.memory_space<hbm>>
      tpu.wait_dma2 semaphore(%run_scoped3A_46 : memref<!tpu.dma_semaphore, #tpu.memory_space<semaphore_mem>>) src(%dma_wait3A_56 : memref<624x128xf32, #tpu.memory_space<hbm>>) dst(%dma_wait3A_53 : memref<624x128xf32, #tpu.memory_space<vmem_shared>>)
      tpu.yield
    }) : () -> ()
    "tpu.region"() ({
      %run_scoped3A_46 = tpu.sem_alloc : memref<!tpu.dma_semaphore, #tpu.memory_space<semaphore_mem>>
      %dma_start3A_47 = arith.constant 0 : i32
      %dma_start3A_48 = tpu.memref_slice %arg14[%mul3A_3, %dma_start3A_47] : memref<10000x8xf32, #tpu.memory_space<vmem_shared>> -> memref<624x8xf32, #tpu.memory_space<vmem_shared>>
      %dma_start3A_49 = arith.constant 0 : i32
      %dma_start3A_50 = arith.constant 0 : i32
      %dma_start3A_51 = tpu.memref_slice %arg5[%dma_start3A_49, %dma_start3A_50] : memref<640x8xf32, #tpu.memory_space<hbm>> -> memref<624x8xf32, #tpu.memory_space<hbm>>
      tpu.enqueue_dma source(%dma_start3A_51 : memref<624x8xf32, #tpu.memory_space<hbm>>) target(%dma_start3A_48 : memref<624x8xf32, #tpu.memory_space<vmem_shared>>) target_semaphore(%run_scoped3A_46 : memref<!tpu.dma_semaphore, #tpu.memory_space<semaphore_mem>>)
      %dma_wait3A_52 = arith.constant 0 : i32
      %dma_wait3A_53 = tpu.memref_slice %arg14[%mul3A_3, %dma_wait3A_52] : memref<10000x8xf32, #tpu.memory_space<vmem_shared>> -> memref<624x8xf32, #tpu.memory_space<vmem_shared>>
      %dma_wait3A_54 = arith.constant 0 : i32
      %dma_wait3A_55 = arith.constant 0 : i32
      %dma_wait3A_56 = tpu.memref_slice %arg5[%dma_wait3A_54, %dma_wait3A_55] : memref<640x8xf32, #tpu.memory_space<hbm>> -> memref<624x8xf32, #tpu.memory_space<hbm>>
      tpu.wait_dma2 semaphore(%run_scoped3A_46 : memref<!tpu.dma_semaphore, #tpu.memory_space<semaphore_mem>>) src(%dma_wait3A_56 : memref<624x8xf32, #tpu.memory_space<hbm>>) dst(%dma_wait3A_53 : memref<624x8xf32, #tpu.memory_space<vmem_shared>>)
      tpu.yield
    }) : () -> ()
    %scan3A = arith.constant 0 : i32
    %scan3A_4 = arith.constant 80 : i32
    %scan3A_5 = arith.addi %scan3A, %scan3A_4 : i32
    %scan3A_6 = arith.constant 1 : i32
    scf.for %scan3A_46 = %scan3A to %scan3A_5 step %scan3A_6  : i32 {
      %broadcast_in_dim3A = arith.constant 1.000000e+00 : f32
      %broadcast_in_dim3A_47 = vector.broadcast %broadcast_in_dim3A : f32 to vector<8xf32>
      %swap3A = arith.index_cast %scan3A_46 : i32 to index
      %swap3A_48 = arith.constant 0 : index
      %swap3A_49 = tpu.vector_load %arg12[%swap3A, %swap3A_48] {strides = array<i32>} : memref<80x8xf32, #tpu.memory_space<vmem>>, vector<1x8xf32>,
      %swap3A_50 = vector.shape_cast %swap3A_49 : vector<1x8xf32> to vector<8xf32>
      %swap3A_51 = vector.shape_cast %broadcast_in_dim3A_47 : vector<8xf32> to vector<1x8xf32>
      tpu.vector_store %arg12[%swap3A, %swap3A_48], %swap3A_51 {strides = array<i32>} : memref<80x8xf32, #tpu.memory_space<vmem>>, vector<1x8xf32>,
    }
    %scan3A_7 = arith.constant 80 : i32
    %eq3A = arith.constant 0 : i32
    %eq3A_8 = arith.cmpi eq, %arg1, %eq3A : i32
    %convert_element_type3A = arith.extui %eq3A_8 : i1 to i32
    %cond3A = arith.constant 0 : i32
    %cond3A_9 = arith.cmpi ne, %convert_element_type3A, %cond3A : i32
    scf.if %cond3A_9 {
      "tpu.region"() ({
        %run_scoped3A_46 = tpu.sem_alloc : memref<!tpu.dma_semaphore, #tpu.memory_space<semaphore_mem>>
        %dma_start3A_47 = arith.constant 9984 : i32
        %dma_start3A_48 = arith.constant 0 : i32
        %dma_start3A_49 = tpu.memref_slice %arg13[%dma_start3A_47, %dma_start3A_48] : memref<10000x128xf32, #tpu.memory_space<vmem_shared>> -> memref<16x128xf32, #tpu.memory_space<vmem_shared>>
        %dma_start3A_50 = arith.constant 624 : i32
        %dma_start3A_51 = arith.constant 0 : i32
        %dma_start3A_52 = tpu.memref_slice %arg4[%dma_start3A_50, %dma_start3A_51] : memref<640x128xf32, #tpu.memory_space<hbm>> -> memref<16x128xf32, #tpu.memory_space<hbm>>
        tpu.enqueue_dma source(%dma_start3A_52 : memref<16x128xf32, #tpu.memory_space<hbm>>) target(%dma_start3A_49 : memref<16x128xf32, #tpu.memory_space<vmem_shared>>) target_semaphore(%run_scoped3A_46 : memref<!tpu.dma_semaphore, #tpu.memory_space<semaphore_mem>>)
        %dma_wait3A_53 = arith.constant 9984 : i32
        %dma_wait3A_54 = arith.constant 0 : i32
        %dma_wait3A_55 = tpu.memref_slice %arg13[%dma_wait3A_53, %dma_wait3A_54] : memref<10000x128xf32, #tpu.memory_space<vmem_shared>> -> memref<16x128xf32, #tpu.memory_space<vmem_shared>>
        %dma_wait3A_56 = arith.constant 624 : i32
        %dma_wait3A_57 = arith.constant 0 : i32
        %dma_wait3A_58 = tpu.memref_slice %arg4[%dma_wait3A_56, %dma_wait3A_57] : memref<640x128xf32, #tpu.memory_space<hbm>> -> memref<16x128xf32, #tpu.memory_space<hbm>>
        tpu.wait_dma2 semaphore(%run_scoped3A_46 : memref<!tpu.dma_semaphore, #tpu.memory_space<semaphore_mem>>) src(%dma_wait3A_58 : memref<16x128xf32, #tpu.memory_space<hbm>>) dst(%dma_wait3A_55 : memref<16x128xf32, #tpu.memory_space<vmem_shared>>)
        tpu.yield
      }) : () -> ()
      "tpu.region"() ({
        %run_scoped3A_46 = tpu.sem_alloc : memref<!tpu.dma_semaphore, #tpu.memory_space<semaphore_mem>>
        %dma_start3A_47 = arith.constant 9984 : i32
        %dma_start3A_48 = arith.constant 0 : i32
        %dma_start3A_49 = tpu.memref_slice %arg14[%dma_start3A_47, %dma_start3A_48] : memref<10000x8xf32, #tpu.memory_space<vmem_shared>> -> memref<16x8xf32, #tpu.memory_space<vmem_shared>>
        %dma_start3A_50 = arith.constant 624 : i32
        %dma_start3A_51 = arith.constant 0 : i32
        %dma_start3A_52 = tpu.memref_slice %arg5[%dma_start3A_50, %dma_start3A_51] : memref<640x8xf32, #tpu.memory_space<hbm>> -> memref<16x8xf32, #tpu.memory_space<hbm>>
        tpu.enqueue_dma source(%dma_start3A_52 : memref<16x8xf32, #tpu.memory_space<hbm>>) target(%dma_start3A_49 : memref<16x8xf32, #tpu.memory_space<vmem_shared>>) target_semaphore(%run_scoped3A_46 : memref<!tpu.dma_semaphore, #tpu.memory_space<semaphore_mem>>)
        %dma_wait3A_53 = arith.constant 9984 : i32
        %dma_wait3A_54 = arith.constant 0 : i32
        %dma_wait3A_55 = tpu.memref_slice %arg14[%dma_wait3A_53, %dma_wait3A_54] : memref<10000x8xf32, #tpu.memory_space<vmem_shared>> -> memref<16x8xf32, #tpu.memory_space<vmem_shared>>
        %dma_wait3A_56 = arith.constant 624 : i32
        %dma_wait3A_57 = arith.constant 0 : i32
        %dma_wait3A_58 = tpu.memref_slice %arg5[%dma_wait3A_56, %dma_wait3A_57] : memref<640x8xf32, #tpu.memory_space<hbm>> -> memref<16x8xf32, #tpu.memory_space<hbm>>
        tpu.wait_dma2 semaphore(%run_scoped3A_46 : memref<!tpu.dma_semaphore, #tpu.memory_space<semaphore_mem>>) src(%dma_wait3A_58 : memref<16x8xf32, #tpu.memory_space<hbm>>) dst(%dma_wait3A_55 : memref<16x8xf32, #tpu.memory_space<vmem_shared>>)
        tpu.yield
      }) : () -> ()
    } else {
    }
    %barrier3A = arith.constant 0 : index
    tpu.barrier barrier_id(%barrier3A)
    %dma_start3A = arith.constant 0 : i32
    %dma_start3A_10 = arith.constant 0 : i32
    %dma_start3A_11 = tpu.memref_slice %arg8[%dma_start3A, %dma_start3A_10] : memref<125x80xi32, #tpu.memory_space<vmem>> -> memref<1x80xi32, #tpu.memory_space<vmem>>
    %dma_start3A_12 = tpu.memref_squeeze %dma_start3A_11 : memref<1x80xi32, #tpu.memory_space<vmem>> -> memref<80xi32, #tpu.memory_space<vmem>>
    %dma_start3A_13 = arith.constant 0 : i32
    %dma_start3A_14 = arith.constant 0 : i32
    %dma_start3A_15 = tpu.memref_slice %arg2[%dma_start3A_13, %dma_start3A_14] : memref<10000x128xf32, #tpu.memory_space<hbm>> -> memref<10000x128xf32, #tpu.memory_space<hbm>>
    tpu.enqueue_indirect_dma source(%dma_start3A_15 : memref<10000x128xf32, #tpu.memory_space<hbm>>) target(%arg10 : memref<80x128xf32, #tpu.memory_space<vmem>>) offsets(%dma_start3A_12 : memref<80xi32, #tpu.memory_space<vmem>>) semaphore(%arg15 : memref<!tpu.dma_semaphore, #tpu.memory_space<semaphore_mem>>)
    %scan3A_16 = arith.constant 0 : i32
    %scan3A_17 = arith.constant 62 : i32
    %scan3A_18 = arith.addi %scan3A_16, %scan3A_17 : i32
    %scan3A_19 = arith.constant 1 : i32
    scf.for %scan3A_46 = %scan3A_16 to %scan3A_18 step %scan3A_19  : i32 {
      %mul3A_47 = arith.constant 2 : i32
      %mul3A_48 = arith.muli %mul3A_47, %scan3A_46 : i32
      %add3A_49 = arith.constant 1 : i32
      %add3A_50 = arith.addi %mul3A_48, %add3A_49 : i32
      %dma_start3A_51 = arith.constant 0 : i32
      %dma_start3A_52 = tpu.memref_slice %arg8[%add3A_50, %dma_start3A_51] : memref<125x80xi32, #tpu.memory_space<vmem>> -> memref<1x80xi32, #tpu.memory_space<vmem>>
      %dma_start3A_53 = tpu.memref_squeeze %dma_start3A_52 : memref<1x80xi32, #tpu.memory_space<vmem>> -> memref<80xi32, #tpu.memory_space<vmem>>
      %dma_start3A_54 = arith.constant 0 : i32
      %dma_start3A_55 = arith.constant 0 : i32
      %dma_start3A_56 = tpu.memref_slice %arg2[%dma_start3A_54, %dma_start3A_55] : memref<10000x128xf32, #tpu.memory_space<hbm>> -> memref<10000x128xf32, #tpu.memory_space<hbm>>
      tpu.enqueue_indirect_dma source(%dma_start3A_56 : memref<10000x128xf32, #tpu.memory_space<hbm>>) target(%arg11 : memref<80x128xf32, #tpu.memory_space<vmem>>) offsets(%dma_start3A_53 : memref<80xi32, #tpu.memory_space<vmem>>) semaphore(%arg16 : memref<!tpu.dma_semaphore, #tpu.memory_space<semaphore_mem>>)
      %dma_wait3A_57 = arith.constant 0 : i32
      %dma_wait3A_58 = tpu.memref_slice %arg8[%mul3A_48, %dma_wait3A_57] : memref<125x80xi32, #tpu.memory_space<vmem>> -> memref<1x80xi32, #tpu.memory_space<vmem>>
      %dma_wait3A_59 = tpu.memref_squeeze %dma_wait3A_58 : memref<1x80xi32, #tpu.memory_space<vmem>> -> memref<80xi32, #tpu.memory_space<vmem>>
      %dma_wait3A_60 = arith.constant 0 : i32
      %dma_wait3A_61 = arith.constant 0 : i32
      %dma_wait3A_62 = tpu.memref_slice %arg2[%dma_wait3A_60, %dma_wait3A_61] : memref<10000x128xf32, #tpu.memory_space<hbm>> -> memref<10000x128xf32, #tpu.memory_space<hbm>>
      tpu.wait_indirect_dma semaphore(%arg15 : memref<!tpu.dma_semaphore, #tpu.memory_space<semaphore_mem>>) src(%dma_wait3A_62 : memref<10000x128xf32, #tpu.memory_space<hbm>>) dst(%arg10 : memref<80x128xf32, #tpu.memory_space<vmem>>)
      "tpu.region"() ({
        %run_scoped3A_91 = tpu.sem_alloc : memref<!tpu.dma_semaphore, #tpu.memory_space<semaphore_mem>>
        %dma_start3A_92 = arith.constant 0 : i32
        %dma_start3A_93 = tpu.memref_slice %arg9[%mul3A_48, %dma_start3A_92] : memref<125x80xi32, #tpu.memory_space<vmem>> -> memref<1x80xi32, #tpu.memory_space<vmem>>
        %dma_start3A_94 = tpu.memref_squeeze %dma_start3A_93 : memref<1x80xi32, #tpu.memory_space<vmem>> -> memref<80xi32, #tpu.memory_space<vmem>>
        %dma_start3A_95 = arith.constant 0 : i32
        %dma_start3A_96 = arith.constant 0 : i32
        %dma_start3A_97 = tpu.memref_slice %arg13[%dma_start3A_95, %dma_start3A_96] : memref<10000x128xf32, #tpu.memory_space<vmem_shared>> -> memref<10000x128xf32, #tpu.memory_space<vmem_shared>>
        tpu.enqueue_indirect_dma source(%arg10 : memref<80x128xf32, #tpu.memory_space<vmem>>) target(%dma_start3A_97 : memref<10000x128xf32, #tpu.memory_space<vmem_shared>>) offsets(%dma_start3A_94 : memref<80xi32, #tpu.memory_space<vmem>>) semaphore(%run_scoped3A_91 : memref<!tpu.dma_semaphore, #tpu.memory_space<semaphore_mem>>) {add = true}
        %dma_wait3A_98 = arith.constant 0 : i32
        %dma_wait3A_99 = tpu.memref_slice %arg9[%mul3A_48, %dma_wait3A_98] : memref<125x80xi32, #tpu.memory_space<vmem>> -> memref<1x80xi32, #tpu.memory_space<vmem>>
        %dma_wait3A_100 = tpu.memref_squeeze %dma_wait3A_99 : memref<1x80xi32, #tpu.memory_space<vmem>> -> memref<80xi32, #tpu.memory_space<vmem>>
        %dma_wait3A_101 = arith.constant 0 : i32
        %dma_wait3A_102 = arith.constant 0 : i32
        %dma_wait3A_103 = tpu.memref_slice %arg13[%dma_wait3A_101, %dma_wait3A_102] : memref<10000x128xf32, #tpu.memory_space<vmem_shared>> -> memref<10000x128xf32, #tpu.memory_space<vmem_shared>>
        tpu.wait_indirect_dma semaphore(%run_scoped3A_91 : memref<!tpu.dma_semaphore, #tpu.memory_space<semaphore_mem>>) src(%arg10 : memref<80x128xf32, #tpu.memory_space<vmem>>) dst(%dma_wait3A_103 : memref<10000x128xf32, #tpu.memory_space<vmem_shared>>)
        tpu.yield
      }) : () -> ()
      %dma_start3A_63 = arith.constant 0 : i32
      %dma_start3A_64 = tpu.memref_slice %arg9[%mul3A_48, %dma_start3A_63] : memref<125x80xi32, #tpu.memory_space<vmem>> -> memref<1x80xi32, #tpu.memory_space<vmem>>
      %dma_start3A_65 = tpu.memref_squeeze %dma_start3A_64 : memref<1x80xi32, #tpu.memory_space<vmem>> -> memref<80xi32, #tpu.memory_space<vmem>>
      %dma_start3A_66 = arith.constant 0 : i32
      %dma_start3A_67 = arith.constant 0 : i32
      %dma_start3A_68 = tpu.memref_slice %arg14[%dma_start3A_66, %dma_start3A_67] : memref<10000x8xf32, #tpu.memory_space<vmem_shared>> -> memref<10000x8xf32, #tpu.memory_space<vmem_shared>>
      tpu.enqueue_indirect_dma source(%arg12 : memref<80x8xf32, #tpu.memory_space<vmem>>) target(%dma_start3A_68 : memref<10000x8xf32, #tpu.memory_space<vmem_shared>>) offsets(%dma_start3A_65 : memref<80xi32, #tpu.memory_space<vmem>>) semaphore(%arg17 : memref<!tpu.dma_semaphore, #tpu.memory_space<semaphore_mem>>) {add = true}
      %add3A_69 = arith.constant 2 : i32
      %add3A_70 = arith.addi %mul3A_48, %add3A_69 : i32
      %dma_start3A_71 = arith.constant 0 : i32
      %dma_start3A_72 = tpu.memref_slice %arg8[%add3A_70, %dma_start3A_71] : memref<125x80xi32, #tpu.memory_space<vmem>> -> memref<1x80xi32, #tpu.memory_space<vmem>>
      %dma_start3A_73 = tpu.memref_squeeze %dma_start3A_72 : memref<1x80xi32, #tpu.memory_space<vmem>> -> memref<80xi32, #tpu.memory_space<vmem>>
      %dma_start3A_74 = arith.constant 0 : i32
      %dma_start3A_75 = arith.constant 0 : i32
      %dma_start3A_76 = tpu.memref_slice %arg2[%dma_start3A_74, %dma_start3A_75] : memref<10000x128xf32, #tpu.memory_space<hbm>> -> memref<10000x128xf32, #tpu.memory_space<hbm>>
      tpu.enqueue_indirect_dma source(%dma_start3A_76 : memref<10000x128xf32, #tpu.memory_space<hbm>>) target(%arg10 : memref<80x128xf32, #tpu.memory_space<vmem>>) offsets(%dma_start3A_73 : memref<80xi32, #tpu.memory_space<vmem>>) semaphore(%arg15 : memref<!tpu.dma_semaphore, #tpu.memory_space<semaphore_mem>>)
      %add3A_77 = arith.constant 1 : i32
      %add3A_78 = arith.addi %mul3A_48, %add3A_77 : i32
      %dma_wait3A_79 = arith.constant 0 : i32
      %dma_wait3A_80 = tpu.memref_slice %arg8[%add3A_78, %dma_wait3A_79] : memref<125x80xi32, #tpu.memory_space<vmem>> -> memref<1x80xi32, #tpu.memory_space<vmem>>
      %dma_wait3A_81 = tpu.memref_squeeze %dma_wait3A_80 : memref<1x80xi32, #tpu.memory_space<vmem>> -> memref<80xi32, #tpu.memory_space<vmem>>
      %dma_wait3A_82 = arith.constant 0 : i32
      %dma_wait3A_83 = arith.constant 0 : i32
      %dma_wait3A_84 = tpu.memref_slice %arg2[%dma_wait3A_82, %dma_wait3A_83] : memref<10000x128xf32, #tpu.memory_space<hbm>> -> memref<10000x128xf32, #tpu.memory_space<hbm>>
      tpu.wait_indirect_dma semaphore(%arg16 : memref<!tpu.dma_semaphore, #tpu.memory_space<semaphore_mem>>) src(%dma_wait3A_84 : memref<10000x128xf32, #tpu.memory_space<hbm>>) dst(%arg11 : memref<80x128xf32, #tpu.memory_space<vmem>>)
      "tpu.region"() ({
        %run_scoped3A_91 = tpu.sem_alloc : memref<!tpu.dma_semaphore, #tpu.memory_space<semaphore_mem>>
        %dma_start3A_92 = arith.constant 0 : i32
        %dma_start3A_93 = tpu.memref_slice %arg9[%add3A_78, %dma_start3A_92] : memref<125x80xi32, #tpu.memory_space<vmem>> -> memref<1x80xi32, #tpu.memory_space<vmem>>
        %dma_start3A_94 = tpu.memref_squeeze %dma_start3A_93 : memref<1x80xi32, #tpu.memory_space<vmem>> -> memref<80xi32, #tpu.memory_space<vmem>>
        %dma_start3A_95 = arith.constant 0 : i32
        %dma_start3A_96 = arith.constant 0 : i32
        %dma_start3A_97 = tpu.memref_slice %arg13[%dma_start3A_95, %dma_start3A_96] : memref<10000x128xf32, #tpu.memory_space<vmem_shared>> -> memref<10000x128xf32, #tpu.memory_space<vmem_shared>>
        tpu.enqueue_indirect_dma source(%arg11 : memref<80x128xf32, #tpu.memory_space<vmem>>) target(%dma_start3A_97 : memref<10000x128xf32, #tpu.memory_space<vmem_shared>>) offsets(%dma_start3A_94 : memref<80xi32, #tpu.memory_space<vmem>>) semaphore(%run_scoped3A_91 : memref<!tpu.dma_semaphore, #tpu.memory_space<semaphore_mem>>) {add = true}
        %dma_wait3A_98 = arith.constant 0 : i32
        %dma_wait3A_99 = tpu.memref_slice %arg9[%add3A_78, %dma_wait3A_98] : memref<125x80xi32, #tpu.memory_space<vmem>> -> memref<1x80xi32, #tpu.memory_space<vmem>>
        %dma_wait3A_100 = tpu.memref_squeeze %dma_wait3A_99 : memref<1x80xi32, #tpu.memory_space<vmem>> -> memref<80xi32, #tpu.memory_space<vmem>>
        %dma_wait3A_101 = arith.constant 0 : i32
        %dma_wait3A_102 = arith.constant 0 : i32
        %dma_wait3A_103 = tpu.memref_slice %arg13[%dma_wait3A_101, %dma_wait3A_102] : memref<10000x128xf32, #tpu.memory_space<vmem_shared>> -> memref<10000x128xf32, #tpu.memory_space<vmem_shared>>
        tpu.wait_indirect_dma semaphore(%run_scoped3A_91 : memref<!tpu.dma_semaphore, #tpu.memory_space<semaphore_mem>>) src(%arg11 : memref<80x128xf32, #tpu.memory_space<vmem>>) dst(%dma_wait3A_103 : memref<10000x128xf32, #tpu.memory_space<vmem_shared>>)
        tpu.yield
      }) : () -> ()
      %dma_start3A_85 = arith.constant 0 : i32
      %dma_start3A_86 = tpu.memref_slice %arg9[%add3A_78, %dma_start3A_85] : memref<125x80xi32, #tpu.memory_space<vmem>> -> memref<1x80xi32, #tpu.memory_space<vmem>>
      %dma_start3A_87 = tpu.memref_squeeze %dma_start3A_86 : memref<1x80xi32, #tpu.memory_space<vmem>> -> memref<80xi32, #tpu.memory_space<vmem>>
      %dma_start3A_88 = arith.constant 0 : i32
      %dma_start3A_89 = arith.constant 0 : i32
      %dma_start3A_90 = tpu.memref_slice %arg14[%dma_start3A_88, %dma_start3A_89] : memref<10000x8xf32, #tpu.memory_space<vmem_shared>> -> memref<10000x8xf32, #tpu.memory_space<vmem_shared>>
      tpu.enqueue_indirect_dma source(%arg12 : memref<80x8xf32, #tpu.memory_space<vmem>>) target(%dma_start3A_90 : memref<10000x8xf32, #tpu.memory_space<vmem_shared>>) offsets(%dma_start3A_87 : memref<80xi32, #tpu.memory_space<vmem>>) semaphore(%arg17 : memref<!tpu.dma_semaphore, #tpu.memory_space<semaphore_mem>>) {add = true}
    }
    %scan3A_20 = arith.constant 62 : i32
    %dma_wait3A = arith.constant 124 : i32
    %dma_wait3A_21 = arith.constant 0 : i32
    %dma_wait3A_22 = tpu.memref_slice %arg8[%dma_wait3A, %dma_wait3A_21] : memref<125x80xi32, #tpu.memory_space<vmem>> -> memref<1x80xi32, #tpu.memory_space<vmem>>
    %dma_wait3A_23 = tpu.memref_squeeze %dma_wait3A_22 : memref<1x80xi32, #tpu.memory_space<vmem>> -> memref<80xi32, #tpu.memory_space<vmem>>
    %dma_wait3A_24 = arith.constant 0 : i32
    %dma_wait3A_25 = arith.constant 0 : i32
    %dma_wait3A_26 = tpu.memref_slice %arg2[%dma_wait3A_24, %dma_wait3A_25] : memref<10000x128xf32, #tpu.memory_space<hbm>> -> memref<10000x128xf32, #tpu.memory_space<hbm>>
    tpu.wait_indirect_dma semaphore(%arg15 : memref<!tpu.dma_semaphore, #tpu.memory_space<semaphore_mem>>) src(%dma_wait3A_26 : memref<10000x128xf32, #tpu.memory_space<hbm>>) dst(%arg10 : memref<80x128xf32, #tpu.memory_space<vmem>>)
    %run_scoped3A_27 = arith.constant 124 : i32
    "tpu.region"() ({
      %run_scoped3A_46 = tpu.sem_alloc : memref<!tpu.dma_semaphore, #tpu.memory_space<semaphore_mem>>
      %dma_start3A_47 = arith.constant 0 : i32
      %dma_start3A_48 = tpu.memref_slice %arg9[%run_scoped3A_27, %dma_start3A_47] : memref<125x80xi32, #tpu.memory_space<vmem>> -> memref<1x80xi32, #tpu.memory_space<vmem>>
      %dma_start3A_49 = tpu.memref_squeeze %dma_start3A_48 : memref<1x80xi32, #tpu.memory_space<vmem>> -> memref<80xi32, #tpu.memory_space<vmem>>
      %dma_start3A_50 = arith.constant 0 : i32
      %dma_start3A_51 = arith.constant 0 : i32
      %dma_start3A_52 = tpu.memref_slice %arg13[%dma_start3A_50, %dma_start3A_51] : memref<10000x128xf32, #tpu.memory_space<vmem_shared>> -> memref<10000x128xf32, #tpu.memory_space<vmem_shared>>
      tpu.enqueue_indirect_dma source(%arg10 : memref<80x128xf32, #tpu.memory_space<vmem>>) target(%dma_start3A_52 : memref<10000x128xf32, #tpu.memory_space<vmem_shared>>) offsets(%dma_start3A_49 : memref<80xi32, #tpu.memory_space<vmem>>) semaphore(%run_scoped3A_46 : memref<!tpu.dma_semaphore, #tpu.memory_space<semaphore_mem>>) {add = true}
      %dma_wait3A_53 = arith.constant 0 : i32
      %dma_wait3A_54 = tpu.memref_slice %arg9[%run_scoped3A_27, %dma_wait3A_53] : memref<125x80xi32, #tpu.memory_space<vmem>> -> memref<1x80xi32, #tpu.memory_space<vmem>>
      %dma_wait3A_55 = tpu.memref_squeeze %dma_wait3A_54 : memref<1x80xi32, #tpu.memory_space<vmem>> -> memref<80xi32, #tpu.memory_space<vmem>>
      %dma_wait3A_56 = arith.constant 0 : i32
      %dma_wait3A_57 = arith.constant 0 : i32
      %dma_wait3A_58 = tpu.memref_slice %arg13[%dma_wait3A_56, %dma_wait3A_57] : memref<10000x128xf32, #tpu.memory_space<vmem_shared>> -> memref<10000x128xf32, #tpu.memory_space<vmem_shared>>
      tpu.wait_indirect_dma semaphore(%run_scoped3A_46 : memref<!tpu.dma_semaphore, #tpu.memory_space<semaphore_mem>>) src(%arg10 : memref<80x128xf32, #tpu.memory_space<vmem>>) dst(%dma_wait3A_58 : memref<10000x128xf32, #tpu.memory_space<vmem_shared>>)
      tpu.yield
    }) : () -> ()
    %dma_start3A_28 = arith.constant 124 : i32
    %dma_start3A_29 = arith.constant 0 : i32
    %dma_start3A_30 = tpu.memref_slice %arg9[%dma_start3A_28, %dma_start3A_29] : memref<125x80xi32, #tpu.memory_space<vmem>> -> memref<1x80xi32, #tpu.memory_space<vmem>>
    %dma_start3A_31 = tpu.memref_squeeze %dma_start3A_30 : memref<1x80xi32, #tpu.memory_space<vmem>> -> memref<80xi32, #tpu.memory_space<vmem>>
    %dma_start3A_32 = arith.constant 0 : i32
    %dma_start3A_33 = arith.constant 0 : i32
    %dma_start3A_34 = tpu.memref_slice %arg14[%dma_start3A_32, %dma_start3A_33] : memref<10000x8xf32, #tpu.memory_space<vmem_shared>> -> memref<10000x8xf32, #tpu.memory_space<vmem_shared>>
    tpu.enqueue_indirect_dma source(%arg12 : memref<80x8xf32, #tpu.memory_space<vmem>>) target(%dma_start3A_34 : memref<10000x8xf32, #tpu.memory_space<vmem_shared>>) offsets(%dma_start3A_31 : memref<80xi32, #tpu.memory_space<vmem>>) semaphore(%arg17 : memref<!tpu.dma_semaphore, #tpu.memory_space<semaphore_mem>>) {add = true}
    %scan3A_35 = arith.constant 0 : i32
    %scan3A_36 = arith.constant 125 : i32
    %scan3A_37 = arith.addi %scan3A_35, %scan3A_36 : i32
    %scan3A_38 = arith.constant 1 : i32
    scf.for %scan3A_46 = %scan3A_35 to %scan3A_37 step %scan3A_38  : i32 {
      %dma_wait3A_47 = arith.constant 0 : i32
      %dma_wait3A_48 = arith.constant 0 : i32
      %dma_wait3A_49 = tpu.memref_slice %arg9[%dma_wait3A_47, %dma_wait3A_48] : memref<125x80xi32, #tpu.memory_space<vmem>> -> memref<1x80xi32, #tpu.memory_space<vmem>>
      %dma_wait3A_50 = tpu.memref_squeeze %dma_wait3A_49 : memref<1x80xi32, #tpu.memory_space<vmem>> -> memref<80xi32, #tpu.memory_space<vmem>>
      %dma_wait3A_51 = arith.constant 0 : i32
      %dma_wait3A_52 = arith.constant 0 : i32
      %dma_wait3A_53 = tpu.memref_slice %arg14[%dma_wait3A_51, %dma_wait3A_52] : memref<10000x8xf32, #tpu.memory_space<vmem_shared>> -> memref<10000x8xf32, #tpu.memory_space<vmem_shared>>
      tpu.wait_indirect_dma semaphore(%arg17 : memref<!tpu.dma_semaphore, #tpu.memory_space<semaphore_mem>>) src(%arg12 : memref<80x8xf32, #tpu.memory_space<vmem>>) dst(%dma_wait3A_53 : memref<10000x8xf32, #tpu.memory_space<vmem_shared>>)
    }
    %scan3A_39 = arith.constant 125 : i32
    %barrier3A_40 = arith.constant 0 : index
    tpu.barrier barrier_id(%barrier3A_40)
    "tpu.region"() ({
      %run_scoped3A_46 = tpu.sem_alloc : memref<!tpu.dma_semaphore, #tpu.memory_space<semaphore_mem>>
      %dma_start3A_47 = arith.constant 0 : i32
      %dma_start3A_48 = tpu.memref_slice %arg6[%arg0, %mul3A_3, %dma_start3A_47] : memref<2x10000x128xf32, #tpu.memory_space<hbm>> -> memref<1x624x128xf32, #tpu.memory_space<hbm>>
      %dma_start3A_49 = tpu.memref_squeeze %dma_start3A_48 : memref<1x624x128xf32, #tpu.memory_space<hbm>> -> memref<624x128xf32, #tpu.memory_space<hbm>>
      %dma_start3A_50 = arith.constant 0 : i32
      %dma_start3A_51 = tpu.memref_slice %arg13[%mul3A_3, %dma_start3A_50] : memref<10000x128xf32, #tpu.memory_space<vmem_shared>> -> memref<624x128xf32, #tpu.memory_space<vmem_shared>>
      tpu.enqueue_dma source(%dma_start3A_51 : memref<624x128xf32, #tpu.memory_space<vmem_shared>>) target(%dma_start3A_49 : memref<624x128xf32, #tpu.memory_space<hbm>>) target_semaphore(%run_scoped3A_46 : memref<!tpu.dma_semaphore, #tpu.memory_space<semaphore_mem>>)
      %dma_wait3A_52 = arith.constant 0 : i32
      %dma_wait3A_53 = tpu.memref_slice %arg6[%arg0, %mul3A_3, %dma_wait3A_52] : memref<2x10000x128xf32, #tpu.memory_space<hbm>> -> memref<1x624x128xf32, #tpu.memory_space<hbm>>
      %dma_wait3A_54 = tpu.memref_squeeze %dma_wait3A_53 : memref<1x624x128xf32, #tpu.memory_space<hbm>> -> memref<624x128xf32, #tpu.memory_space<hbm>>
      %dma_wait3A_55 = arith.constant 0 : i32
      %dma_wait3A_56 = tpu.memref_slice %arg13[%mul3A_3, %dma_wait3A_55] : memref<10000x128xf32, #tpu.memory_space<vmem_shared>> -> memref<624x128xf32, #tpu.memory_space<vmem_shared>>
      tpu.wait_dma2 semaphore(%run_scoped3A_46 : memref<!tpu.dma_semaphore, #tpu.memory_space<semaphore_mem>>) src(%dma_wait3A_56 : memref<624x128xf32, #tpu.memory_space<vmem_shared>>) dst(%dma_wait3A_54 : memref<624x128xf32, #tpu.memory_space<hbm>>)
      tpu.yield
    }) : () -> ()
    "tpu.region"() ({
      %run_scoped3A_46 = tpu.sem_alloc : memref<!tpu.dma_semaphore, #tpu.memory_space<semaphore_mem>>
      %dma_start3A_47 = arith.constant 0 : i32
      %dma_start3A_48 = tpu.memref_slice %arg7[%arg0, %mul3A_3, %dma_start3A_47] : memref<2x10000x8xf32, #tpu.memory_space<hbm>> -> memref<1x624x8xf32, #tpu.memory_space<hbm>>
      %dma_start3A_49 = tpu.memref_squeeze %dma_start3A_48 : memref<1x624x8xf32, #tpu.memory_space<hbm>> -> memref<624x8xf32, #tpu.memory_space<hbm>>
      %dma_start3A_50 = arith.constant 0 : i32
      %dma_start3A_51 = tpu.memref_slice %arg14[%mul3A_3, %dma_start3A_50] : memref<10000x8xf32, #tpu.memory_space<vmem_shared>> -> memref<624x8xf32, #tpu.memory_space<vmem_shared>>
      tpu.enqueue_dma source(%dma_start3A_51 : memref<624x8xf32, #tpu.memory_space<vmem_shared>>) target(%dma_start3A_49 : memref<624x8xf32, #tpu.memory_space<hbm>>) target_semaphore(%run_scoped3A_46 : memref<!tpu.dma_semaphore, #tpu.memory_space<semaphore_mem>>)
      %dma_wait3A_52 = arith.constant 0 : i32
      %dma_wait3A_53 = tpu.memref_slice %arg7[%arg0, %mul3A_3, %dma_wait3A_52] : memref<2x10000x8xf32, #tpu.memory_space<hbm>> -> memref<1x624x8xf32, #tpu.memory_space<hbm>>
      %dma_wait3A_54 = tpu.memref_squeeze %dma_wait3A_53 : memref<1x624x8xf32, #tpu.memory_space<hbm>> -> memref<624x8xf32, #tpu.memory_space<hbm>>
      %dma_wait3A_55 = arith.constant 0 : i32
      %dma_wait3A_56 = tpu.memref_slice %arg14[%mul3A_3, %dma_wait3A_55] : memref<10000x8xf32, #tpu.memory_space<vmem_shared>> -> memref<624x8xf32, #tpu.memory_space<vmem_shared>>
      tpu.wait_dma2 semaphore(%run_scoped3A_46 : memref<!tpu.dma_semaphore, #tpu.memory_space<semaphore_mem>>) src(%dma_wait3A_56 : memref<624x8xf32, #tpu.memory_space<vmem_shared>>) dst(%dma_wait3A_54 : memref<624x8xf32, #tpu.memory_space<hbm>>)
      tpu.yield
    }) : () -> ()
    %eq3A_41 = arith.constant 0 : i32
    %eq3A_42 = arith.cmpi eq, %arg1, %eq3A_41 : i32
    %convert_element_type3A_43 = arith.extui %eq3A_42 : i1 to i32
    %cond3A_44 = arith.constant 0 : i32
    %cond3A_45 = arith.cmpi ne, %convert_element_type3A_43, %cond3A_44 : i32
    scf.if %cond3A_45 {
      "tpu.region"() ({
        %run_scoped3A_46 = tpu.sem_alloc : memref<!tpu.dma_semaphore, #tpu.memory_space<semaphore_mem>>
        %dma_start3A_47 = arith.constant 9984 : i32
        %dma_start3A_48 = arith.constant 0 : i32
        %dma_start3A_49 = tpu.memref_slice %arg6[%arg0, %dma_start3A_47, %dma_start3A_48] : memref<2x10000x128xf32, #tpu.memory_space<hbm>> -> memref<1x16x128xf32, #tpu.memory_space<hbm>>
        %dma_start3A_50 = tpu.memref_squeeze %dma_start3A_49 : memref<1x16x128xf32, #tpu.memory_space<hbm>> -> memref<16x128xf32, #tpu.memory_space<hbm>>
        %dma_start3A_51 = arith.constant 9984 : i32
        %dma_start3A_52 = arith.constant 0 : i32
        %dma_start3A_53 = tpu.memref_slice %arg13[%dma_start3A_51, %dma_start3A_52] : memref<10000x128xf32, #tpu.memory_space<vmem_shared>> -> memref<16x128xf32, #tpu.memory_space<vmem_shared>>
        tpu.enqueue_dma source(%dma_start3A_53 : memref<16x128xf32, #tpu.memory_space<vmem_shared>>) target(%dma_start3A_50 : memref<16x128xf32, #tpu.memory_space<hbm>>) target_semaphore(%run_scoped3A_46 : memref<!tpu.dma_semaphore, #tpu.memory_space<semaphore_mem>>)
        %dma_wait3A_54 = arith.constant 9984 : i32
        %dma_wait3A_55 = arith.constant 0 : i32
        %dma_wait3A_56 = tpu.memref_slice %arg6[%arg0, %dma_wait3A_54, %dma_wait3A_55] : memref<2x10000x128xf32, #tpu.memory_space<hbm>> -> memref<1x16x128xf32, #tpu.memory_space<hbm>>
        %dma_wait3A_57 = tpu.memref_squeeze %dma_wait3A_56 : memref<1x16x128xf32, #tpu.memory_space<hbm>> -> memref<16x128xf32, #tpu.memory_space<hbm>>
        %dma_wait3A_58 = arith.constant 9984 : i32
        %dma_wait3A_59 = arith.constant 0 : i32
        %dma_wait3A_60 = tpu.memref_slice %arg13[%dma_wait3A_58, %dma_wait3A_59] : memref<10000x128xf32, #tpu.memory_space<vmem_shared>> -> memref<16x128xf32, #tpu.memory_space<vmem_shared>>
        tpu.wait_dma2 semaphore(%run_scoped3A_46 : memref<!tpu.dma_semaphore, #tpu.memory_space<semaphore_mem>>) src(%dma_wait3A_60 : memref<16x128xf32, #tpu.memory_space<vmem_shared>>) dst(%dma_wait3A_57 : memref<16x128xf32, #tpu.memory_space<hbm>>)
        tpu.yield
      }) : () -> ()
      "tpu.region"() ({
        %run_scoped3A_46 = tpu.sem_alloc : memref<!tpu.dma_semaphore, #tpu.memory_space<semaphore_mem>>
        %dma_start3A_47 = arith.constant 9984 : i32
        %dma_start3A_48 = arith.constant 0 : i32
        %dma_start3A_49 = tpu.memref_slice %arg7[%arg0, %dma_start3A_47, %dma_start3A_48] : memref<2x10000x8xf32, #tpu.memory_space<hbm>> -> memref<1x16x8xf32, #tpu.memory_space<hbm>>
        %dma_start3A_50 = tpu.memref_squeeze %dma_start3A_49 : memref<1x16x8xf32, #tpu.memory_space<hbm>> -> memref<16x8xf32, #tpu.memory_space<hbm>>
        %dma_start3A_51 = arith.constant 9984 : i32
        %dma_start3A_52 = arith.constant 0 : i32
        %dma_start3A_53 = tpu.memref_slice %arg14[%dma_start3A_51, %dma_start3A_52] : memref<10000x8xf32, #tpu.memory_space<vmem_shared>> -> memref<16x8xf32, #tpu.memory_space<vmem_shared>>
        tpu.enqueue_dma source(%dma_start3A_53 : memref<16x8xf32, #tpu.memory_space<vmem_shared>>) target(%dma_start3A_50 : memref<16x8xf32, #tpu.memory_space<hbm>>) target_semaphore(%run_scoped3A_46 : memref<!tpu.dma_semaphore, #tpu.memory_space<semaphore_mem>>)
        %dma_wait3A_54 = arith.constant 9984 : i32
        %dma_wait3A_55 = arith.constant 0 : i32
        %dma_wait3A_56 = tpu.memref_slice %arg7[%arg0, %dma_wait3A_54, %dma_wait3A_55] : memref<2x10000x8xf32, #tpu.memory_space<hbm>> -> memref<1x16x8xf32, #tpu.memory_space<hbm>>
        %dma_wait3A_57 = tpu.memref_squeeze %dma_wait3A_56 : memref<1x16x8xf32, #tpu.memory_space<hbm>> -> memref<16x8xf32, #tpu.memory_space<hbm>>
        %dma_wait3A_58 = arith.constant 9984 : i32
        %dma_wait3A_59 = arith.constant 0 : i32
        %dma_wait3A_60 = tpu.memref_slice %arg14[%dma_wait3A_58, %dma_wait3A_59] : memref<10000x8xf32, #tpu.memory_space<vmem_shared>> -> memref<16x8xf32, #tpu.memory_space<vmem_shared>>
        tpu.wait_dma2 semaphore(%run_scoped3A_46 : memref<!tpu.dma_semaphore, #tpu.memory_space<semaphore_mem>>) src(%dma_wait3A_60 : memref<16x8xf32, #tpu.memory_space<vmem_shared>>) dst(%dma_wait3A_57 : memref<16x8xf32, #tpu.memory_space<hbm>>)
        tpu.yield
      }) : () -> ()
    } else {
    }
    return
  }
}

module attributes {stable_mosaic.version = 14 : i64} {
  func.func @_tc_proj_body(%arg0: i32, %arg1: memref<2000x128xf32, #tpu.memory_space<vmem>>, %arg2: memref<128x128xf32, #tpu.memory_space<vmem>>, %arg3: memref<128x128xf32, #tpu.memory_space<vmem>>, %arg4: memref<2000x128xf32, #tpu.memory_space<vmem>>, %arg5: memref<2000x128xf32, #tpu.memory_space<vmem>>) attributes {dimension_semantics = [#tpu.dimension_semantics<arbitrary>], iteration_bounds = array<i64: 5>, scalar_prefetch = 0 : i64, scratch_operands = 0 : i64, tpu.core_type = #tpu.core_type<tc>, window_params = [{transform_indices = @transform_0, window_bounds = array<i64: 2000, 128>}, {pipeline_mode = #tpu.pipeline_mode<synchronous>, transform_indices = @transform_1, window_bounds = array<i64: 128, 128>}, {pipeline_mode = #tpu.pipeline_mode<synchronous>, transform_indices = @transform_2, window_bounds = array<i64: 128, 128>}, {transform_indices = @transform_3, window_bounds = array<i64: 2000, 128>}, {transform_indices = @transform_4, window_bounds = array<i64: 2000, 128>}]} {
    %get3A = arith.constant 0 : index
    %get3A_0 = arith.constant 0 : index
    %get3A_1 = vector.load %arg1[%get3A, %get3A_0] : memref<2000x128xf32, #tpu.memory_space<vmem>>, vector<2000x128xf32>
    %get3A_2 = arith.constant 0 : index
    %get3A_3 = arith.constant 0 : index
    %get3A_4 = vector.load %arg2[%get3A_2, %get3A_3] : memref<128x128xf32, #tpu.memory_space<vmem>>, vector<128x128xf32>
    %dot_general3A = arith.constant dense<0.000000e+00> : vector<2000x128xf32>
    %dot_general3A_5 = tpu.matmul %get3A_1, %get3A_4, %dot_general3A {dimension_numbers = #tpu.dot_dimension_numbers<[1], [1], [0], [0], [0, 0, 1, 0], [], []>, transpose_lhs_hint = false} : vector<2000x128xf32>, vector<128x128xf32>, vector<2000x128xf32> -> vector<2000x128xf32>
    %swap3A = arith.constant 0 : index
    %swap3A_6 = arith.constant 0 : index
    %swap3A_7 = vector.load %arg4[%swap3A, %swap3A_6] : memref<2000x128xf32, #tpu.memory_space<vmem>>, vector<2000x128xf32>
    tpu.vector_store %arg4[%swap3A, %swap3A_6], %dot_general3A_5 {strides = array<i32>} : memref<2000x128xf32, #tpu.memory_space<vmem>>, vector<2000x128xf32>,
    %get3A_8 = arith.constant 0 : index
    %get3A_9 = arith.constant 0 : index
    %get3A_10 = vector.load %arg3[%get3A_8, %get3A_9] : memref<128x128xf32, #tpu.memory_space<vmem>>, vector<128x128xf32>
    %dot_general3A_11 = arith.constant dense<0.000000e+00> : vector<2000x128xf32>
    %dot_general3A_12 = tpu.matmul %get3A_1, %get3A_10, %dot_general3A_11 {dimension_numbers = #tpu.dot_dimension_numbers<[1], [1], [0], [0], [0, 0, 1, 0], [], []>, transpose_lhs_hint = false} : vector<2000x128xf32>, vector<128x128xf32>, vector<2000x128xf32> -> vector<2000x128xf32>
    %swap3A_13 = arith.constant 0 : index
    %swap3A_14 = arith.constant 0 : index
    %swap3A_15 = vector.load %arg5[%swap3A_13, %swap3A_14] : memref<2000x128xf32, #tpu.memory_space<vmem>>, vector<2000x128xf32>
    tpu.vector_store %arg5[%swap3A_13, %swap3A_14], %dot_general3A_12 {strides = array<i32>} : memref<2000x128xf32, #tpu.memory_space<vmem>>, vector<2000x128xf32>,
    return
  }
  func.func @transform_0(%arg0: i32) -> (i32, i32) {
    %c0_i32 = arith.constant 0 : i32
    %c0_i32_0 = arith.constant 0 : i32
    return %arg0, %c0_i32 : i32, i32
  }
  func.func @transform_1(%arg0: i32) -> (i32, i32) {
    %c0_i32 = arith.constant 0 : i32
    %c0_i32_0 = arith.constant 0 : i32
    %c0_i32_1 = arith.constant 0 : i32
    return %c0_i32, %c0_i32_0 : i32, i32
  }
  func.func @transform_2(%arg0: i32) -> (i32, i32) {
    %c0_i32 = arith.constant 0 : i32
    %c0_i32_0 = arith.constant 0 : i32
    %c0_i32_1 = arith.constant 0 : i32
    return %c0_i32, %c0_i32_0 : i32, i32
  }
  func.func @transform_3(%arg0: i32) -> (i32, i32) {
    %c0_i32 = arith.constant 0 : i32
    %c0_i32_0 = arith.constant 0 : i32
    return %arg0, %c0_i32 : i32, i32
  }
  func.func @transform_4(%arg0: i32) -> (i32, i32) {
    %c0_i32 = arith.constant 0 : i32
    %c0_i32_0 = arith.constant 0 : i32
    return %arg0, %c0_i32 : i32, i32
  }
}

module attributes {stable_mosaic.version = 14 : i64} {
  func.func @_tc_mid_body(%arg0: i32, %arg1: memref<2x2000x128xf32, #tpu.memory_space<vmem>>, %arg2: memref<2x2000x8xf32, #tpu.memory_space<vmem>>, %arg3: memref<2000x128xf32, #tpu.memory_space<vmem>>, %arg4: memref<128xf32, #tpu.memory_space<vmem>>, %arg5: memref<64x128xf32, #tpu.memory_space<vmem>>, %arg6: memref<64x128xf32, #tpu.memory_space<vmem>>, %arg7: memref<2000x64xf32, #tpu.memory_space<vmem>>, %arg8: memref<2000x64xf32, #tpu.memory_space<vmem>>) attributes {dimension_semantics = [#tpu.dimension_semantics<arbitrary>], iteration_bounds = array<i64: 5>, scalar_prefetch = 0 : i64, scratch_operands = 0 : i64, tpu.core_type = #tpu.core_type<tc>, window_params = [{transform_indices = @transform_0, window_bounds = array<i64: 2, 2000, 128>}, {transform_indices = @transform_1, window_bounds = array<i64: 2, 2000, 8>}, {transform_indices = @transform_2, window_bounds = array<i64: 2000, 128>}, {pipeline_mode = #tpu.pipeline_mode<synchronous>, transform_indices = @transform_3, window_bounds = array<i64: 128>}, {pipeline_mode = #tpu.pipeline_mode<synchronous>, transform_indices = @transform_4, window_bounds = array<i64: 64, 128>}, {pipeline_mode = #tpu.pipeline_mode<synchronous>, transform_indices = @transform_5, window_bounds = array<i64: 64, 128>}, {transform_indices = @transform_6, window_bounds = array<i64: 2000, 64>}, {transform_indices = @transform_7, window_bounds = array<i64: 2000, 64>}]} {
    %get3A = arith.constant 0 : index
    %get3A_0 = arith.constant 0 : index
    %get3A_1 = arith.constant 0 : index
    %get3A_2 = vector.load %arg1[%get3A, %get3A_0, %get3A_1] : memref<2x2000x128xf32, #tpu.memory_space<vmem>>, vector<1x2000x128xf32>
    %get3A_3 = vector.shape_cast %get3A_2 : vector<1x2000x128xf32> to vector<2000x128xf32>
    %get3A_4 = arith.constant 1 : index
    %get3A_5 = arith.constant 0 : index
    %get3A_6 = arith.constant 0 : index
    %get3A_7 = vector.load %arg1[%get3A_4, %get3A_5, %get3A_6] : memref<2x2000x128xf32, #tpu.memory_space<vmem>>, vector<1x2000x128xf32>
    %get3A_8 = vector.shape_cast %get3A_7 : vector<1x2000x128xf32> to vector<2000x128xf32>
    %add3A = arith.addf %get3A_3, %get3A_8 : vector<2000x128xf32>
    %get3A_9 = arith.constant 0 : index
    %get3A_10 = arith.constant 0 : index
    %get3A_11 = arith.constant 0 : index
    %get3A_12 = vector.load %arg2[%get3A_9, %get3A_10, %get3A_11] : memref<2x2000x8xf32, #tpu.memory_space<vmem>>, vector<1x2000x1xf32>
    %get3A_13 = vector.shape_cast %get3A_12 : vector<1x2000x1xf32> to vector<2000x1xf32>
    %get3A_14 = arith.constant 1 : index
    %get3A_15 = arith.constant 0 : index
    %get3A_16 = arith.constant 0 : index
    %get3A_17 = vector.load %arg2[%get3A_14, %get3A_15, %get3A_16] : memref<2x2000x8xf32, #tpu.memory_space<vmem>>, vector<1x2000x1xf32>
    %get3A_18 = vector.shape_cast %get3A_17 : vector<1x2000x1xf32> to vector<2000x1xf32>
    %add3A_19 = arith.addf %get3A_13, %get3A_18 : vector<2000x1xf32>
    %max3A = arith.constant 1.000000e+00 : f32
    %max3A_20 = vector.broadcast %max3A : f32 to vector<2000x1xf32>
    %max3A_21 = arith.maximumf %add3A_19, %max3A_20 : vector<2000x1xf32>
    %div3A = arith.constant 1.000000e+00 : f32
    %div3A_22 = vector.broadcast %div3A : f32 to vector<2000x1xf32>
    %div3A_23 = arith.divf %div3A_22, %max3A_21 : vector<2000x1xf32>
    %mul3A = vector.broadcast %div3A_23 : vector<2000x1xf32> to vector<2000x128xf32>
    %mul3A_24 = arith.mulf %add3A, %mul3A : vector<2000x128xf32>
    %get3A_25 = arith.constant 0 : index
    %get3A_26 = arith.constant 0 : index
    %get3A_27 = vector.load %arg3[%get3A_25, %get3A_26] : memref<2000x128xf32, #tpu.memory_space<vmem>>, vector<2000x128xf32>
    %add3A_28 = arith.addf %mul3A_24, %get3A_27 : vector<2000x128xf32>
    %get3A_29 = arith.constant 0 : index
    %get3A_30 = vector.load %arg4[%get3A_29] : memref<128xf32, #tpu.memory_space<vmem>>, vector<128xf32>
    %broadcast_in_dim3A = vector.shape_cast %get3A_30 : vector<128xf32> to vector<1x128xf32>
    %add3A_31 = vector.broadcast %broadcast_in_dim3A : vector<1x128xf32> to vector<2000x128xf32>
    %add3A_32 = arith.addf %add3A_28, %add3A_31 : vector<2000x128xf32>
    %max3A_33 = arith.constant 0.000000e+00 : f32
    %max3A_34 = vector.broadcast %max3A_33 : f32 to vector<2000x128xf32>
    %max3A_35 = arith.maximumf %add3A_32, %max3A_34 : vector<2000x128xf32>
    %get3A_36 = arith.constant 0 : index
    %get3A_37 = arith.constant 0 : index
    %get3A_38 = vector.load %arg5[%get3A_36, %get3A_37] : memref<64x128xf32, #tpu.memory_space<vmem>>, vector<64x128xf32>
    %dot_general3A = arith.constant dense<0.000000e+00> : vector<2000x64xf32>
    %dot_general3A_39 = tpu.matmul %max3A_35, %get3A_38, %dot_general3A {dimension_numbers = #tpu.dot_dimension_numbers<[1], [1], [0], [0], [0, 0, 1, 0], [], []>, transpose_lhs_hint = false} : vector<2000x128xf32>, vector<64x128xf32>, vector<2000x64xf32> -> vector<2000x64xf32>
    %swap3A = arith.constant 0 : index
    %swap3A_40 = arith.constant 0 : index
    %swap3A_41 = vector.load %arg7[%swap3A, %swap3A_40] : memref<2000x64xf32, #tpu.memory_space<vmem>>, vector<2000x64xf32>
    tpu.vector_store %arg7[%swap3A, %swap3A_40], %dot_general3A_39 {strides = array<i32>} : memref<2000x64xf32, #tpu.memory_space<vmem>>, vector<2000x64xf32>,
    %get3A_42 = arith.constant 0 : index
    %get3A_43 = arith.constant 0 : index
    %get3A_44 = vector.load %arg6[%get3A_42, %get3A_43] : memref<64x128xf32, #tpu.memory_space<vmem>>, vector<64x128xf32>
    %dot_general3A_45 = arith.constant dense<0.000000e+00> : vector<2000x64xf32>
    %dot_general3A_46 = tpu.matmul %max3A_35, %get3A_44, %dot_general3A_45 {dimension_numbers = #tpu.dot_dimension_numbers<[1], [1], [0], [0], [0, 0, 1, 0], [], []>, transpose_lhs_hint = false} : vector<2000x128xf32>, vector<64x128xf32>, vector<2000x64xf32> -> vector<2000x64xf32>
    %swap3A_47 = arith.constant 0 : index
    %swap3A_48 = arith.constant 0 : index
    %swap3A_49 = vector.load %arg8[%swap3A_47, %swap3A_48] : memref<2000x64xf32, #tpu.memory_space<vmem>>, vector<2000x64xf32>
    tpu.vector_store %arg8[%swap3A_47, %swap3A_48], %dot_general3A_46 {strides = array<i32>} : memref<2000x64xf32, #tpu.memory_space<vmem>>, vector<2000x64xf32>,
    return
  }
  func.func @transform_0(%arg0: i32) -> (i32, i32, i32) {
    %c0_i32 = arith.constant 0 : i32
    %c0_i32_0 = arith.constant 0 : i32
    %c0_i32_1 = arith.constant 0 : i32
    return %c0_i32, %arg0, %c0_i32_0 : i32, i32, i32
  }
  func.func @transform_1(%arg0: i32) -> (i32, i32, i32) {
    %c0_i32 = arith.constant 0 : i32
    %c0_i32_0 = arith.constant 0 : i32
    %c0_i32_1 = arith.constant 0 : i32
    return %c0_i32, %arg0, %c0_i32_0 : i32, i32, i32
  }
  func.func @transform_2(%arg0: i32) -> (i32, i32) {
    %c0_i32 = arith.constant 0 : i32
    %c0_i32_0 = arith.constant 0 : i32
    return %arg0, %c0_i32 : i32, i32
  }
  func.func @transform_3(%arg0: i32) -> i32 {
    %c0_i32 = arith.constant 0 : i32
    %c0_i32_0 = arith.constant 0 : i32
    return %c0_i32 : i32
  }
  func.func @transform_4(%arg0: i32) -> (i32, i32) {
    %c0_i32 = arith.constant 0 : i32
    %c0_i32_0 = arith.constant 0 : i32
    %c0_i32_1 = arith.constant 0 : i32
    return %c0_i32, %c0_i32_0 : i32, i32
  }
  func.func @transform_5(%arg0: i32) -> (i32, i32) {
    %c0_i32 = arith.constant 0 : i32
    %c0_i32_0 = arith.constant 0 : i32
    %c0_i32_1 = arith.constant 0 : i32
    return %c0_i32, %c0_i32_0 : i32, i32
  }
  func.func @transform_6(%arg0: i32) -> (i32, i32) {
    %c0_i32 = arith.constant 0 : i32
    %c0_i32_0 = arith.constant 0 : i32
    return %arg0, %c0_i32 : i32, i32
  }
  func.func @transform_7(%arg0: i32) -> (i32, i32) {
    %c0_i32 = arith.constant 0 : i32
    %c0_i32_0 = arith.constant 0 : i32
    return %arg0, %c0_i32 : i32, i32
  }
}

module attributes {stable_mosaic.version = 14 : i64} {
  func.func @_tc_mid_body(%arg0: i32, %arg1: memref<2x2000x64xf32, #tpu.memory_space<vmem>>, %arg2: memref<2x2000x8xf32, #tpu.memory_space<vmem>>, %arg3: memref<2000x64xf32, #tpu.memory_space<vmem>>, %arg4: memref<64xf32, #tpu.memory_space<vmem>>, %arg5: memref<32x64xf32, #tpu.memory_space<vmem>>, %arg6: memref<32x64xf32, #tpu.memory_space<vmem>>, %arg7: memref<2000x32xf32, #tpu.memory_space<vmem>>, %arg8: memref<2000x32xf32, #tpu.memory_space<vmem>>) attributes {dimension_semantics = [#tpu.dimension_semantics<arbitrary>], iteration_bounds = array<i64: 5>, scalar_prefetch = 0 : i64, scratch_operands = 0 : i64, tpu.core_type = #tpu.core_type<tc>, window_params = [{transform_indices = @transform_0, window_bounds = array<i64: 2, 2000, 64>}, {transform_indices = @transform_1, window_bounds = array<i64: 2, 2000, 8>}, {transform_indices = @transform_2, window_bounds = array<i64: 2000, 64>}, {pipeline_mode = #tpu.pipeline_mode<synchronous>, transform_indices = @transform_3, window_bounds = array<i64: 64>}, {pipeline_mode = #tpu.pipeline_mode<synchronous>, transform_indices = @transform_4, window_bounds = array<i64: 32, 64>}, {pipeline_mode = #tpu.pipeline_mode<synchronous>, transform_indices = @transform_5, window_bounds = array<i64: 32, 64>}, {transform_indices = @transform_6, window_bounds = array<i64: 2000, 32>}, {transform_indices = @transform_7, window_bounds = array<i64: 2000, 32>}]} {
    %get3A = arith.constant 0 : index
    %get3A_0 = arith.constant 0 : index
    %get3A_1 = arith.constant 0 : index
    %get3A_2 = vector.load %arg1[%get3A, %get3A_0, %get3A_1] : memref<2x2000x64xf32, #tpu.memory_space<vmem>>, vector<1x2000x64xf32>
    %get3A_3 = vector.shape_cast %get3A_2 : vector<1x2000x64xf32> to vector<2000x64xf32>
    %get3A_4 = arith.constant 1 : index
    %get3A_5 = arith.constant 0 : index
    %get3A_6 = arith.constant 0 : index
    %get3A_7 = vector.load %arg1[%get3A_4, %get3A_5, %get3A_6] : memref<2x2000x64xf32, #tpu.memory_space<vmem>>, vector<1x2000x64xf32>
    %get3A_8 = vector.shape_cast %get3A_7 : vector<1x2000x64xf32> to vector<2000x64xf32>
    %add3A = arith.addf %get3A_3, %get3A_8 : vector<2000x64xf32>
    %get3A_9 = arith.constant 0 : index
    %get3A_10 = arith.constant 0 : index
    %get3A_11 = arith.constant 0 : index
    %get3A_12 = vector.load %arg2[%get3A_9, %get3A_10, %get3A_11] : memref<2x2000x8xf32, #tpu.memory_space<vmem>>, vector<1x2000x1xf32>
    %get3A_13 = vector.shape_cast %get3A_12 : vector<1x2000x1xf32> to vector<2000x1xf32>
    %get3A_14 = arith.constant 1 : index
    %get3A_15 = arith.constant 0 : index
    %get3A_16 = arith.constant 0 : index
    %get3A_17 = vector.load %arg2[%get3A_14, %get3A_15, %get3A_16] : memref<2x2000x8xf32, #tpu.memory_space<vmem>>, vector<1x2000x1xf32>
    %get3A_18 = vector.shape_cast %get3A_17 : vector<1x2000x1xf32> to vector<2000x1xf32>
    %add3A_19 = arith.addf %get3A_13, %get3A_18 : vector<2000x1xf32>
    %max3A = arith.constant 1.000000e+00 : f32
    %max3A_20 = vector.broadcast %max3A : f32 to vector<2000x1xf32>
    %max3A_21 = arith.maximumf %add3A_19, %max3A_20 : vector<2000x1xf32>
    %div3A = arith.constant 1.000000e+00 : f32
    %div3A_22 = vector.broadcast %div3A : f32 to vector<2000x1xf32>
    %div3A_23 = arith.divf %div3A_22, %max3A_21 : vector<2000x1xf32>
    %mul3A = vector.broadcast %div3A_23 : vector<2000x1xf32> to vector<2000x64xf32>
    %mul3A_24 = arith.mulf %add3A, %mul3A : vector<2000x64xf32>
    %get3A_25 = arith.constant 0 : index
    %get3A_26 = arith.constant 0 : index
    %get3A_27 = vector.load %arg3[%get3A_25, %get3A_26] : memref<2000x64xf32, #tpu.memory_space<vmem>>, vector<2000x64xf32>
    %add3A_28 = arith.addf %mul3A_24, %get3A_27 : vector<2000x64xf32>
    %get3A_29 = arith.constant 0 : index
    %get3A_30 = vector.load %arg4[%get3A_29] : memref<64xf32, #tpu.memory_space<vmem>>, vector<64xf32>
    %broadcast_in_dim3A = vector.shape_cast %get3A_30 : vector<64xf32> to vector<1x64xf32>
    %add3A_31 = vector.broadcast %broadcast_in_dim3A : vector<1x64xf32> to vector<2000x64xf32>
    %add3A_32 = arith.addf %add3A_28, %add3A_31 : vector<2000x64xf32>
    %max3A_33 = arith.constant 0.000000e+00 : f32
    %max3A_34 = vector.broadcast %max3A_33 : f32 to vector<2000x64xf32>
    %max3A_35 = arith.maximumf %add3A_32, %max3A_34 : vector<2000x64xf32>
    %get3A_36 = arith.constant 0 : index
    %get3A_37 = arith.constant 0 : index
    %get3A_38 = vector.load %arg5[%get3A_36, %get3A_37] : memref<32x64xf32, #tpu.memory_space<vmem>>, vector<32x64xf32>
    %dot_general3A = arith.constant dense<0.000000e+00> : vector<2000x32xf32>
    %dot_general3A_39 = tpu.matmul %max3A_35, %get3A_38, %dot_general3A {dimension_numbers = #tpu.dot_dimension_numbers<[1], [1], [0], [0], [0, 0, 1, 0], [], []>, transpose_lhs_hint = false} : vector<2000x64xf32>, vector<32x64xf32>, vector<2000x32xf32> -> vector<2000x32xf32>
    %swap3A = arith.constant 0 : index
    %swap3A_40 = arith.constant 0 : index
    %swap3A_41 = vector.load %arg7[%swap3A, %swap3A_40] : memref<2000x32xf32, #tpu.memory_space<vmem>>, vector<2000x32xf32>
    tpu.vector_store %arg7[%swap3A, %swap3A_40], %dot_general3A_39 {strides = array<i32>} : memref<2000x32xf32, #tpu.memory_space<vmem>>, vector<2000x32xf32>,
    %get3A_42 = arith.constant 0 : index
    %get3A_43 = arith.constant 0 : index
    %get3A_44 = vector.load %arg6[%get3A_42, %get3A_43] : memref<32x64xf32, #tpu.memory_space<vmem>>, vector<32x64xf32>
    %dot_general3A_45 = arith.constant dense<0.000000e+00> : vector<2000x32xf32>
    %dot_general3A_46 = tpu.matmul %max3A_35, %get3A_44, %dot_general3A_45 {dimension_numbers = #tpu.dot_dimension_numbers<[1], [1], [0], [0], [0, 0, 1, 0], [], []>, transpose_lhs_hint = false} : vector<2000x64xf32>, vector<32x64xf32>, vector<2000x32xf32> -> vector<2000x32xf32>
    %swap3A_47 = arith.constant 0 : index
    %swap3A_48 = arith.constant 0 : index
    %swap3A_49 = vector.load %arg8[%swap3A_47, %swap3A_48] : memref<2000x32xf32, #tpu.memory_space<vmem>>, vector<2000x32xf32>
    tpu.vector_store %arg8[%swap3A_47, %swap3A_48], %dot_general3A_46 {strides = array<i32>} : memref<2000x32xf32, #tpu.memory_space<vmem>>, vector<2000x32xf32>,
    return
  }
  func.func @transform_0(%arg0: i32) -> (i32, i32, i32) {
    %c0_i32 = arith.constant 0 : i32
    %c0_i32_0 = arith.constant 0 : i32
    %c0_i32_1 = arith.constant 0 : i32
    return %c0_i32, %arg0, %c0_i32_0 : i32, i32, i32
  }
  func.func @transform_1(%arg0: i32) -> (i32, i32, i32) {
    %c0_i32 = arith.constant 0 : i32
    %c0_i32_0 = arith.constant 0 : i32
    %c0_i32_1 = arith.constant 0 : i32
    return %c0_i32, %arg0, %c0_i32_0 : i32, i32, i32
  }
  func.func @transform_2(%arg0: i32) -> (i32, i32) {
    %c0_i32 = arith.constant 0 : i32
    %c0_i32_0 = arith.constant 0 : i32
    return %arg0, %c0_i32 : i32, i32
  }
  func.func @transform_3(%arg0: i32) -> i32 {
    %c0_i32 = arith.constant 0 : i32
    %c0_i32_0 = arith.constant 0 : i32
    return %c0_i32 : i32
  }
  func.func @transform_4(%arg0: i32) -> (i32, i32) {
    %c0_i32 = arith.constant 0 : i32
    %c0_i32_0 = arith.constant 0 : i32
    %c0_i32_1 = arith.constant 0 : i32
    return %c0_i32, %c0_i32_0 : i32, i32
  }
  func.func @transform_5(%arg0: i32) -> (i32, i32) {
    %c0_i32 = arith.constant 0 : i32
    %c0_i32_0 = arith.constant 0 : i32
    %c0_i32_1 = arith.constant 0 : i32
    return %c0_i32, %c0_i32_0 : i32, i32
  }
  func.func @transform_6(%arg0: i32) -> (i32, i32) {
    %c0_i32 = arith.constant 0 : i32
    %c0_i32_0 = arith.constant 0 : i32
    return %arg0, %c0_i32 : i32, i32
  }
  func.func @transform_7(%arg0: i32) -> (i32, i32) {
    %c0_i32 = arith.constant 0 : i32
    %c0_i32_0 = arith.constant 0 : i32
    return %arg0, %c0_i32 : i32, i32
  }
}

module attributes {stable_mosaic.version = 14 : i64} {
  func.func @_tc_dec_body(%arg0: i32, %arg1: memref<2x2000x32xf32, #tpu.memory_space<vmem>>, %arg2: memref<2x2000x8xf32, #tpu.memory_space<vmem>>, %arg3: memref<2000x32xf32, #tpu.memory_space<vmem>>, %arg4: memref<32xf32, #tpu.memory_space<vmem>>, %arg5: memref<64x32xf32, #tpu.memory_space<vmem>>, %arg6: memref<64xf32, #tpu.memory_space<vmem>>, %arg7: memref<128x64xf32, #tpu.memory_space<vmem>>, %arg8: memref<128xf32, #tpu.memory_space<vmem>>, %arg9: memref<128x128xf32, #tpu.memory_space<vmem>>, %arg10: memref<128xf32, #tpu.memory_space<vmem>>, %arg11: memref<2000x128xf32, #tpu.memory_space<vmem>>) attributes {dimension_semantics = [#tpu.dimension_semantics<arbitrary>], iteration_bounds = array<i64: 5>, scalar_prefetch = 0 : i64, scratch_operands = 0 : i64, tpu.core_type = #tpu.core_type<tc>, window_params = [{transform_indices = @transform_0, window_bounds = array<i64: 2, 2000, 32>}, {transform_indices = @transform_1, window_bounds = array<i64: 2, 2000, 8>}, {transform_indices = @transform_2, window_bounds = array<i64: 2000, 32>}, {pipeline_mode = #tpu.pipeline_mode<synchronous>, transform_indices = @transform_3, window_bounds = array<i64: 32>}, {pipeline_mode = #tpu.pipeline_mode<synchronous>, transform_indices = @transform_4, window_bounds = array<i64: 64, 32>}, {pipeline_mode = #tpu.pipeline_mode<synchronous>, transform_indices = @transform_5, window_bounds = array<i64: 64>}, {pipeline_mode = #tpu.pipeline_mode<synchronous>, transform_indices = @transform_6, window_bounds = array<i64: 128, 64>}, {pipeline_mode = #tpu.pipeline_mode<synchronous>, transform_indices = @transform_7, window_bounds = array<i64: 128>}, {pipeline_mode = #tpu.pipeline_mode<synchronous>, transform_indices = @transform_8, window_bounds = array<i64: 128, 128>}, {pipeline_mode = #tpu.pipeline_mode<synchronous>, transform_indices = @transform_9, window_bounds = array<i64: 128>}, {transform_indices = @transform_10, window_bounds = array<i64: 2000, 128>}]} {
    %get3A = arith.constant 0 : index
    %get3A_0 = arith.constant 0 : index
    %get3A_1 = arith.constant 0 : index
    %get3A_2 = vector.load %arg1[%get3A, %get3A_0, %get3A_1] : memref<2x2000x32xf32, #tpu.memory_space<vmem>>, vector<1x2000x32xf32>
    %get3A_3 = vector.shape_cast %get3A_2 : vector<1x2000x32xf32> to vector<2000x32xf32>
    %get3A_4 = arith.constant 1 : index
    %get3A_5 = arith.constant 0 : index
    %get3A_6 = arith.constant 0 : index
    %get3A_7 = vector.load %arg1[%get3A_4, %get3A_5, %get3A_6] : memref<2x2000x32xf32, #tpu.memory_space<vmem>>, vector<1x2000x32xf32>
    %get3A_8 = vector.shape_cast %get3A_7 : vector<1x2000x32xf32> to vector<2000x32xf32>
    %add3A = arith.addf %get3A_3, %get3A_8 : vector<2000x32xf32>
    %get3A_9 = arith.constant 0 : index
    %get3A_10 = arith.constant 0 : index
    %get3A_11 = arith.constant 0 : index
    %get3A_12 = vector.load %arg2[%get3A_9, %get3A_10, %get3A_11] : memref<2x2000x8xf32, #tpu.memory_space<vmem>>, vector<1x2000x1xf32>
    %get3A_13 = vector.shape_cast %get3A_12 : vector<1x2000x1xf32> to vector<2000x1xf32>
    %get3A_14 = arith.constant 1 : index
    %get3A_15 = arith.constant 0 : index
    %get3A_16 = arith.constant 0 : index
    %get3A_17 = vector.load %arg2[%get3A_14, %get3A_15, %get3A_16] : memref<2x2000x8xf32, #tpu.memory_space<vmem>>, vector<1x2000x1xf32>
    %get3A_18 = vector.shape_cast %get3A_17 : vector<1x2000x1xf32> to vector<2000x1xf32>
    %add3A_19 = arith.addf %get3A_13, %get3A_18 : vector<2000x1xf32>
    %max3A = arith.constant 1.000000e+00 : f32
    %max3A_20 = vector.broadcast %max3A : f32 to vector<2000x1xf32>
    %max3A_21 = arith.maximumf %add3A_19, %max3A_20 : vector<2000x1xf32>
    %div3A = arith.constant 1.000000e+00 : f32
    %div3A_22 = vector.broadcast %div3A : f32 to vector<2000x1xf32>
    %div3A_23 = arith.divf %div3A_22, %max3A_21 : vector<2000x1xf32>
    %mul3A = vector.broadcast %div3A_23 : vector<2000x1xf32> to vector<2000x32xf32>
    %mul3A_24 = arith.mulf %add3A, %mul3A : vector<2000x32xf32>
    %get3A_25 = arith.constant 0 : index
    %get3A_26 = arith.constant 0 : index
    %get3A_27 = vector.load %arg3[%get3A_25, %get3A_26] : memref<2000x32xf32, #tpu.memory_space<vmem>>, vector<2000x32xf32>
    %add3A_28 = arith.addf %mul3A_24, %get3A_27 : vector<2000x32xf32>
    %get3A_29 = arith.constant 0 : index
    %get3A_30 = vector.load %arg4[%get3A_29] : memref<32xf32, #tpu.memory_space<vmem>>, vector<32xf32>
    %broadcast_in_dim3A = vector.shape_cast %get3A_30 : vector<32xf32> to vector<1x32xf32>
    %add3A_31 = vector.broadcast %broadcast_in_dim3A : vector<1x32xf32> to vector<2000x32xf32>
    %add3A_32 = arith.addf %add3A_28, %add3A_31 : vector<2000x32xf32>
    %max3A_33 = arith.constant 0.000000e+00 : f32
    %max3A_34 = vector.broadcast %max3A_33 : f32 to vector<2000x32xf32>
    %max3A_35 = arith.maximumf %add3A_32, %max3A_34 : vector<2000x32xf32>
    %get3A_36 = arith.constant 0 : index
    %get3A_37 = arith.constant 0 : index
    %get3A_38 = vector.load %arg5[%get3A_36, %get3A_37] : memref<64x32xf32, #tpu.memory_space<vmem>>, vector<64x32xf32>
    %dot_general3A = arith.constant dense<0.000000e+00> : vector<2000x64xf32>
    %dot_general3A_39 = tpu.matmul %max3A_35, %get3A_38, %dot_general3A {dimension_numbers = #tpu.dot_dimension_numbers<[1], [1], [0], [0], [0, 0, 1, 0], [], []>, transpose_lhs_hint = false} : vector<2000x32xf32>, vector<64x32xf32>, vector<2000x64xf32> -> vector<2000x64xf32>
    %get3A_40 = arith.constant 0 : index
    %get3A_41 = vector.load %arg6[%get3A_40] : memref<64xf32, #tpu.memory_space<vmem>>, vector<64xf32>
    %broadcast_in_dim3A_42 = vector.shape_cast %get3A_41 : vector<64xf32> to vector<1x64xf32>
    %add3A_43 = vector.broadcast %broadcast_in_dim3A_42 : vector<1x64xf32> to vector<2000x64xf32>
    %add3A_44 = arith.addf %dot_general3A_39, %add3A_43 : vector<2000x64xf32>
    %max3A_45 = arith.constant 0.000000e+00 : f32
    %max3A_46 = vector.broadcast %max3A_45 : f32 to vector<2000x64xf32>
    %max3A_47 = arith.maximumf %add3A_44, %max3A_46 : vector<2000x64xf32>
    %get3A_48 = arith.constant 0 : index
    %get3A_49 = arith.constant 0 : index
    %get3A_50 = vector.load %arg7[%get3A_48, %get3A_49] : memref<128x64xf32, #tpu.memory_space<vmem>>, vector<128x64xf32>
    %dot_general3A_51 = arith.constant dense<0.000000e+00> : vector<2000x128xf32>
    %dot_general3A_52 = tpu.matmul %max3A_47, %get3A_50, %dot_general3A_51 {dimension_numbers = #tpu.dot_dimension_numbers<[1], [1], [0], [0], [0, 0, 1, 0], [], []>, transpose_lhs_hint = false} : vector<2000x64xf32>, vector<128x64xf32>, vector<2000x128xf32> -> vector<2000x128xf32>
    %get3A_53 = arith.constant 0 : index
    %get3A_54 = vector.load %arg8[%get3A_53] : memref<128xf32, #tpu.memory_space<vmem>>, vector<128xf32>
    %broadcast_in_dim3A_55 = vector.shape_cast %get3A_54 : vector<128xf32> to vector<1x128xf32>
    %add3A_56 = vector.broadcast %broadcast_in_dim3A_55 : vector<1x128xf32> to vector<2000x128xf32>
    %add3A_57 = arith.addf %dot_general3A_52, %add3A_56 : vector<2000x128xf32>
    %max3A_58 = arith.constant 0.000000e+00 : f32
    %max3A_59 = vector.broadcast %max3A_58 : f32 to vector<2000x128xf32>
    %max3A_60 = arith.maximumf %add3A_57, %max3A_59 : vector<2000x128xf32>
    %get3A_61 = arith.constant 0 : index
    %get3A_62 = arith.constant 0 : index
    %get3A_63 = vector.load %arg9[%get3A_61, %get3A_62] : memref<128x128xf32, #tpu.memory_space<vmem>>, vector<128x128xf32>
    %dot_general3A_64 = arith.constant dense<0.000000e+00> : vector<2000x128xf32>
    %dot_general3A_65 = tpu.matmul %max3A_60, %get3A_63, %dot_general3A_64 {dimension_numbers = #tpu.dot_dimension_numbers<[1], [1], [0], [0], [0, 0, 1, 0], [], []>, transpose_lhs_hint = false} : vector<2000x128xf32>, vector<128x128xf32>, vector<2000x128xf32> -> vector<2000x128xf32>
    %get3A_66 = arith.constant 0 : index
    %get3A_67 = vector.load %arg10[%get3A_66] : memref<128xf32, #tpu.memory_space<vmem>>, vector<128xf32>
    %broadcast_in_dim3A_68 = vector.shape_cast %get3A_67 : vector<128xf32> to vector<1x128xf32>
    %add3A_69 = vector.broadcast %broadcast_in_dim3A_68 : vector<1x128xf32> to vector<2000x128xf32>
    %add3A_70 = arith.addf %dot_general3A_65, %add3A_69 : vector<2000x128xf32>
    %max3A_71 = arith.constant 0.000000e+00 : f32
    %max3A_72 = vector.broadcast %max3A_71 : f32 to vector<2000x128xf32>
    %max3A_73 = arith.maximumf %add3A_70, %max3A_72 : vector<2000x128xf32>
    %swap3A = arith.constant 0 : index
    %swap3A_74 = arith.constant 0 : index
    %swap3A_75 = vector.load %arg11[%swap3A, %swap3A_74] : memref<2000x128xf32, #tpu.memory_space<vmem>>, vector<2000x128xf32>
    tpu.vector_store %arg11[%swap3A, %swap3A_74], %max3A_73 {strides = array<i32>} : memref<2000x128xf32, #tpu.memory_space<vmem>>, vector<2000x128xf32>,
    return
  }
  func.func @transform_0(%arg0: i32) -> (i32, i32, i32) {
    %c0_i32 = arith.constant 0 : i32
    %c0_i32_0 = arith.constant 0 : i32
    %c0_i32_1 = arith.constant 0 : i32
    return %c0_i32, %arg0, %c0_i32_0 : i32, i32, i32
  }
  func.func @transform_1(%arg0: i32) -> (i32, i32, i32) {
    %c0_i32 = arith.constant 0 : i32
    %c0_i32_0 = arith.constant 0 : i32
    %c0_i32_1 = arith.constant 0 : i32
    return %c0_i32, %arg0, %c0_i32_0 : i32, i32, i32
  }
  func.func @transform_2(%arg0: i32) -> (i32, i32) {
    %c0_i32 = arith.constant 0 : i32
    %c0_i32_0 = arith.constant 0 : i32
    return %arg0, %c0_i32 : i32, i32
  }
  func.func @transform_3(%arg0: i32) -> i32 {
    %c0_i32 = arith.constant 0 : i32
    %c0_i32_0 = arith.constant 0 : i32
    return %c0_i32 : i32
  }
  func.func @transform_4(%arg0: i32) -> (i32, i32) {
    %c0_i32 = arith.constant 0 : i32
    %c0_i32_0 = arith.constant 0 : i32
    %c0_i32_1 = arith.constant 0 : i32
    return %c0_i32, %c0_i32_0 : i32, i32
  }
  func.func @transform_5(%arg0: i32) -> i32 {
    %c0_i32 = arith.constant 0 : i32
    %c0_i32_0 = arith.constant 0 : i32
    return %c0_i32 : i32
  }
  func.func @transform_6(%arg0: i32) -> (i32, i32) {
    %c0_i32 = arith.constant 0 : i32
    %c0_i32_0 = arith.constant 0 : i32
    %c0_i32_1 = arith.constant 0 : i32
    return %c0_i32, %c0_i32_0 : i32, i32
  }
  func.func @transform_7(%arg0: i32) -> i32 {
    %c0_i32 = arith.constant 0 : i32
    %c0_i32_0 = arith.constant 0 : i32
    return %c0_i32 : i32
  }
  func.func @transform_8(%arg0: i32) -> (i32, i32) {
    %c0_i32 = arith.constant 0 : i32
    %c0_i32_0 = arith.constant 0 : i32
    %c0_i32_1 = arith.constant 0 : i32
    return %c0_i32, %c0_i32_0 : i32, i32
  }
  func.func @transform_9(%arg0: i32) -> i32 {
    %c0_i32 = arith.constant 0 : i32
    %c0_i32_0 = arith.constant 0 : i32
    return %c0_i32 : i32
  }
  func.func @transform_10(%arg0: i32) -> (i32, i32) {
    %c0_i32 = arith.constant 0 : i32
    %c0_i32_0 = arith.constant 0 : i32
    return %arg0, %c0_i32 : i32, i32
  }
}

</mosaic_0001>

<sc_bundles>
// kernel: sc_seg_sum_128_cnt.3.cloned.1.call-start
scs
__scs_entry_jumppad:
0x0: {  	(pc) =	sbr.rel $0x88, $3  }
0x1: {  	(tag) =	ssettag $0x0;
	lr =	simm.s32 $0x1  }
0x2: {  	[smem:$0x3F90] =	sst lr;
	_ =	strace $0xD0000000  }
0x3: {  	_ = 	snop  }
0x4: {  	_ = 	snop  }
0x5: {  	_ = 	snop  }
0x6: {  	_ = 	snop  }
0x7: {  	_ = 	snop  }
__scs_overlays_trampoline_lowered:
0x8: {  	[smem:$0x3F9F] =	sst s0  }
0x9: {  	[smem:$0x3FA0] =	sst s1  }
0xa: {  	[smem:$0x3FA1] =	sst s2  }
0xb: {  	[smem:$0x3FA2] =	sst s3  }
0xc: {  	[smem:$0x3FA3] =	sst s4  }
0xd: {  	[smem:$0x3FA4] =	sst s5  }
0xe: {  	[smem:$0x3FA5] =	sst s6  }
0xf: {  	[smem:$0x3FA6] =	sst s7  }
0x10: {  	[smem:$0x3FA7] =	sst s8  }
0x11: {  	[smem:$0x3FA8] =	sst s9;
	s0 =	simm.s32 @!p0 $0x0  }
0x12: {  	s1 =	sld [smem:$0x3F8E];
	s0 =	simm.s32 @p0 $0x1  }
0x13: {  	[smem:$0x3FA9] =	sst s0;
	s0 =	simm.s32 @!p1 $0x0  }
0x14: {  	s2 =	sld [smem:$0x3F8D];
	s0 =	simm.s32 @p1 $0x1  }
0x15: {  	[smem:$0x3FAA] =	sst s0;
	s0 =	simm.s32 @!p2 $0x0  }
0x16: {  	s3 =	sld [smem:$0x3FDB];
	s0 =	simm.s32 @p2 $0x1  }
0x17: {  	s4 =	simm.s32 $0x1BF5;
	[smem:$0x3FAC] =	sst s0  }
0x18: {  	s0 =	sld [smem:$0x3F8F];
	_ =	swait.ge [sflag:s4], $0x0  }
0x19: {  	s7 =	sld [smem:$0x3F90]  }
0x1a: {  	s8 =	sadd.s32 $0xFFFFE003, lr  }
0x1b: {  	s9 =	sadd.s32 $0xFFFFFEF7, lr;
	s5 =	simm.s32 $0xFFFFFFFF;
	p2 =	slt.u32 s8, $0xFFFFF086  }
0x1c: {  	p1 =	slt.u32 s9, $0xF7A;
	s5 =	simm.s32 @!p2 $0x0  }
0x1d: {  	s5 =	simm.s32 @p1 $0x1;
	p0 =	seq.s32 s7, s2  }
0x1e: {  	s7 =	smul.u32 @!p0 $0xF7A, s2;
	p2 =	seq.s32 @!p0 s5, $0x0  }
0x1f: {  	s9 =	smul.u32 $0xF7A, s1;
	s8 =	simm.s32 @!p0 $0x1BF5;
	p2 =	por !p2, p0  }
0x20: {  	[sflag:s8] =	ssyncset.s32 @!p0 $0xFFFFF086;
	s6 =	sadd.s32 @!p0 s3, s7;
	s7 =	simm.s32 @!p0 $0x108  }
0x21: {  	s3 =	sadd.s32 s3, s9;
	s6 =	sadd.s32 @!p0 $0x88, s6;
	s7 =	simm.s32 @p2 $0x1082  }
0x22: {  	[simem:s7], [sflag:s8] =	dma.local @!p0 [hbm:s6], $0xF7A  }
0x23: {  	s9 =	sor.u32 $0xD0000000, s2;
	s6 =	simm.s32 $0x108;
	_ =	swait.ge @!p0 [sflag:s8], $0x0  }
0x24: {  	s3 =	sadd.s32 $0x88, s3;
	s6 =	simm.s32 @!p1 $0x1082;
	[sflag:s4] =	ssyncset.s32 $0xFFFFF086  }
0x25: {  	[simem:s6], [sflag:s4] =	dma.local [hbm:s3], $0xF7A  }
0x26: {  	[smem:$0x3F90] =	sst s1;
	(tag) =	ssettag s2;
	_ =	strace s9  }
0x27: {  	s1 =	sld [smem:$0x3FA0]  }
0x28: {  	s2 =	sld [smem:$0x3FA1]  }
0x29: {  	s4 =	sld [smem:$0x3FA3]  }
0x2a: {  	p0 =	seq.s32 s5, $0x0;
	s5 =	sld [smem:$0x3FA4]  }
0x2b: {  	s6 =	sld [smem:$0x3FA5]  }
0x2c: {  	s7 =	sld [smem:$0x3FA6]  }
0x2d: {  	s3 =	simm.s32 $0x108;
	s8 =	sld [smem:$0x3FA7]  }
0x2e: {  	s3 =	simm.s32 @!p0 $0x1082;
	s9 =	sld [smem:$0x3FA8]  }
0x2f: {  	lr =	sadd.s32 s0, s3;
	s0 =	sld [smem:$0x3F9F]  }
0x30: {  	s3 =	sld [smem:$0x3FA2]  }
0x31: {  	[smem:$0x3FAB] =	sst s10  }
0x32: {  	s10 =	sld [smem:$0x3FA9];
	_ =	sdelay $0x3  }
0x33: {  	p0 =	seq.s32 s10, $0x1;
	s10 =	sld [smem:$0x3FAB];
	_ =	sdelay $0x3  }
0x34: {  	[smem:$0x3FAB] =	sst s10  }
0x35: {  	s10 =	sld [smem:$0x3FAA];
	_ =	sdelay $0x3  }
0x36: {  	p1 =	seq.s32 s10, $0x1;
	s10 =	sld [smem:$0x3FAB];
	_ =	sdelay $0x3  }
0x37: {  	[smem:$0x3FAB] =	sst s10  }
0x38: {  	s10 =	sld [smem:$0x3FAC]  }
0x39: {  	_ = 	snop;
	(pc) =	sbr.ind lr, $3  }
0x3a: {  	_ = 	snop  }
0x3b: {  	_ = 	snop  }
0x3c: {  	p2 =	seq.s32 s10, $0x1;
	s10 =	sld [smem:$0x3FAB]  }
0x3d: {  	_ =	shalt  }
0x3e: {  	_ =	shalt  }
0x3f: {  	_ =	shalt  }
0x40: {  	_ =	shalt  }
0x41: {  	_ =	shalt  }
0x42: {  	_ =	shalt  }
0x43: {  	_ =	shalt  }
0x44: {  	_ =	shalt  }
0x45: {  	_ =	shalt  }
0x46: {  	_ =	shalt  }
0x47: {  	_ =	shalt  }
0x48: {  	_ =	shalt  }
0x49: {  	_ =	shalt  }
0x4a: {  	_ =	shalt  }
0x4b: {  	_ =	shalt  }
0x4c: {  	_ =	shalt  }
0x4d: {  	_ =	shalt  }
0x4e: {  	_ =	shalt  }
0x4f: {  	_ =	shalt  }
0x50: {  	_ =	shalt  }
0x51: {  	_ =	shalt  }
0x52: {  	_ =	shalt  }
0x53: {  	_ =	shalt  }
0x54: {  	_ =	shalt  }
0x55: {  	_ =	shalt  }
0x56: {  	_ =	shalt  }
0x57: {  	_ =	shalt  }
0x58: {  	_ =	shalt  }
0x59: {  	_ =	shalt  }
0x5a: {  	_ =	shalt  }
0x5b: {  	_ =	shalt  }
0x5c: {  	_ =	shalt  }
0x5d: {  	_ =	shalt  }
0x5e: {  	_ =	shalt  }
0x5f: {  	_ =	shalt  }
0x60: {  	_ =	shalt  }
0x61: {  	_ =	shalt  }
0x62: {  	_ =	shalt  }
0x63: {  	_ =	shalt  }
0x64: {  	_ =	shalt  }
0x65: {  	_ =	shalt  }
0x66: {  	_ =	shalt  }
0x67: {  	_ =	shalt  }
0x68: {  	_ =	shalt  }
0x69: {  	_ =	shalt  }
0x6a: {  	_ =	shalt  }
0x6b: {  	_ =	shalt  }
0x6c: {  	_ =	shalt  }
0x6d: {  	_ =	shalt  }
0x6e: {  	_ =	shalt  }
0x6f: {  	_ =	shalt  }
0x70: {  	_ =	shalt  }
0x71: {  	_ =	shalt  }
0x72: {  	_ =	shalt  }
0x73: {  	_ =	shalt  }
0x74: {  	_ =	shalt  }
0x75: {  	_ =	shalt  }
0x76: {  	_ =	shalt  }
0x77: {  	_ =	shalt  }
0x78: {  	_ =	shalt  }
0x79: {  	_ =	shalt  }
0x7a: {  	_ =	shalt  }
0x7b: {  	_ =	shalt  }
0x7c: {  	_ =	shalt  }
0x7d: {  	_ =	shalt  }
0x7e: {  	_ =	shalt  }
0x7f: {  	_ =	shalt  }
0x80: {  	_ =	shalt  }
0x81: {  	_ =	shalt  }
0x82: {  	_ =	shalt  }
0x83: {  	_ =	shalt  }
0x84: {  	_ =	shalt  }
0x85: {  	_ =	shalt  }
0x86: {  	_ =	shalt  }
0x87: {  	_ =	shalt  }
.Lfunc_end0:
.L_simem_size_0:
called_computation_lowered:
.L_overlay_start_0:
0x88: {  	s2 =	sld [smem:$0x3FD9]  }
0x89: {  	s3 =	sld [smem:$0x3FFE];
	_ =	sdelay $0x1  }
0x8a: {  	s1 =	srdreg.scid  }
0x8b: {  	s0 =	sand.u32 $0x1, s1  }
0x8c: {  	s17 =	sshll.u32 s0, $0xA;
	s2 =	sadd.s32 s3, s2  }
0x8d: {  	s2 =	sadd.s32 s2, s17  }
0x8e: {  	[smem:$0x3FB7] =	sst s2  }
0x8f: {  	_ = 	snop  }
0x90: {  	s2 =	sld [smem:$0x3FD0];
	(tm) =	ssettm $0x1  }
0x91: {  	s18 =	sld [smem:$0x3FFB];
	_ =	sdelay $0x3  }
0x92: {  	_ =	strace s18  }
0x93: {  	s3 =	sld [smem:$0x3FFC];
	_ =	sdelay $0x3  }
0x94: {  	_ =	strace s3  }
0x95: {  	s3 =	sld [smem:$0x3FFD];
	_ =	sdelay $0x3  }
0x96: {  	_ =	strace s3  }
0x97: {  	_ =	strace $0x8FFFFFFF  }
0x98: {  	s19 =	sld [smem:$0x3FDB];
	_ =	sdelay $0x1  }
0x99: {  	s4 =	simm.s32 $_scs_section_size  }
0x9a: {  	s5 =	simm.s32 $_size__tile_overlayer_lowered;
	s6 =	simm.s32 $_tile_overlayer_lowered  }
0x9b: {  	s22 =	simm.s32 $0x1BFF;
	s21 =	sshll.u32 s6, $0x1;
	s3 =	sadd.s32 s4, s19  }
0x9c: {  	s7 =	simm.s32 $0x0;
	s20 =	sshll.u32 s5, $0x1;
	s5 =	sadd.s32 s21, s3  }
0x9d: {  	[timem:s7], [sflag:s22] =	dma.local [hbm:s5], s20  }
0x9e: {  	_ =	swait.ge [sflag:s22], s20  }
0x9f: {  	s4 =	ssub.s32 $0x0, s20;
	[sflag:s22] =	ssyncset.done $0x0  }
0xa0: {  	[sflag:s22] =	ssyncadd.s32 s4;
	_ =	sdelay $0x1  }
0xa1: {  	s23 =	simm.s32 $0x1B8B  }
0xa2: {  	_ =	swait.ge [sflag:s23], $0x1  }
0xa3: {  	[sflag:s23] =	ssyncset.done $0x0  }
0xa4: {  	s25 =	simm.s32 $0x1B8E;
	s24 =	sld [smem:$0x3FFE];
	[sflag:s23] =	ssyncadd.s32 $0xFFFFFFFF  }
0xa5: {  	s26 =	simm.s32 $execute0_lowered;
	[smem:$0x3FD2] =	sst s25  }
0xa6: {  	s5 =	sshll.u32 s26, $0x1;
	_ =	strace $0x80000046;
	[dreg:$0x1] =	wrdreg $0xFFFFFFFF  }
0xa7: {  	s28 =	simm.s32 $_size_execute0_lowered;
	s3 =	sadd.s32 s3, s5;
	[dreg:$0x0] =	wrdreg $0x0  }
0xa8: {  	s5 =	sshll.u32 s28, $0x1;
	[dreg:$0x2] =	wrdreg s3  }
0xa9: {  	[dreg:$0x3] =	wrdreg s5  }
0xaa: {  	[dreg:$0x4] =	wrdreg $0xC0  }
0xab: {  	_ =	task [dreg:s7], $0x5FFFF  }
0xac: {  	[dreg:$0x1] =	wrdreg $0xFFFFFFFF  }
0xad: {  	[dreg:$0x0] =	wrdreg $0x60  }
0xae: {  	[dreg:$0x2] =	wrdreg s2  }
0xaf: {  	[dreg:$0x3] =	wrdreg s24  }
0xb0: {  	[dreg:$0x4] =	wrdreg $0xA0A00  }
0xb1: {  	[dreg:$0x5] =	wrdreg $0x1D9200  }
0xb2: {  	[dreg:$0x6] =	wrdreg $0x9  }
0xb3: {  	_ =	task.clear_ibuf [dreg:s7], $0x7FFFF;
	_ =	strace $0x90000046  }
0xb4: {  	s29 =	simm.s32 $0x9;
	_ =	strace $0x80000048  }
0xb5: {  	_ =	swait.ge [sflag:s29], $0x1  }
0xb6: {  	[sflag:s29] =	ssyncadd.s32 $0xFFFFFFFF  }
0xb7: {  	_ =	strace $0x90000048  }
0xb8: {  	_ =	sfence  }
0xb9: {  	s30 =	sld [smem:$0x0];
	_ =	sdelay $0x2  }
0xba: {  	s31 =	sshll.u32 s1, $0xD;
	s1 =	sshrl.u32 s1, $0x2  }
0xbb: {  	s3 =	sand.u32 $0x4000, s31;
	s1 =	sadd.s32 s1, s30  }
0xbc: {  	s0 =	sor.u32 s3, s0;
	s1 =	sshll.u32 s1, $0x11  }
0xbd: {  	s0 =	sor.u32 s1, s0  }
0xbe: {  	s0 =	sadd.s32 $0x8F2B, s0  }
0xbf: {  	[sflag:s0] =	ssyncadd.remote.s32 $0x1  }
0xc0: {  	_ =	sfence.sel $0xFFFF  }
0xc1: {  	[dreg:$0x0] =	wrdreg $0xFFFFFFFF;
	(pc) =	sbr.abs _section_cstart, $3  }
0xc2: {  	[dreg:$0x1] =	wrdreg $0xFFFFFFFF  }
0xc3: {  	_ =	task.clear_ibuf [dreg:s7], $0x2FFFF;
	_ =	strace $0x9FFFFFFF  }
0xc4: {  	(tm) =	ssettm $0x7FFFFFFF  }
0xc5: {  	_ =	shalt  }
tec
execute0_lowered:
.L_overlay_start_1:
0x0: {  	(tag) =	ssettag $0x1  }
0x1: {  	s0 =	rddreg [dreg:$0x0]  }
0x2: {  	s1 =	srdreg.scid;
	s3 =	rddreg [dreg:$0x1]  }
0x3: {  	s2 =	rddreg [dreg:$0x2];
	s11 =	stileid.u32  }
0x4: {  	s4 =	rddreg [dreg:$0x3];
	s6 =	simm.s32 $0x0;
	s28 =	simm.s32 $0x9E20  }
0x5: {  	s29 =	simm.s32 $0x2;
	s30 =	simm.s32 $0x4DD0;
	s31 =	simm.s32 $0x3  }
0x6: {  	s1 =	sand.u32 $0x1, s1;
	[smem:$0x7FF] =	sst s6;
	s9 =	sadd.s32 $0x17400, s3  }
0x7: {  	s10 =	sadd.s32 $0x19C00, s3;
	s12 =	sadd.s32 $0x1F000, s3;
	s8 =	smul.u32 $0x13800, s11  }
0x8: {  	s17 =	smul.u32 $0x1380, s11;
	s22 =	sadd.s32 $0x138000, s2;
	s13 =	sadd.s32 $0x19B00, s3  }
0x9: {  	s14 =	sadd.s32 $0x13800, s4;
	s15 =	sadd.s32 $0x19E70, s3;
	p0 =	sne.s32 s11, $0x0  }
0xa: {  	s5 =	sshll.u32 s1, $0x4;
	_ =	strace $0x80000047;
	[dreg:$0x5] =	wrdreg s9  }
0xb: {  	[dreg:$0x6] =	wrdreg s10;
	s7 =	ssub.s32 $0x2, s1;
	s19 =	smul.u32 $0x138800, s1  }
0xc: {  	s9 =	sadd.s32 $0x1A000, s3;
	[dreg:$0xb] =	wrdreg s22;
	s1 =	smul.u32 $0x13880, s1  }
0xd: {  	s5 =	sor.u32 s11, s5;
	s10 =	sshrl.u32 s7, $0x1;
	s20 =	sadd.s32 s8, s2  }
0xe: {  	s21 =	sadd.s32 s17, s4;
	s5 =	smul.u32 $0x2710, s5;
	[dreg:$0x9] =	wrdreg s20  }
0xf: {  	s7 =	ssub.s32 s7, s10;
	[dreg:$0xa] =	wrdreg s21;
	s23 =	sadd.s32 s8, s19  }
0x10: {  	s24 =	sadd.s32 s17, s1;
	s25 =	sshrl.u32 s19, $0x3;
	s1 =	sshrl.u32 s1, $0x3  }
0x11: {  	s21 =	simm.s32 $0x4;
	s26 =	sadd.s32 s12, s25;
	s1 =	sadd.s32 s9, s1  }
0x12: {  	s20 =	smax.u32 s7, $0x1;
	s25 =	simm.s32 $0x7620;
	s5 =	sshrl.u32 s5, $0x3  }
0x13: {  	s19 =	sadd.s32 $0x2700, s1;
	s1 =	simm.s32 $0x0;
	s5 =	sadd.s32 s5, s3  }
0x14: {  	s3 =	sshrl.u32 s24, $0x3;
	s24 =	simm.s32 $0x4E20;
	s18 =	sadd.s32 $0x3A00, s5  }
0x15: {  	s5 =	sadd.s32 $0xD640, s5;
	s17 =	sadd.s32 s9, s3;
	[dreg:$0x7] =	wrdreg s18  }
0x16: {  	[dreg:$0x8] =	wrdreg s5;
	s5 =	sshrl.u32 s23, $0x3;
	s18 =	sadd.s32 $0x27000, s26  }
0x17: {  	v0 =	vimm.f32 $1.000000000e+00;
	s23 =	simm.s32 $0x50;
	s26 =	simm.s32 $0x1;
	s16 =	sadd.s32 s12, s5  }
.LBB2_1:
0x18: {  	s3 =	simm.s32 $0x0;
	s5 =	rddreg [dreg:$0x7]  }
0x19: {  	[tilespmem:s3], [sflag:$0x4] =	stream.linear.gather [hbm4b:s5+s3], $0x2710, $0x38;
	[tilespmem:$0x1ECA8] =	vst v63  }
0x1a: {  	_ =	swait.ge [sflag:s21], $0x2710  }
0x1b: {  	s6 =	simm.s32 $0x2710;
	[sflag:s21] =	ssyncset.done $0x0  }
0x1c: {  	s8 =	stileid.u32;
	s7 =	rddreg [dreg:$0x8];
	[sflag:s21] =	ssyncadd.s32 $0xFFFFD8F0  }
0x1d: {  	[tilespmem:s6], [sflag:$0x4] =	stream.linear.gather [hbm4b:s7+s3], $0x2710, $0x38;
	[tilespmem:$0x1ECA8] =	vst v63  }
0x1e: {  	s3 =	sshll.u32 s8, $0x6;
	_ =	swait.ge [sflag:s21], $0x2710  }
0x1f: {  	s3 =	sor.u32 $0x1C04, s3;
	[sflag:s21] =	ssyncset.done $0x0;
	s9 =	rddreg [dreg:$0x9]  }
0x20: {  	s10 =	rddreg [dreg:$0x5];
	[sflag:s21] =	ssyncadd.s32 $0xFFFFD8F0;
	s22 =	sshrl.u32 s9, $0x3  }
0x21: {  	[spmem:s22], [sflag:s3] =	dma.local [hbm:s10], $0x2700  }
0x22: {  	_ =	swait.ge [sflag:s21], $0x2700  }
0x23: {  	[sflag:s21] =	ssyncset.done $0x0;
	s11 =	rddreg [dreg:$0xa]  }
0x24: {  	s12 =	rddreg [dreg:$0x6];
	[sflag:s21] =	ssyncadd.s32 $0xFFFFD900;
	s5 =	sshrl.u32 s11, $0x3  }
0x25: {  	[spmem:s5], [sflag:s3] =	dma.local [hbm:s12], $0x270  }
0x26: {  	_ =	swait.ge [sflag:s21], $0x270  }
0x27: {  	[sflag:s21] =	ssyncset.done $0x0  }
0x28: {  	s6 =	simm.s32 $0x20;
	s7 =	simm.s32 $0x0;
	[sflag:s21] =	ssyncadd.s32 $0xFFFFFD90  }
.LBB2_2:
0x29: {  	p1 =	sne.s32 s6, $0x9E0;
	[tilespmem:s7+$0x9E20] =	vst.msk $0xff, v0;
	s7 =	smov.u32 s6;
	s6 =	sadd.s32 $0x20, s6  }
.Ltmp0:
0x2a: {  	(pc) =	sbr.rel @p1 .LBB2_2-.Ltmp0, $2  }
0x2b: {  	_ =	sdelay $0x2  }
0x2c: {  	s7 =	sshra.s32 s7, $0x2  }
0x2d: {  	s6 =	rddreg [dreg:$0xb]  }
0x2e: {  	[tilespmem:s7+$0x9E20] =	vst.msk $0xff, v0;
	s8 =	simm.s32 @!p0 $0x4;
	s6 =	sshrl.u32 @!p0 s6, $0x3  }
0x2f: {  	[spmem:s6], [sflag:s3] =	dma.local @!p0 [hbm:s13], $0x100  }
0x30: {  	_ =	swait.ge @!p0 [sflag:s8], $0x100  }
0x31: {  	[sflag:s8] =	ssyncset.done @!p0 $0x0  }
0x32: {  	s7 =	sshrl.u32 @!p0 s14, $0x3;
	[sflag:s8] =	ssyncadd.s32 @!p0 $0xFFFFFF00  }
0x33: {  	[spmem:s7], [sflag:s3] =	dma.local @!p0 [hbm:s15], $0x10  }
0x34: {  	_ =	swait.ge @!p0 [sflag:s8], $0x10  }
0x35: {  	[sflag:s8] =	ssyncset.done @!p0 $0x0  }
0x36: {  	[sflag:s8] =	ssyncadd.s32 @!p0 $0xFFFFFFF0  }
0x37: {  	s9 =	simm.s32 $0x0;
	[bflag:$0x0] =	sbarrier.arrive $0xFFFF  }
0x38: {  	[tilespmem:s24], [sflag:$0x1] =	stream.indirect.gather [hbm4b:s0+s23], $0x80, s9, s23, $0xb8;
	[tilespmem:$0x1ECA8] =	vst v63  }
0x39: {  	s10 =	simm.s32 $0x50  }
0x3a: {  	[tilespmem:s25], [sflag:$0x2] =	stream.indirect.gather [hbm4b:s0+s23], $0x80, s10, s23, $0xb8;
	[tilespmem:$0x1ECA8] =	vst v63  }
0x3b: {  	_ =	swait.ge [sflag:s26], $0x2800  }
0x3c: {  	[sflag:s26] =	ssyncset.done $0x0  }
0x3d: {  	s11 =	simm.s32 $0x2710;
	[sflag:s26] =	ssyncadd.s32 $0xFFFFD800  }
0x3e: {  	[spmem:s2] =	stream.indirect.scatter.add.f32 [tilespmem:s24], [sflag:$0x4], $0x80, s11, s23, $0xb8;
	[tilespmem:$0x1ECA8] =	vst v63  }
0x3f: {  	_ =	swait.ge [sflag:s21], $0x2800  }
0x40: {  	[sflag:s21] =	ssyncset.done $0x0  }
0x41: {  	[sflag:s21] =	ssyncadd.s32 $0xFFFFD800  }
0x42: {  	[spmem:s4] =	stream.indirect.scatter.add.f32 [tilespmem:s28], [sflag:$0x3], $0x8, s11, s23, $0xb8;
	[tilespmem:$0x1ECA8] =	vst v63  }
0x43: {  	s12 =	simm.s32 $0xA0  }
0x44: {  	[tilespmem:s24], [sflag:$0x1] =	stream.indirect.gather [hbm4b:s0+s23], $0x80, s12, s23, $0xb8;
	[tilespmem:$0x1ECA8] =	vst v63  }
0x45: {  	_ =	swait.ge [sflag:s29], $0x2800  }
0x46: {  	[sflag:s29] =	ssyncset.done $0x0  }
0x47: {  	s9 =	simm.s32 $0x2760;
	[sflag:s29] =	ssyncadd.s32 $0xFFFFD800  }
0x48: {  	[spmem:s2] =	stream.indirect.scatter.add.f32 [tilespmem:s25], [sflag:$0x4], $0x80, s9, s23, $0xb8;
	[tilespmem:$0x1ECA8] =	vst v63  }
0x49: {  	_ =	swait.ge [sflag:s21], $0x2800  }
0x4a: {  	[sflag:s21] =	ssyncset.done $0x0  }
0x4b: {  	s8 =	simm.s32 $0xA0;
	s10 =	simm.s32 $0x500;
	[sflag:s21] =	ssyncadd.s32 $0xFFFFD800  }
.LBB2_4:
0x4c: {  	[spmem:s4] =	stream.indirect.scatter.add.f32 [tilespmem:s28], [sflag:$0x3], $0x8, s9, s23, $0xb8;
	[tilespmem:$0x1ECA8] =	vst v63  }
0x4d: {  	s9 =	smov.u32 s10  }
0x4e: {  	s12 =	sadd.s32 $0x280, s10;
	s11 =	sshra.s32 s9, $0x2;
	s9 =	sadd.s32 $0x50, s8  }
0x4f: {  	[tilespmem:s25], [sflag:$0x2] =	stream.indirect.gather [hbm4b:s0+s23], $0x80, s9, s23, $0xb8;
	[tilespmem:$0x1ECA8] =	vst v63  }
0x50: {  	p1 =	sne.s32 s10, $0x9880;
	_ =	swait.ge [sflag:s26], $0x2800  }
0x51: {  	[sflag:s26] =	ssyncset.done $0x0  }
0x52: {  	s9 =	sadd.s32 $0x2710, s8;
	[sflag:s26] =	ssyncadd.s32 $0xFFFFD800  }
0x53: {  	[spmem:s2] =	stream.indirect.scatter.add.f32 [tilespmem:s24], [sflag:$0x4], $0x80, s9, s23, $0xb8;
	[tilespmem:$0x1ECA8] =	vst v63  }
0x54: {  	_ =	swait.ge [sflag:s21], $0x2800  }
0x55: {  	[sflag:s21] =	ssyncset.done $0x0  }
0x56: {  	[sflag:s21] =	ssyncadd.s32 $0xFFFFD800  }
0x57: {  	[spmem:s4] =	stream.indirect.scatter.add.f32 [tilespmem:s28], [sflag:$0x3], $0x8, s9, s23, $0xb8;
	[tilespmem:$0x1ECA8] =	vst v63  }
0x58: {  	s9 =	sadd.s32 $0xA0, s8  }
0x59: {  	[tilespmem:s24], [sflag:$0x1] =	stream.indirect.gather [hbm4b:s0+s23], $0x80, s9, s23, $0xb8;
	[tilespmem:$0x1ECA8] =	vst v63  }
0x5a: {  	_ =	swait.ge [sflag:s29], $0x2800  }
0x5b: {  	[sflag:s29] =	ssyncset.done $0x0  }
.Ltmp1:
0x5c: {  	s9 =	sadd.s32 $0x2760, s8;
	[sflag:s29] =	ssyncadd.s32 $0xFFFFD800;
	(pc) =	sbr.rel @p1 .LBB2_4-.Ltmp1, $4  }
0x5d: {  	[spmem:s2] =	stream.indirect.scatter.add.f32 [tilespmem:s25], [sflag:$0x4], $0x80, s9, s23, $0xb8;
	[tilespmem:$0x1ECA8] =	vst v63  }
0x5e: {  	s8 =	smov.u32 s11;
	_ =	swait.ge [sflag:s21], $0x2800  }
0x5f: {  	[sflag:s21] =	ssyncset.done $0x0  }
0x60: {  	s10 =	smov.u32 s12;
	[sflag:s21] =	ssyncadd.s32 $0xFFFFD800  }
0x61: {  	[spmem:s4] =	stream.indirect.scatter.add.f32 [tilespmem:s28], [sflag:$0x3], $0x8, s9, s23, $0xb8;
	[tilespmem:$0x1ECA8] =	vst v63  }
0x62: {  	s12 =	sadd.s32 $0x50, s8  }
0x63: {  	[tilespmem:s25], [sflag:$0x2] =	stream.indirect.gather [hbm4b:s0+s23], $0x80, s12, s23, $0xb8;
	[tilespmem:$0x1ECA8] =	vst v63  }
0x64: {  	_ =	swait.ge [sflag:s26], $0x2800  }
0x65: {  	[sflag:s26] =	ssyncset.done $0x0  }
0x66: {  	s10 =	sadd.s32 $0x2710, s8;
	[sflag:s26] =	ssyncadd.s32 $0xFFFFD800  }
0x67: {  	[spmem:s2] =	stream.indirect.scatter.add.f32 [tilespmem:s24], [sflag:$0x4], $0x80, s10, s23, $0xb8;
	[tilespmem:$0x1ECA8] =	vst v63  }
0x68: {  	_ =	swait.ge [sflag:s21], $0x2800  }
0x69: {  	[sflag:s21] =	ssyncset.done $0x0  }
0x6a: {  	[sflag:s21] =	ssyncadd.s32 $0xFFFFD800  }
0x6b: {  	[spmem:s4] =	stream.indirect.scatter.add.f32 [tilespmem:s28], [sflag:$0x3], $0x8, s10, s23, $0xb8;
	[tilespmem:$0x1ECA8] =	vst v63  }
0x6c: {  	s11 =	sadd.s32 $0xA0, s8  }
0x6d: {  	[tilespmem:s24], [sflag:$0x1] =	stream.indirect.gather [hbm4b:s0+s23], $0x80, s11, s23, $0xb8;
	[tilespmem:$0x1ECA8] =	vst v63  }
0x6e: {  	_ =	swait.ge [sflag:s29], $0x2800  }
0x6f: {  	[sflag:s29] =	ssyncset.done $0x0  }
0x70: {  	s12 =	sadd.s32 $0x2760, s8;
	[sflag:s29] =	ssyncadd.s32 $0xFFFFD800  }
0x71: {  	[spmem:s2] =	stream.indirect.scatter.add.f32 [tilespmem:s25], [sflag:$0x4], $0x80, s12, s23, $0xb8;
	[tilespmem:$0x1ECA8] =	vst v63  }
0x72: {  	_ =	swait.ge [sflag:s21], $0x2800  }
0x73: {  	[sflag:s21] =	ssyncset.done $0x0  }
0x74: {  	[sflag:s21] =	ssyncadd.s32 $0xFFFFD800  }
0x75: {  	[spmem:s4] =	stream.indirect.scatter.add.f32 [tilespmem:s28], [sflag:$0x3], $0x8, s12, s23, $0xb8;
	[tilespmem:$0x1ECA8] =	vst v63  }
0x76: {  	_ =	swait.ge [sflag:s26], $0x2800  }
0x77: {  	[sflag:s26] =	ssyncset.done $0x0  }
0x78: {  	[sflag:s26] =	ssyncadd.s32 $0xFFFFD800  }
0x79: {  	[spmem:s2] =	stream.indirect.scatter.add.f32 [tilespmem:s24], [sflag:$0x4], $0x80, s30, s23, $0xb8;
	[tilespmem:$0x1ECA8] =	vst v63  }
0x7a: {  	_ =	swait.ge [sflag:s21], $0x2800  }
0x7b: {  	[sflag:s21] =	ssyncset.done $0x0  }
0x7c: {  	[sflag:s21] =	ssyncadd.s32 $0xFFFFD800  }
0x7d: {  	[spmem:s4] =	stream.indirect.scatter.add.f32 [tilespmem:s28], [sflag:$0x3], $0x8, s30, s23, $0xb8;
	[tilespmem:$0x1ECA8] =	vst v63  }
0x7e: {  	_ =	swait.ge [sflag:s31], $0x280  }
0x7f: {  	s8 =	simm.s32 $0x7C;
	[sflag:s31] =	ssyncset.done $0x0  }
.LBB2_6:
0x80: {  	p1 =	sne.s32 s8, $0x1;
	s8 =	sadd.s32 $0xFFFFFFFF, s8;
	[sflag:s31] =	ssyncadd.s32 $0xFFFFFD80  }
.Ltmp2:
0x81: {  	(pc) =	sbr.rel @p1 .LBB2_6-.Ltmp2, $3  }
0x82: {  	_ =	sdelay $0x1  }
0x83: {  	_ =	swait.ge [sflag:s31], $0x280  }
0x84: {  	[sflag:s31] =	ssyncset.done $0x0  }
0x85: {  	[sflag:s31] =	ssyncadd.s32 $0xFFFFFD80  }
0x86: {  	[bflag:$0x0] =	sbarrier.arrive $0xFFFF  }
0x87: {  	[hbm:s16], [sflag:s3] =	dma.local [spmem:s22], $0x2700  }
0x88: {  	_ =	swait.ge [sflag:s21], $0x2700  }
0x89: {  	[sflag:s21] =	ssyncset.done $0x0  }
0x8a: {  	[sflag:s21] =	ssyncadd.s32 $0xFFFFD900  }
0x8b: {  	[hbm:s17], [sflag:s3] =	dma.local [spmem:s5], $0x270  }
0x8c: {  	_ =	swait.ge [sflag:s21], $0x270  }
0x8d: {  	[sflag:s21] =	ssyncset.done $0x0  }
0x8e: {  	s5 =	simm.s32 @!p0 $0x4;
	[sflag:s21] =	ssyncadd.s32 $0xFFFFFD90  }
0x8f: {  	[hbm:s18], [sflag:s3] =	dma.local @!p0 [spmem:s6], $0x100  }
0x90: {  	s1 =	sadd.s32 $0x1, s1;
	_ =	swait.ge @!p0 [sflag:s5], $0x100  }
0x91: {  	p1 =	sne.s32 s1, s20;
	[sflag:s5] =	ssyncset.done @!p0 $0x0  }
.Ltmp3:
0x92: {  	[sflag:s5] =	ssyncadd.s32 @!p0 $0xFFFFFF00;
	(pc) =	sbr.rel @p1 .LBB2_1-.Ltmp3, $4  }
0x93: {  	[hbm:s19], [sflag:s3] =	dma.local @!p0 [spmem:s7], $0x10  }
0x94: {  	_ =	swait.ge @!p0 [sflag:s5], $0x10  }
0x95: {  	[sflag:s5] =	ssyncset.done @!p0 $0x0  }
0x96: {  	[sflag:s5] =	ssyncadd.s32 @!p0 $0xFFFFFFF0  }
0x97: {  	_ =	sfence.sel $0x180000  }
0x98: {  	[bflag:$0x0] =	sbarrier.arrive $0xFFFF  }
0x99: {  	_ =	strace $0x90000047  }
0x9a: {  	[bflag:$0x2] =	sbarrier.arrive $0xFFFF  }
0x9b: {  	s0 =	rddreg [dreg:$0x4]  }
0x9c: {  	s0 =	sadd.s32 @!p0 $0x100000, s0  }
0x9d: {  	[sflag:s0] =	ssyncadd.tile.s32 @!p0 $0x1;
	_ =	shalt  }
.Lfunc_end2:
_tile_overlayer_lowered:
.L_overlay_start_2:
0x9e: {  	(tag) =	ssettag $0x2  }
0x9f: {  	s0 =	rddreg [dreg:$0x0];
	s2 =	stileid.u32  }
0xa0: {  	s1 =	rddreg [dreg:$0x1];
	p0 =	sne.s32 s2, $0x0  }
0xa1: {  	s3 =	rddreg [dreg:$0x2];
	[bflag:$0x3] =	sbarrier.arrive $0xFFFF;
	s2 =	simm.s32 @!p0 $0x1C04  }
0xa2: {  	[timem:s3], [sflag:s2] =	dma.local @!p0 [hbm:s0], s1  }
0xa3: {  	s0 =	simm.s32 @!p0 $0x4  }
0xa4: {  	_ =	swait.ge @!p0 [sflag:s0], s1  }
0xa5: {  	s1 =	ssub.s32 @!p0 $0x0, s1;
	[sflag:s0] =	ssyncset.done @!p0 $0x0  }
0xa6: {  	[sflag:s0] =	ssyncadd.s32 @!p0 s1  }
0xa7: {  	[bflag:$0x3] =	sbarrier.arrive $0xFFFF  }
0xa8: {  	_ =	shalt  }

// kernel: sc_seg_sum_32.3.cloned.1.call-start
scs
__scs_entry_jumppad:
0x0: {  	(pc) =	sbr.rel $0x88, $3  }
0x1: {  	(tag) =	ssettag $0x0;
	lr =	simm.s32 $0x1  }
0x2: {  	[smem:$0x3F90] =	sst lr;
	_ =	strace $0xD0000000  }
0x3: {  	_ = 	snop  }
0x4: {  	_ = 	snop  }
0x5: {  	_ = 	snop  }
0x6: {  	_ = 	snop  }
0x7: {  	_ = 	snop  }
__scs_overlays_trampoline_lowered:
0x8: {  	[smem:$0x3F9F] =	sst s0  }
0x9: {  	[smem:$0x3FA0] =	sst s1  }
0xa: {  	[smem:$0x3FA1] =	sst s2  }
0xb: {  	[smem:$0x3FA2] =	sst s3  }
0xc: {  	[smem:$0x3FA3] =	sst s4  }
0xd: {  	[smem:$0x3FA4] =	sst s5  }
0xe: {  	[smem:$0x3FA5] =	sst s6  }
0xf: {  	[smem:$0x3FA6] =	sst s7  }
0x10: {  	[smem:$0x3FA7] =	sst s8  }
0x11: {  	[smem:$0x3FA8] =	sst s9;
	s0 =	simm.s32 @!p0 $0x0  }
0x12: {  	s1 =	sld [smem:$0x3F8E];
	s0 =	simm.s32 @p0 $0x1  }
0x13: {  	[smem:$0x3FA9] =	sst s0;
	s0 =	simm.s32 @!p1 $0x0  }
0x14: {  	s2 =	sld [smem:$0x3F8D];
	s0 =	simm.s32 @p1 $0x1  }
0x15: {  	[smem:$0x3FAA] =	sst s0;
	s0 =	simm.s32 @!p2 $0x0  }
0x16: {  	s3 =	sld [smem:$0x3FDB];
	s0 =	simm.s32 @p2 $0x1  }
0x17: {  	s4 =	simm.s32 $0x1BF5;
	[smem:$0x3FAC] =	sst s0  }
0x18: {  	s0 =	sld [smem:$0x3F8F];
	_ =	swait.ge [sflag:s4], $0x0  }
0x19: {  	s7 =	sld [smem:$0x3F90]  }
0x1a: {  	s8 =	sadd.s32 $0xFFFFE003, lr  }
0x1b: {  	s9 =	sadd.s32 $0xFFFFFEF7, lr;
	s5 =	simm.s32 $0xFFFFFFFF;
	p2 =	slt.u32 s8, $0xFFFFF086  }
0x1c: {  	p1 =	slt.u32 s9, $0xF7A;
	s5 =	simm.s32 @!p2 $0x0  }
0x1d: {  	s5 =	simm.s32 @p1 $0x1;
	p0 =	seq.s32 s7, s2  }
0x1e: {  	s7 =	smul.u32 @!p0 $0xF7A, s2;
	p2 =	seq.s32 @!p0 s5, $0x0  }
0x1f: {  	s9 =	smul.u32 $0xF7A, s1;
	s8 =	simm.s32 @!p0 $0x1BF5;
	p2 =	por !p2, p0  }
0x20: {  	[sflag:s8] =	ssyncset.s32 @!p0 $0xFFFFF086;
	s6 =	sadd.s32 @!p0 s3, s7;
	s7 =	simm.s32 @!p0 $0x108  }
0x21: {  	s3 =	sadd.s32 s3, s9;
	s6 =	sadd.s32 @!p0 $0x88, s6;
	s7 =	simm.s32 @p2 $0x1082  }
0x22: {  	[simem:s7], [sflag:s8] =	dma.local @!p0 [hbm:s6], $0xF7A  }
0x23: {  	s9 =	sor.u32 $0xD0000000, s2;
	s6 =	simm.s32 $0x108;
	_ =	swait.ge @!p0 [sflag:s8], $0x0  }
0x24: {  	s3 =	sadd.s32 $0x88, s3;
	s6 =	simm.s32 @!p1 $0x1082;
	[sflag:s4] =	ssyncset.s32 $0xFFFFF086  }
0x25: {  	[simem:s6], [sflag:s4] =	dma.local [hbm:s3], $0xF7A  }
0x26: {  	[smem:$0x3F90] =	sst s1;
	(tag) =	ssettag s2;
	_ =	strace s9  }
0x27: {  	s1 =	sld [smem:$0x3FA0]  }
0x28: {  	s2 =	sld [smem:$0x3FA1]  }
0x29: {  	s4 =	sld [smem:$0x3FA3]  }
0x2a: {  	p0 =	seq.s32 s5, $0x0;
	s5 =	sld [smem:$0x3FA4]  }
0x2b: {  	s6 =	sld [smem:$0x3FA5]  }
0x2c: {  	s7 =	sld [smem:$0x3FA6]  }
0x2d: {  	s3 =	simm.s32 $0x108;
	s8 =	sld [smem:$0x3FA7]  }
0x2e: {  	s3 =	simm.s32 @!p0 $0x1082;
	s9 =	sld [smem:$0x3FA8]  }
0x2f: {  	lr =	sadd.s32 s0, s3;
	s0 =	sld [smem:$0x3F9F]  }
0x30: {  	s3 =	sld [smem:$0x3FA2]  }
0x31: {  	[smem:$0x3FAB] =	sst s10  }
0x32: {  	s10 =	sld [smem:$0x3FA9];
	_ =	sdelay $0x3  }
0x33: {  	p0 =	seq.s32 s10, $0x1;
	s10 =	sld [smem:$0x3FAB];
	_ =	sdelay $0x3  }
0x34: {  	[smem:$0x3FAB] =	sst s10  }
0x35: {  	s10 =	sld [smem:$0x3FAA];
	_ =	sdelay $0x3  }
0x36: {  	p1 =	seq.s32 s10, $0x1;
	s10 =	sld [smem:$0x3FAB];
	_ =	sdelay $0x3  }
0x37: {  	[smem:$0x3FAB] =	sst s10  }
0x38: {  	s10 =	sld [smem:$0x3FAC]  }
0x39: {  	_ = 	snop;
	(pc) =	sbr.ind lr, $3  }
0x3a: {  	_ = 	snop  }
0x3b: {  	_ = 	snop  }
0x3c: {  	p2 =	seq.s32 s10, $0x1;
	s10 =	sld [smem:$0x3FAB]  }
0x3d: {  	_ =	shalt  }
0x3e: {  	_ =	shalt  }
0x3f: {  	_ =	shalt  }
0x40: {  	_ =	shalt  }
0x41: {  	_ =	shalt  }
0x42: {  	_ =	shalt  }
0x43: {  	_ =	shalt  }
0x44: {  	_ =	shalt  }
0x45: {  	_ =	shalt  }
0x46: {  	_ =	shalt  }
0x47: {  	_ =	shalt  }
0x48: {  	_ =	shalt  }
0x49: {  	_ =	shalt  }
0x4a: {  	_ =	shalt  }
0x4b: {  	_ =	shalt  }
0x4c: {  	_ =	shalt  }
0x4d: {  	_ =	shalt  }
0x4e: {  	_ =	shalt  }
0x4f: {  	_ =	shalt  }
0x50: {  	_ =	shalt  }
0x51: {  	_ =	shalt  }
0x52: {  	_ =	shalt  }
0x53: {  	_ =	shalt  }
0x54: {  	_ =	shalt  }
0x55: {  	_ =	shalt  }
0x56: {  	_ =	shalt  }
0x57: {  	_ =	shalt  }
0x58: {  	_ =	shalt  }
0x59: {  	_ =	shalt  }
0x5a: {  	_ =	shalt  }
0x5b: {  	_ =	shalt  }
0x5c: {  	_ =	shalt  }
0x5d: {  	_ =	shalt  }
0x5e: {  	_ =	shalt  }
0x5f: {  	_ =	shalt  }
0x60: {  	_ =	shalt  }
0x61: {  	_ =	shalt  }
0x62: {  	_ =	shalt  }
0x63: {  	_ =	shalt  }
0x64: {  	_ =	shalt  }
0x65: {  	_ =	shalt  }
0x66: {  	_ =	shalt  }
0x67: {  	_ =	shalt  }
0x68: {  	_ =	shalt  }
0x69: {  	_ =	shalt  }
0x6a: {  	_ =	shalt  }
0x6b: {  	_ =	shalt  }
0x6c: {  	_ =	shalt  }
0x6d: {  	_ =	shalt  }
0x6e: {  	_ =	shalt  }
0x6f: {  	_ =	shalt  }
0x70: {  	_ =	shalt  }
0x71: {  	_ =	shalt  }
0x72: {  	_ =	shalt  }
0x73: {  	_ =	shalt  }
0x74: {  	_ =	shalt  }
0x75: {  	_ =	shalt  }
0x76: {  	_ =	shalt  }
0x77: {  	_ =	shalt  }
0x78: {  	_ =	shalt  }
0x79: {  	_ =	shalt  }
0x7a: {  	_ =	shalt  }
0x7b: {  	_ =	shalt  }
0x7c: {  	_ =	shalt  }
0x7d: {  	_ =	shalt  }
0x7e: {  	_ =	shalt  }
0x7f: {  	_ =	shalt  }
0x80: {  	_ =	shalt  }
0x81: {  	_ =	shalt  }
0x82: {  	_ =	shalt  }
0x83: {  	_ =	shalt  }
0x84: {  	_ =	shalt  }
0x85: {  	_ =	shalt  }
0x86: {  	_ =	shalt  }
0x87: {  	_ =	shalt  }
.Lfunc_end0:
.L_simem_size_0:
called_computation.2_lowered:
.L_overlay_start_0:
0x88: {  	s2 =	sld [smem:$0x3FD9]  }
0x89: {  	s3 =	sld [smem:$0x3FFE];
	_ =	sdelay $0x1  }
0x8a: {  	s1 =	srdreg.scid  }
0x8b: {  	s0 =	sand.u32 $0x1, s1  }
0x8c: {  	s17 =	sshll.u32 s0, $0xA;
	s2 =	sadd.s32 s3, s2  }
0x8d: {  	s2 =	sadd.s32 s2, s17  }
0x8e: {  	[smem:$0x3FB7] =	sst s2  }
0x8f: {  	_ = 	snop  }
0x90: {  	s2 =	sld [smem:$0x3FD0];
	(tm) =	ssettm $0x1  }
0x91: {  	s18 =	sld [smem:$0x3FFB];
	_ =	sdelay $0x3  }
0x92: {  	_ =	strace s18  }
0x93: {  	s3 =	sld [smem:$0x3FFC];
	_ =	sdelay $0x3  }
0x94: {  	_ =	strace s3  }
0x95: {  	s3 =	sld [smem:$0x3FFD];
	_ =	sdelay $0x3  }
0x96: {  	_ =	strace s3  }
0x97: {  	_ =	strace $0x8FFFFFFF  }
0x98: {  	s19 =	sld [smem:$0x3FDB];
	_ =	sdelay $0x1  }
0x99: {  	s4 =	simm.s32 $_scs_section_size  }
0x9a: {  	s5 =	simm.s32 $_size__tile_overlayer_lowered;
	s6 =	simm.s32 $_tile_overlayer_lowered  }
0x9b: {  	s22 =	simm.s32 $0x1BFF;
	s21 =	sshll.u32 s6, $0x1;
	s3 =	sadd.s32 s4, s19  }
0x9c: {  	s7 =	simm.s32 $0x0;
	s20 =	sshll.u32 s5, $0x1;
	s5 =	sadd.s32 s21, s3  }
0x9d: {  	[timem:s7], [sflag:s22] =	dma.local [hbm:s5], s20  }
0x9e: {  	_ =	swait.ge [sflag:s22], s20  }
0x9f: {  	s4 =	ssub.s32 $0x0, s20;
	[sflag:s22] =	ssyncset.done $0x0  }
0xa0: {  	[sflag:s22] =	ssyncadd.s32 s4;
	_ =	sdelay $0x1  }
0xa1: {  	s23 =	simm.s32 $0x1B8B  }
0xa2: {  	_ =	swait.ge [sflag:s23], $0x1  }
0xa3: {  	[sflag:s23] =	ssyncset.done $0x0  }
0xa4: {  	s25 =	simm.s32 $0x1B8E;
	s24 =	sld [smem:$0x3FFE];
	[sflag:s23] =	ssyncadd.s32 $0xFFFFFFFF  }
0xa5: {  	s26 =	simm.s32 $execute0_lowered;
	[smem:$0x3FD2] =	sst s25  }
0xa6: {  	s5 =	sshll.u32 s26, $0x1;
	_ =	strace $0x8000004C;
	[dreg:$0x1] =	wrdreg $0xFFFFFFFF  }
0xa7: {  	s28 =	simm.s32 $_size_execute0_lowered;
	s3 =	sadd.s32 s3, s5;
	[dreg:$0x0] =	wrdreg $0x0  }
0xa8: {  	s5 =	sshll.u32 s28, $0x1;
	[dreg:$0x2] =	wrdreg s3  }
0xa9: {  	[dreg:$0x3] =	wrdreg s5  }
0xaa: {  	[dreg:$0x4] =	wrdreg $0xC0  }
0xab: {  	_ =	task [dreg:s7], $0x5FFFF  }
0xac: {  	[dreg:$0x1] =	wrdreg $0xFFFFFFFF  }
0xad: {  	[dreg:$0x0] =	wrdreg $0x60  }
0xae: {  	[dreg:$0x2] =	wrdreg s24  }
0xaf: {  	[dreg:$0x3] =	wrdreg s2  }
0xb0: {  	[dreg:$0x4] =	wrdreg $0x8E800  }
0xb1: {  	[dreg:$0x5] =	wrdreg $0x9  }
0xb2: {  	_ =	task.clear_ibuf [dreg:s7], $0x6FFFF;
	_ =	strace $0x9000004C  }
0xb3: {  	s29 =	simm.s32 $0x9;
	_ =	strace $0x8000004E  }
0xb4: {  	_ =	swait.ge [sflag:s29], $0x1  }
0xb5: {  	[sflag:s29] =	ssyncadd.s32 $0xFFFFFFFF  }
0xb6: {  	_ =	strace $0x9000004E  }
0xb7: {  	_ =	sfence  }
0xb8: {  	s30 =	sld [smem:$0x0];
	_ =	sdelay $0x2  }
0xb9: {  	s31 =	sshll.u32 s1, $0xD;
	s1 =	sshrl.u32 s1, $0x2  }
0xba: {  	s3 =	sand.u32 $0x4000, s31;
	s1 =	sadd.s32 s1, s30  }
0xbb: {  	s0 =	sor.u32 s3, s0;
	s1 =	sshll.u32 s1, $0x11  }
0xbc: {  	s0 =	sor.u32 s1, s0  }
0xbd: {  	s0 =	sadd.s32 $0x8F2B, s0  }
0xbe: {  	[sflag:s0] =	ssyncadd.remote.s32 $0x1  }
0xbf: {  	_ =	sfence.sel $0xFFFF  }
0xc0: {  	[dreg:$0x0] =	wrdreg $0xFFFFFFFF;
	(pc) =	sbr.abs _section_cstart, $3  }
0xc1: {  	[dreg:$0x1] =	wrdreg $0xFFFFFFFF  }
0xc2: {  	_ =	task.clear_ibuf [dreg:s7], $0x2FFFF;
	_ =	strace $0x9FFFFFFF  }
0xc3: {  	(tm) =	ssettm $0x7FFFFFFF  }
tec
execute0_lowered:
.L_overlay_start_1:
0x0: {  	(tag) =	ssettag $0x1  }
0x1: {  	s0 =	rddreg [dreg:$0x0]  }
0x2: {  	s1 =	srdreg.scid;
	s8 =	rddreg [dreg:$0x1]  }
0x3: {  	s12 =	stileid.u32;
	s2 =	simm.s32 $0x0;
	s16 =	simm.s32 $0x7D  }
0x4: {  	s17 =	simm.s32 $0x5000;
	s19 =	simm.s32 $0x5FA0;
	s21 =	simm.s32 $0x6F40  }
0x5: {  	s22 =	simm.s32 $0x7EE0;
	s23 =	simm.s32 $0x1;
	s24 =	simm.s32 $0x2  }
0x6: {  	s25 =	simm.s32 $0x3;
	s5 =	sand.u32 $0x1, s1;
	s1 =	rddreg [dreg:$0x2]  }
0x7: {  	s26 =	simm.s32 $0x4;
	s31 =	simm.s32 $0x4F00;
	[smem:$0x7FF] =	sst s2  }
0x8: {  	s10 =	smul.u32 $0x4E00, s12;
	p0 =	sne.s32 s12, $0x0;
	s30 =	sshll.u32 s12, $0x6  }
0x9: {  	s3 =	sshll.u32 s5, $0x4;
	_ =	strace $0x8000004D;
	s6 =	ssub.s32 $0x2, s5  }
0xa: {  	s28 =	smul.u32 $0x4E200, s5;
	s15 =	sadd.s32 $0x4E000, s1;
	s13 =	sor.u32 $0x1C05, s30  }
0xb: {  	s3 =	sor.u32 s12, s3;
	s9 =	sshrl.u32 s6, $0x1;
	s14 =	sadd.s32 s10, s1  }
0xc: {  	s15 =	sshrl.u32 @!p0 s15, $0x3;
	s12 =	simm.s32 $0x0;
	s4 =	smul.u32 $0x2800, s3  }
0xd: {  	s3 =	sadd.s32 $0x3A00, s0;
	s11 =	ssub.s32 s6, s9;
	s10 =	sadd.s32 s10, s28  }
0xe: {  	s9 =	sshrl.u32 s28, $0x3;
	s14 =	sshrl.u32 s14, $0x3;
	s29 =	sshrl.u32 s10, $0x3  }
0xf: {  	s9 =	sadd.s32 s8, s9;
	s10 =	smax.u32 s11, $0x1;
	s4 =	sshrl.u32 s4, $0x3  }
0x10: {  	s11 =	simm.s32 $0x5;
	s8 =	sadd.s32 s8, s29;
	s7 =	sadd.s32 s4, s0  }
0x11: {  	s9 =	sadd.s32 $0x9C00, s9;
	s4 =	sadd.s32 $0xD800, s0;
	s5 =	sadd.s32 $0x6D200, s7  }
0x12: {  	s6 =	sadd.s32 $0x77200, s7;
	s7 =	sadd.s32 $0xE1C0, s0;
	s0 =	simm.s32 $0x4F80  }
.LBB2_1:
0x13: {  	[tilespmem:s2], [sflag:$0x5] =	stream.linear.gather [hbm4b:s5+s2], $0x2800, $0x38;
	[tilespmem:$0xDCA0] =	vst v63  }
0x14: {  	_ =	swait.ge [sflag:s11], $0x2800  }
0x15: {  	[sflag:s11] =	ssyncset.done $0x0  }
0x16: {  	s18 =	simm.s32 $0x2800;
	[sflag:s11] =	ssyncadd.s32 $0xFFFFD800  }
0x17: {  	[tilespmem:s18], [sflag:$0x5] =	stream.linear.gather [hbm4b:s6+s2], $0x2800, $0x38;
	[tilespmem:$0xDCA0] =	vst v63  }
0x18: {  	_ =	swait.ge [sflag:s11], $0x2800  }
0x19: {  	[sflag:s11] =	ssyncset.done $0x0  }
0x1a: {  	[sflag:s11] =	ssyncadd.s32 $0xFFFFD800  }
0x1b: {  	[spmem:s14], [sflag:s13] =	dma.local [hbm:s4], $0x9C0  }
0x1c: {  	_ =	swait.ge [sflag:s11], $0x9C0  }
0x1d: {  	[sflag:s11] =	ssyncset.done $0x0  }
0x1e: {  	s18 =	simm.s32 @!p0 $0x5;
	[sflag:s11] =	ssyncadd.s32 $0xFFFFF640  }
0x1f: {  	[spmem:s15], [sflag:s13] =	dma.local @!p0 [hbm:s7], $0x40  }
0x20: {  	_ =	swait.ge @!p0 [sflag:s18], $0x40  }
0x21: {  	[sflag:s18] =	ssyncset.done @!p0 $0x0  }
0x22: {  	[sflag:s18] =	ssyncadd.s32 @!p0 $0xFFFFFFC0  }
0x23: {  	[bflag:$0x0] =	sbarrier.arrive $0xFFFF  }
0x24: {  	[tilespmem:s17], [sflag:$0x1] =	stream.indirect.gather [hbm4b:s3+s16], $0x20, s2, s16, $0xb8;
	[tilespmem:$0xDCA0] =	vst v63  }
0x25: {  	s29 =	simm.s32 $0x80  }
0x26: {  	[tilespmem:s19], [sflag:$0x2] =	stream.indirect.gather [hbm4b:s3+s16], $0x20, s29, s16, $0xb8;
	[tilespmem:$0xDCA0] =	vst v63  }
0x27: {  	s30 =	simm.s32 $0x100  }
0x28: {  	[tilespmem:s21], [sflag:$0x3] =	stream.indirect.gather [hbm4b:s3+s16], $0x20, s30, s16, $0xb8;
	[tilespmem:$0xDCA0] =	vst v63  }
0x29: {  	s20 =	simm.s32 $0x180  }
0x2a: {  	[tilespmem:s22], [sflag:$0x4] =	stream.indirect.gather [hbm4b:s3+s16], $0x20, s20, s16, $0xb8;
	[tilespmem:$0xDCA0] =	vst v63  }
0x2b: {  	_ =	swait.ge [sflag:s23], $0xFA0  }
0x2c: {  	[sflag:s23] =	ssyncset.done $0x0  }
0x2d: {  	s28 =	simm.s32 $0x2800;
	[sflag:s23] =	ssyncadd.s32 $0xFFFFF060  }
0x2e: {  	[spmem:s1] =	stream.indirect.scatter.add.f32 [tilespmem:s17], [sflag:$0x5], $0x20, s28, s16, $0xb8;
	[tilespmem:$0xDCA0] =	vst v63  }
0x2f: {  	_ =	swait.ge [sflag:s11], $0xFA0  }
0x30: {  	[sflag:s11] =	ssyncset.done $0x0  }
0x31: {  	s29 =	simm.s32 $0x200;
	[sflag:s11] =	ssyncadd.s32 $0xFFFFF060  }
0x32: {  	[tilespmem:s17], [sflag:$0x1] =	stream.indirect.gather [hbm4b:s3+s16], $0x20, s29, s16, $0xb8;
	[tilespmem:$0xDCA0] =	vst v63  }
0x33: {  	_ =	swait.ge [sflag:s24], $0xFA0  }
0x34: {  	[sflag:s24] =	ssyncset.done $0x0  }
0x35: {  	s30 =	simm.s32 $0x2880;
	[sflag:s24] =	ssyncadd.s32 $0xFFFFF060  }
0x36: {  	[spmem:s1] =	stream.indirect.scatter.add.f32 [tilespmem:s19], [sflag:$0x5], $0x20, s30, s16, $0xb8;
	[tilespmem:$0xDCA0] =	vst v63  }
0x37: {  	_ =	swait.ge [sflag:s11], $0xFA0  }
0x38: {  	[sflag:s11] =	ssyncset.done $0x0  }
0x39: {  	s20 =	simm.s32 $0x280;
	[sflag:s11] =	ssyncadd.s32 $0xFFFFF060  }
0x3a: {  	[tilespmem:s19], [sflag:$0x2] =	stream.indirect.gather [hbm4b:s3+s16], $0x20, s20, s16, $0xb8;
	[tilespmem:$0xDCA0] =	vst v63  }
0x3b: {  	_ =	swait.ge [sflag:s25], $0xFA0  }
0x3c: {  	[sflag:s25] =	ssyncset.done $0x0  }
0x3d: {  	s28 =	simm.s32 $0x2900;
	[sflag:s25] =	ssyncadd.s32 $0xFFFFF060  }
0x3e: {  	[spmem:s1] =	stream.indirect.scatter.add.f32 [tilespmem:s21], [sflag:$0x5], $0x20, s28, s16, $0xb8;
	[tilespmem:$0xDCA0] =	vst v63  }
0x3f: {  	_ =	swait.ge [sflag:s11], $0xFA0  }
0x40: {  	[sflag:s11] =	ssyncset.done $0x0  }
0x41: {  	s29 =	simm.s32 $0x300;
	[sflag:s11] =	ssyncadd.s32 $0xFFFFF060  }
0x42: {  	[tilespmem:s21], [sflag:$0x3] =	stream.indirect.gather [hbm4b:s3+s16], $0x20, s29, s16, $0xb8;
	[tilespmem:$0xDCA0] =	vst v63  }
0x43: {  	_ =	swait.ge [sflag:s26], $0xFA0  }
0x44: {  	[sflag:s26] =	ssyncset.done $0x0  }
0x45: {  	s30 =	simm.s32 $0x2980;
	[sflag:s26] =	ssyncadd.s32 $0xFFFFF060  }
0x46: {  	[spmem:s1] =	stream.indirect.scatter.add.f32 [tilespmem:s22], [sflag:$0x5], $0x20, s30, s16, $0xb8;
	[tilespmem:$0xDCA0] =	vst v63  }
0x47: {  	_ =	swait.ge [sflag:s11], $0xFA0  }
0x48: {  	s18 =	simm.s32 $0x200;
	s20 =	simm.s32 $0x1000;
	[sflag:s11] =	ssyncset.done $0x0  }
.LBB2_2:
0x49: {  	s30 =	sadd.s32 $0x180, s18  }
0x4a: {  	[sflag:s11] =	ssyncadd.s32 $0xFFFFF060;
	s28 =	smov.u32 s20;
	s29 =	sadd.s32 $0x800, s20  }
0x4b: {  	[tilespmem:s22], [sflag:$0x4] =	stream.indirect.gather [hbm4b:s3+s16], $0x20, s30, s16, $0xb8;
	[tilespmem:$0xDCA0] =	vst v63  }
0x4c: {  	p1 =	sne.s32 s20, $0x9000;
	_ =	swait.ge [sflag:s23], $0xFA0  }
0x4d: {  	[sflag:s23] =	ssyncset.done $0x0  }
0x4e: {  	s20 =	sadd.s32 $0x2800, s18;
	[sflag:s23] =	ssyncadd.s32 $0xFFFFF060  }
0x4f: {  	[spmem:s1] =	stream.indirect.scatter.add.f32 [tilespmem:s17], [sflag:$0x5], $0x20, s20, s16, $0xb8;
	[tilespmem:$0xDCA0] =	vst v63  }
0x50: {  	_ =	swait.ge [sflag:s11], $0xFA0  }
0x51: {  	[sflag:s11] =	ssyncset.done $0x0  }
0x52: {  	s20 =	sadd.s32 $0x200, s18;
	[sflag:s11] =	ssyncadd.s32 $0xFFFFF060  }
0x53: {  	[tilespmem:s17], [sflag:$0x1] =	stream.indirect.gather [hbm4b:s3+s16], $0x20, s20, s16, $0xb8;
	[tilespmem:$0xDCA0] =	vst v63  }
0x54: {  	_ =	swait.ge [sflag:s24], $0xFA0  }
0x55: {  	[sflag:s24] =	ssyncset.done $0x0  }
0x56: {  	s20 =	sadd.s32 $0x2880, s18;
	[sflag:s24] =	ssyncadd.s32 $0xFFFFF060  }
0x57: {  	[spmem:s1] =	stream.indirect.scatter.add.f32 [tilespmem:s19], [sflag:$0x5], $0x20, s20, s16, $0xb8;
	[tilespmem:$0xDCA0] =	vst v63  }
0x58: {  	_ =	swait.ge [sflag:s11], $0xFA0  }
0x59: {  	[sflag:s11] =	ssyncset.done $0x0  }
0x5a: {  	s20 =	sadd.s32 $0x280, s18;
	[sflag:s11] =	ssyncadd.s32 $0xFFFFF060  }
0x5b: {  	[tilespmem:s19], [sflag:$0x2] =	stream.indirect.gather [hbm4b:s3+s16], $0x20, s20, s16, $0xb8;
	[tilespmem:$0xDCA0] =	vst v63  }
0x5c: {  	_ =	swait.ge [sflag:s25], $0xFA0  }
0x5d: {  	[sflag:s25] =	ssyncset.done $0x0  }
0x5e: {  	s20 =	sadd.s32 $0x2900, s18;
	[sflag:s25] =	ssyncadd.s32 $0xFFFFF060  }
0x5f: {  	[spmem:s1] =	stream.indirect.scatter.add.f32 [tilespmem:s21], [sflag:$0x5], $0x20, s20, s16, $0xb8;
	[tilespmem:$0xDCA0] =	vst v63  }
0x60: {  	_ =	swait.ge [sflag:s11], $0xFA0  }
0x61: {  	[sflag:s11] =	ssyncset.done $0x0  }
0x62: {  	s20 =	sadd.s32 $0x300, s18;
	[sflag:s11] =	ssyncadd.s32 $0xFFFFF060  }
0x63: {  	[tilespmem:s21], [sflag:$0x3] =	stream.indirect.gather [hbm4b:s3+s16], $0x20, s20, s16, $0xb8;
	[tilespmem:$0xDCA0] =	vst v63  }
0x64: {  	_ =	swait.ge [sflag:s26], $0xFA0  }
.Ltmp0:
0x65: {  	[sflag:s26] =	ssyncset.done $0x0;
	(pc) =	sbr.rel @p1 .LBB2_2-.Ltmp0, $4  }
0x66: {  	s18 =	sadd.s32 $0x2980, s18;
	[sflag:s26] =	ssyncadd.s32 $0xFFFFF060  }
0x67: {  	[spmem:s1] =	stream.indirect.scatter.add.f32 [tilespmem:s22], [sflag:$0x5], $0x20, s18, s16, $0xb8;
	[tilespmem:$0xDCA0] =	vst v63  }
0x68: {  	_ =	swait.ge [sflag:s11], $0xFA0  }
0x69: {  	s20 =	smov.u32 s29;
	s18 =	sshra.s32 s28, $0x2;
	[sflag:s11] =	ssyncset.done $0x0  }
0x6a: {  	s20 =	sadd.s32 $0x180, s18;
	[sflag:s11] =	ssyncadd.s32 $0xFFFFF060  }
0x6b: {  	[tilespmem:s22], [sflag:$0x4] =	stream.indirect.gather [hbm4b:s3+s16], $0x20, s20, s16, $0xb8;
	[tilespmem:$0xDCA0] =	vst v63  }
0x6c: {  	_ =	swait.ge [sflag:s23], $0xFA0  }
0x6d: {  	[sflag:s23] =	ssyncset.done $0x0  }
0x6e: {  	s28 =	sadd.s32 $0x2800, s18;
	[sflag:s23] =	ssyncadd.s32 $0xFFFFF060  }
0x6f: {  	[spmem:s1] =	stream.indirect.scatter.add.f32 [tilespmem:s17], [sflag:$0x5], $0x20, s28, s16, $0xb8;
	[tilespmem:$0xDCA0] =	vst v63  }
0x70: {  	_ =	swait.ge [sflag:s11], $0xFA0  }
0x71: {  	[sflag:s11] =	ssyncset.done $0x0  }
0x72: {  	s29 =	sadd.s32 $0x200, s18;
	[sflag:s11] =	ssyncadd.s32 $0xFFFFF060  }
0x73: {  	[tilespmem:s17], [sflag:$0x1] =	stream.indirect.gather [hbm4b:s3+s16], $0x20, s29, s16, $0xb8;
	[tilespmem:$0xDCA0] =	vst v63  }
0x74: {  	_ =	swait.ge [sflag:s24], $0xFA0  }
0x75: {  	[sflag:s24] =	ssyncset.done $0x0  }
0x76: {  	s30 =	sadd.s32 $0x2880, s18;
	[sflag:s24] =	ssyncadd.s32 $0xFFFFF060  }
0x77: {  	[spmem:s1] =	stream.indirect.scatter.add.f32 [tilespmem:s19], [sflag:$0x5], $0x20, s30, s16, $0xb8;
	[tilespmem:$0xDCA0] =	vst v63  }
0x78: {  	_ =	swait.ge [sflag:s11], $0xFA0  }
0x79: {  	[sflag:s11] =	ssyncset.done $0x0  }
0x7a: {  	s28 =	sadd.s32 $0x280, s18;
	[sflag:s11] =	ssyncadd.s32 $0xFFFFF060  }
0x7b: {  	[tilespmem:s19], [sflag:$0x2] =	stream.indirect.gather [hbm4b:s3+s16], $0x20, s28, s16, $0xb8;
	[tilespmem:$0xDCA0] =	vst v63  }
0x7c: {  	_ =	swait.ge [sflag:s25], $0xFA0  }
0x7d: {  	[sflag:s25] =	ssyncset.done $0x0  }
0x7e: {  	s29 =	sadd.s32 $0x2900, s18;
	[sflag:s25] =	ssyncadd.s32 $0xFFFFF060  }
0x7f: {  	[spmem:s1] =	stream.indirect.scatter.add.f32 [tilespmem:s21], [sflag:$0x5], $0x20, s29, s16, $0xb8;
	[tilespmem:$0xDCA0] =	vst v63  }
0x80: {  	_ =	swait.ge [sflag:s11], $0xFA0  }
0x81: {  	[sflag:s11] =	ssyncset.done $0x0  }
0x82: {  	s30 =	sadd.s32 $0x300, s18;
	[sflag:s11] =	ssyncadd.s32 $0xFFFFF060  }
0x83: {  	[tilespmem:s21], [sflag:$0x3] =	stream.indirect.gather [hbm4b:s3+s16], $0x20, s30, s16, $0xb8;
	[tilespmem:$0xDCA0] =	vst v63  }
0x84: {  	_ =	swait.ge [sflag:s26], $0xFA0  }
0x85: {  	[sflag:s26] =	ssyncset.done $0x0  }
0x86: {  	s20 =	sadd.s32 $0x2980, s18;
	[sflag:s26] =	ssyncadd.s32 $0xFFFFF060  }
0x87: {  	[spmem:s1] =	stream.indirect.scatter.add.f32 [tilespmem:s22], [sflag:$0x5], $0x20, s20, s16, $0xb8;
	[tilespmem:$0xDCA0] =	vst v63  }
0x88: {  	_ =	swait.ge [sflag:s11], $0xFA0  }
0x89: {  	[sflag:s11] =	ssyncset.done $0x0  }
0x8a: {  	s28 =	simm.s32 $0x2780;
	[sflag:s11] =	ssyncadd.s32 $0xFFFFF060  }
0x8b: {  	[tilespmem:s22], [sflag:$0x4] =	stream.indirect.gather [hbm4b:s3+s16], $0x20, s28, s16, $0xb8;
	[tilespmem:$0xDCA0] =	vst v63  }
0x8c: {  	_ =	swait.ge [sflag:s23], $0xFA0  }
0x8d: {  	[sflag:s23] =	ssyncset.done $0x0  }
0x8e: {  	s29 =	simm.s32 $0x4E00;
	[sflag:s23] =	ssyncadd.s32 $0xFFFFF060  }
0x8f: {  	[spmem:s1] =	stream.indirect.scatter.add.f32 [tilespmem:s17], [sflag:$0x5], $0x20, s29, s16, $0xb8;
	[tilespmem:$0xDCA0] =	vst v63  }
0x90: {  	_ =	swait.ge [sflag:s11], $0xFA0  }
0x91: {  	[sflag:s11] =	ssyncset.done $0x0  }
0x92: {  	[sflag:s11] =	ssyncadd.s32 $0xFFFFF060  }
0x93: {  	_ =	swait.ge [sflag:s24], $0xFA0  }
0x94: {  	[sflag:s24] =	ssyncset.done $0x0  }
0x95: {  	s30 =	simm.s32 $0x4E80;
	[sflag:s24] =	ssyncadd.s32 $0xFFFFF060  }
0x96: {  	[spmem:s1] =	stream.indirect.scatter.add.f32 [tilespmem:s19], [sflag:$0x5], $0x20, s30, s16, $0xb8;
	[tilespmem:$0xDCA0] =	vst v63  }
0x97: {  	_ =	swait.ge [sflag:s11], $0xFA0  }
0x98: {  	[sflag:s11] =	ssyncset.done $0x0  }
0x99: {  	[sflag:s11] =	ssyncadd.s32 $0xFFFFF060  }
0x9a: {  	_ =	swait.ge [sflag:s25], $0xFA0  }
0x9b: {  	[sflag:s25] =	ssyncset.done $0x0  }
0x9c: {  	[sflag:s25] =	ssyncadd.s32 $0xFFFFF060  }
0x9d: {  	[spmem:s1] =	stream.indirect.scatter.add.f32 [tilespmem:s21], [sflag:$0x5], $0x20, s31, s16, $0xb8;
	[tilespmem:$0xDCA0] =	vst v63  }
0x9e: {  	_ =	swait.ge [sflag:s11], $0xFA0  }
0x9f: {  	[sflag:s11] =	ssyncset.done $0x0  }
0xa0: {  	[sflag:s11] =	ssyncadd.s32 $0xFFFFF060  }
0xa1: {  	_ =	swait.ge [sflag:s26], $0xFA0  }
0xa2: {  	[sflag:s26] =	ssyncset.done $0x0  }
0xa3: {  	[sflag:s26] =	ssyncadd.s32 $0xFFFFF060  }
0xa4: {  	[spmem:s1] =	stream.indirect.scatter.add.f32 [tilespmem:s22], [sflag:$0x5], $0x20, s0, s16, $0xb8;
	[tilespmem:$0xDCA0] =	vst v63  }
0xa5: {  	_ =	swait.ge [sflag:s11], $0xFA0  }
0xa6: {  	[sflag:s11] =	ssyncset.done $0x0  }
0xa7: {  	[sflag:s11] =	ssyncadd.s32 $0xFFFFF060  }
0xa8: {  	[bflag:$0x0] =	sbarrier.arrive $0xFFFF  }
0xa9: {  	[hbm:s8], [sflag:s13] =	dma.local [spmem:s14], $0x9C0  }
0xaa: {  	s12 =	sadd.s32 $0x1, s12;
	_ =	swait.ge [sflag:s11], $0x9C0  }
0xab: {  	p1 =	sne.s32 s12, s10;
	[sflag:s11] =	ssyncset.done $0x0  }
.Ltmp1:
0xac: {  	s18 =	simm.s32 @!p0 $0x5;
	[sflag:s11] =	ssyncadd.s32 $0xFFFFF640;
	(pc) =	sbr.rel @p1 .LBB2_1-.Ltmp1, $4  }
0xad: {  	[hbm:s9], [sflag:s13] =	dma.local @!p0 [spmem:s15], $0x40  }
0xae: {  	_ =	swait.ge @!p0 [sflag:s18], $0x40  }
0xaf: {  	[sflag:s18] =	ssyncset.done @!p0 $0x0  }
0xb0: {  	[sflag:s18] =	ssyncadd.s32 @!p0 $0xFFFFFFC0  }
0xb1: {  	_ =	sfence.sel $0x180000  }
0xb2: {  	[bflag:$0x0] =	sbarrier.arrive $0xFFFF  }
0xb3: {  	_ =	strace $0x9000004D  }
0xb4: {  	[bflag:$0x2] =	sbarrier.arrive $0xFFFF  }
0xb5: {  	s0 =	rddreg [dreg:$0x3]  }
0xb6: {  	s0 =	sadd.s32 @!p0 $0x100000, s0  }
0xb7: {  	[sflag:s0] =	ssyncadd.tile.s32 @!p0 $0x1;
	_ =	shalt  }
.Lfunc_end2:
_tile_overlayer_lowered:
.L_overlay_start_2:
0xb8: {  	(tag) =	ssettag $0x2  }
0xb9: {  	s0 =	rddreg [dreg:$0x0];
	s2 =	stileid.u32  }
0xba: {  	s1 =	rddreg [dreg:$0x1];
	p0 =	sne.s32 s2, $0x0  }
0xbb: {  	s3 =	rddreg [dreg:$0x2];
	[bflag:$0x3] =	sbarrier.arrive $0xFFFF;
	s2 =	simm.s32 @!p0 $0x1C05  }
0xbc: {  	[timem:s3], [sflag:s2] =	dma.local @!p0 [hbm:s0], s1  }
0xbd: {  	s0 =	simm.s32 @!p0 $0x5  }
0xbe: {  	_ =	swait.ge @!p0 [sflag:s0], s1  }
0xbf: {  	s1 =	ssub.s32 @!p0 $0x0, s1;
	[sflag:s0] =	ssyncset.done @!p0 $0x0  }
0xc0: {  	[sflag:s0] =	ssyncadd.s32 @!p0 s1  }
0xc1: {  	[bflag:$0x3] =	sbarrier.arrive $0xFFFF  }
0xc2: {  	_ =	shalt  }

// kernel: sc_seg_sum_64.3.cloned.1.call-start
scs
__scs_entry_jumppad:
0x0: {  	(pc) =	sbr.rel $0x88, $3  }
0x1: {  	(tag) =	ssettag $0x0;
	lr =	simm.s32 $0x1  }
0x2: {  	[smem:$0x3F90] =	sst lr;
	_ =	strace $0xD0000000  }
0x3: {  	_ = 	snop  }
0x4: {  	_ = 	snop  }
0x5: {  	_ = 	snop  }
0x6: {  	_ = 	snop  }
0x7: {  	_ = 	snop  }
__scs_overlays_trampoline_lowered:
0x8: {  	[smem:$0x3F9F] =	sst s0  }
0x9: {  	[smem:$0x3FA0] =	sst s1  }
0xa: {  	[smem:$0x3FA1] =	sst s2  }
0xb: {  	[smem:$0x3FA2] =	sst s3  }
0xc: {  	[smem:$0x3FA3] =	sst s4  }
0xd: {  	[smem:$0x3FA4] =	sst s5  }
0xe: {  	[smem:$0x3FA5] =	sst s6  }
0xf: {  	[smem:$0x3FA6] =	sst s7  }
0x10: {  	[smem:$0x3FA7] =	sst s8  }
0x11: {  	[smem:$0x3FA8] =	sst s9;
	s0 =	simm.s32 @!p0 $0x0  }
0x12: {  	s1 =	sld [smem:$0x3F8E];
	s0 =	simm.s32 @p0 $0x1  }
0x13: {  	[smem:$0x3FA9] =	sst s0;
	s0 =	simm.s32 @!p1 $0x0  }
0x14: {  	s2 =	sld [smem:$0x3F8D];
	s0 =	simm.s32 @p1 $0x1  }
0x15: {  	[smem:$0x3FAA] =	sst s0;
	s0 =	simm.s32 @!p2 $0x0  }
0x16: {  	s3 =	sld [smem:$0x3FDB];
	s0 =	simm.s32 @p2 $0x1  }
0x17: {  	s4 =	simm.s32 $0x1BF5;
	[smem:$0x3FAC] =	sst s0  }
0x18: {  	s0 =	sld [smem:$0x3F8F];
	_ =	swait.ge [sflag:s4], $0x0  }
0x19: {  	s7 =	sld [smem:$0x3F90]  }
0x1a: {  	s8 =	sadd.s32 $0xFFFFE003, lr  }
0x1b: {  	s9 =	sadd.s32 $0xFFFFFEF7, lr;
	s5 =	simm.s32 $0xFFFFFFFF;
	p2 =	slt.u32 s8, $0xFFFFF086  }
0x1c: {  	p1 =	slt.u32 s9, $0xF7A;
	s5 =	simm.s32 @!p2 $0x0  }
0x1d: {  	s5 =	simm.s32 @p1 $0x1;
	p0 =	seq.s32 s7, s2  }
0x1e: {  	s7 =	smul.u32 @!p0 $0xF7A, s2;
	p2 =	seq.s32 @!p0 s5, $0x0  }
0x1f: {  	s9 =	smul.u32 $0xF7A, s1;
	s8 =	simm.s32 @!p0 $0x1BF5;
	p2 =	por !p2, p0  }
0x20: {  	[sflag:s8] =	ssyncset.s32 @!p0 $0xFFFFF086;
	s6 =	sadd.s32 @!p0 s3, s7;
	s7 =	simm.s32 @!p0 $0x108  }
0x21: {  	s3 =	sadd.s32 s3, s9;
	s6 =	sadd.s32 @!p0 $0x88, s6;
	s7 =	simm.s32 @p2 $0x1082  }
0x22: {  	[simem:s7], [sflag:s8] =	dma.local @!p0 [hbm:s6], $0xF7A  }
0x23: {  	s9 =	sor.u32 $0xD0000000, s2;
	s6 =	simm.s32 $0x108;
	_ =	swait.ge @!p0 [sflag:s8], $0x0  }
0x24: {  	s3 =	sadd.s32 $0x88, s3;
	s6 =	simm.s32 @!p1 $0x1082;
	[sflag:s4] =	ssyncset.s32 $0xFFFFF086  }
0x25: {  	[simem:s6], [sflag:s4] =	dma.local [hbm:s3], $0xF7A  }
0x26: {  	[smem:$0x3F90] =	sst s1;
	(tag) =	ssettag s2;
	_ =	strace s9  }
0x27: {  	s1 =	sld [smem:$0x3FA0]  }
0x28: {  	s2 =	sld [smem:$0x3FA1]  }
0x29: {  	s4 =	sld [smem:$0x3FA3]  }
0x2a: {  	p0 =	seq.s32 s5, $0x0;
	s5 =	sld [smem:$0x3FA4]  }
0x2b: {  	s6 =	sld [smem:$0x3FA5]  }
0x2c: {  	s7 =	sld [smem:$0x3FA6]  }
0x2d: {  	s3 =	simm.s32 $0x108;
	s8 =	sld [smem:$0x3FA7]  }
0x2e: {  	s3 =	simm.s32 @!p0 $0x1082;
	s9 =	sld [smem:$0x3FA8]  }
0x2f: {  	lr =	sadd.s32 s0, s3;
	s0 =	sld [smem:$0x3F9F]  }
0x30: {  	s3 =	sld [smem:$0x3FA2]  }
0x31: {  	[smem:$0x3FAB] =	sst s10  }
0x32: {  	s10 =	sld [smem:$0x3FA9];
	_ =	sdelay $0x3  }
0x33: {  	p0 =	seq.s32 s10, $0x1;
	s10 =	sld [smem:$0x3FAB];
	_ =	sdelay $0x3  }
0x34: {  	[smem:$0x3FAB] =	sst s10  }
0x35: {  	s10 =	sld [smem:$0x3FAA];
	_ =	sdelay $0x3  }
0x36: {  	p1 =	seq.s32 s10, $0x1;
	s10 =	sld [smem:$0x3FAB];
	_ =	sdelay $0x3  }
0x37: {  	[smem:$0x3FAB] =	sst s10  }
0x38: {  	s10 =	sld [smem:$0x3FAC]  }
0x39: {  	_ = 	snop;
	(pc) =	sbr.ind lr, $3  }
0x3a: {  	_ = 	snop  }
0x3b: {  	_ = 	snop  }
0x3c: {  	p2 =	seq.s32 s10, $0x1;
	s10 =	sld [smem:$0x3FAB]  }
0x3d: {  	_ =	shalt  }
0x3e: {  	_ =	shalt  }
0x3f: {  	_ =	shalt  }
0x40: {  	_ =	shalt  }
0x41: {  	_ =	shalt  }
0x42: {  	_ =	shalt  }
0x43: {  	_ =	shalt  }
0x44: {  	_ =	shalt  }
0x45: {  	_ =	shalt  }
0x46: {  	_ =	shalt  }
0x47: {  	_ =	shalt  }
0x48: {  	_ =	shalt  }
0x49: {  	_ =	shalt  }
0x4a: {  	_ =	shalt  }
0x4b: {  	_ =	shalt  }
0x4c: {  	_ =	shalt  }
0x4d: {  	_ =	shalt  }
0x4e: {  	_ =	shalt  }
0x4f: {  	_ =	shalt  }
0x50: {  	_ =	shalt  }
0x51: {  	_ =	shalt  }
0x52: {  	_ =	shalt  }
0x53: {  	_ =	shalt  }
0x54: {  	_ =	shalt  }
0x55: {  	_ =	shalt  }
0x56: {  	_ =	shalt  }
0x57: {  	_ =	shalt  }
0x58: {  	_ =	shalt  }
0x59: {  	_ =	shalt  }
0x5a: {  	_ =	shalt  }
0x5b: {  	_ =	shalt  }
0x5c: {  	_ =	shalt  }
0x5d: {  	_ =	shalt  }
0x5e: {  	_ =	shalt  }
0x5f: {  	_ =	shalt  }
0x60: {  	_ =	shalt  }
0x61: {  	_ =	shalt  }
0x62: {  	_ =	shalt  }
0x63: {  	_ =	shalt  }
0x64: {  	_ =	shalt  }
0x65: {  	_ =	shalt  }
0x66: {  	_ =	shalt  }
0x67: {  	_ =	shalt  }
0x68: {  	_ =	shalt  }
0x69: {  	_ =	shalt  }
0x6a: {  	_ =	shalt  }
0x6b: {  	_ =	shalt  }
0x6c: {  	_ =	shalt  }
0x6d: {  	_ =	shalt  }
0x6e: {  	_ =	shalt  }
0x6f: {  	_ =	shalt  }
0x70: {  	_ =	shalt  }
0x71: {  	_ =	shalt  }
0x72: {  	_ =	shalt  }
0x73: {  	_ =	shalt  }
0x74: {  	_ =	shalt  }
0x75: {  	_ =	shalt  }
0x76: {  	_ =	shalt  }
0x77: {  	_ =	shalt  }
0x78: {  	_ =	shalt  }
0x79: {  	_ =	shalt  }
0x7a: {  	_ =	shalt  }
0x7b: {  	_ =	shalt  }
0x7c: {  	_ =	shalt  }
0x7d: {  	_ =	shalt  }
0x7e: {  	_ =	shalt  }
0x7f: {  	_ =	shalt  }
0x80: {  	_ =	shalt  }
0x81: {  	_ =	shalt  }
0x82: {  	_ =	shalt  }
0x83: {  	_ =	shalt  }
0x84: {  	_ =	shalt  }
0x85: {  	_ =	shalt  }
0x86: {  	_ =	shalt  }
0x87: {  	_ =	shalt  }
.Lfunc_end0:
.L_simem_size_0:
called_computation.1_lowered:
.L_overlay_start_0:
0x88: {  	s2 =	sld [smem:$0x3FD9]  }
0x89: {  	s3 =	sld [smem:$0x3FFE];
	_ =	sdelay $0x1  }
0x8a: {  	s1 =	srdreg.scid  }
0x8b: {  	s0 =	sand.u32 $0x1, s1  }
0x8c: {  	s17 =	sshll.u32 s0, $0xA;
	s2 =	sadd.s32 s3, s2  }
0x8d: {  	s2 =	sadd.s32 s2, s17  }
0x8e: {  	[smem:$0x3FB7] =	sst s2  }
0x8f: {  	_ = 	snop  }
0x90: {  	s2 =	sld [smem:$0x3FD0];
	(tm) =	ssettm $0x1  }
0x91: {  	s18 =	sld [smem:$0x3FFB];
	_ =	sdelay $0x3  }
0x92: {  	_ =	strace s18  }
0x93: {  	s3 =	sld [smem:$0x3FFC];
	_ =	sdelay $0x3  }
0x94: {  	_ =	strace s3  }
0x95: {  	s3 =	sld [smem:$0x3FFD];
	_ =	sdelay $0x3  }
0x96: {  	_ =	strace s3  }
0x97: {  	_ =	strace $0x8FFFFFFF  }
0x98: {  	s19 =	sld [smem:$0x3FDB];
	_ =	sdelay $0x1  }
0x99: {  	s4 =	simm.s32 $_scs_section_size  }
0x9a: {  	s5 =	simm.s32 $_size__tile_overlayer_lowered;
	s6 =	simm.s32 $_tile_overlayer_lowered  }
0x9b: {  	s22 =	simm.s32 $0x1BFF;
	s21 =	sshll.u32 s6, $0x1;
	s3 =	sadd.s32 s4, s19  }
0x9c: {  	s7 =	simm.s32 $0x0;
	s20 =	sshll.u32 s5, $0x1;
	s5 =	sadd.s32 s21, s3  }
0x9d: {  	[timem:s7], [sflag:s22] =	dma.local [hbm:s5], s20  }
0x9e: {  	_ =	swait.ge [sflag:s22], s20  }
0x9f: {  	s4 =	ssub.s32 $0x0, s20;
	[sflag:s22] =	ssyncset.done $0x0  }
0xa0: {  	[sflag:s22] =	ssyncadd.s32 s4;
	_ =	sdelay $0x1  }
0xa1: {  	s23 =	simm.s32 $0x1B8B  }
0xa2: {  	_ =	swait.ge [sflag:s23], $0x1  }
0xa3: {  	[sflag:s23] =	ssyncset.done $0x0  }
0xa4: {  	s25 =	simm.s32 $0x1B8E;
	s24 =	sld [smem:$0x3FFE];
	[sflag:s23] =	ssyncadd.s32 $0xFFFFFFFF  }
0xa5: {  	s26 =	simm.s32 $execute0_lowered;
	[smem:$0x3FD2] =	sst s25  }
0xa6: {  	s5 =	sshll.u32 s26, $0x1;
	_ =	strace $0x80000049;
	[dreg:$0x1] =	wrdreg $0xFFFFFFFF  }
0xa7: {  	s28 =	simm.s32 $_size_execute0_lowered;
	s3 =	sadd.s32 s3, s5;
	[dreg:$0x0] =	wrdreg $0x0  }
0xa8: {  	s5 =	sshll.u32 s28, $0x1;
	[dreg:$0x2] =	wrdreg s3  }
0xa9: {  	[dreg:$0x3] =	wrdreg s5  }
0xaa: {  	[dreg:$0x4] =	wrdreg $0xC0  }
0xab: {  	_ =	task [dreg:s7], $0x5FFFF  }
0xac: {  	[dreg:$0x1] =	wrdreg $0xFFFFFFFF  }
0xad: {  	[dreg:$0x0] =	wrdreg $0x60  }
0xae: {  	[dreg:$0x2] =	wrdreg s24  }
0xaf: {  	[dreg:$0x3] =	wrdreg s2  }
0xb0: {  	[dreg:$0x4] =	wrdreg $0xCD000  }
0xb1: {  	[dreg:$0x5] =	wrdreg $0x9  }
0xb2: {  	_ =	task.clear_ibuf [dreg:s7], $0x6FFFF;
	_ =	strace $0x90000049  }
0xb3: {  	s29 =	simm.s32 $0x9;
	_ =	strace $0x8000004B  }
0xb4: {  	_ =	swait.ge [sflag:s29], $0x1  }
0xb5: {  	[sflag:s29] =	ssyncadd.s32 $0xFFFFFFFF  }
0xb6: {  	_ =	strace $0x9000004B  }
0xb7: {  	_ =	sfence  }
0xb8: {  	s30 =	sld [smem:$0x0];
	_ =	sdelay $0x2  }
0xb9: {  	s31 =	sshll.u32 s1, $0xD;
	s1 =	sshrl.u32 s1, $0x2  }
0xba: {  	s3 =	sand.u32 $0x4000, s31;
	s1 =	sadd.s32 s1, s30  }
0xbb: {  	s0 =	sor.u32 s3, s0;
	s1 =	sshll.u32 s1, $0x11  }
0xbc: {  	s0 =	sor.u32 s1, s0  }
0xbd: {  	s0 =	sadd.s32 $0x8F2B, s0  }
0xbe: {  	[sflag:s0] =	ssyncadd.remote.s32 $0x1  }
0xbf: {  	_ =	sfence.sel $0xFFFF  }
0xc0: {  	[dreg:$0x0] =	wrdreg $0xFFFFFFFF;
	(pc) =	sbr.abs _section_cstart, $3  }
0xc1: {  	[dreg:$0x1] =	wrdreg $0xFFFFFFFF  }
0xc2: {  	_ =	task.clear_ibuf [dreg:s7], $0x2FFFF;
	_ =	strace $0x9FFFFFFF  }
0xc3: {  	(tm) =	ssettm $0x7FFFFFFF  }
tec
execute0_lowered:
.L_overlay_start_1:
0x0: {  	(tag) =	ssettag $0x1  }
0x1: {  	s0 =	rddreg [dreg:$0x0]  }
0x2: {  	s1 =	srdreg.scid;
	s8 =	rddreg [dreg:$0x1]  }
0x3: {  	s12 =	stileid.u32;
	s2 =	simm.s32 $0x0;
	s16 =	simm.s32 $0x7D  }
0x4: {  	s17 =	simm.s32 $0x5000;
	s19 =	simm.s32 $0x6F40;
	s21 =	simm.s32 $0x8E80  }
0x5: {  	s22 =	simm.s32 $0xADC0;
	s23 =	simm.s32 $0x1;
	s24 =	simm.s32 $0x2  }
0x6: {  	s25 =	simm.s32 $0x3;
	s5 =	sand.u32 $0x1, s1;
	s1 =	rddreg [dreg:$0x2]  }
0x7: {  	s26 =	simm.s32 $0x4;
	s31 =	simm.s32 $0x4F00;
	[smem:$0x7FF] =	sst s2  }
0x8: {  	s10 =	smul.u32 $0x9C00, s12;
	p0 =	sne.s32 s12, $0x0;
	s30 =	sshll.u32 s12, $0x6  }
0x9: {  	s3 =	sshll.u32 s5, $0x4;
	_ =	strace $0x8000004A;
	s6 =	ssub.s32 $0x2, s5  }
0xa: {  	s28 =	smul.u32 $0x9C400, s5;
	s15 =	sadd.s32 $0x9C000, s1;
	s13 =	sor.u32 $0x1C05, s30  }
0xb: {  	s3 =	sor.u32 s12, s3;
	s9 =	sshrl.u32 s6, $0x1;
	s14 =	sadd.s32 s10, s1  }
0xc: {  	s15 =	sshrl.u32 @!p0 s15, $0x3;
	s12 =	simm.s32 $0x0;
	s4 =	smul.u32 $0x2800, s3  }
0xd: {  	s3 =	sadd.s32 $0x3A00, s0;
	s11 =	ssub.s32 s6, s9;
	s10 =	sadd.s32 s10, s28  }
0xe: {  	s9 =	sshrl.u32 s28, $0x3;
	s14 =	sshrl.u32 s14, $0x3;
	s29 =	sshrl.u32 s10, $0x3  }
0xf: {  	s9 =	sadd.s32 s8, s9;
	s10 =	smax.u32 s11, $0x1;
	s4 =	sshrl.u32 s4, $0x3  }
0x10: {  	s11 =	simm.s32 $0x5;
	s8 =	sadd.s32 s8, s29;
	s7 =	sadd.s32 s4, s0  }
0x11: {  	s9 =	sadd.s32 $0x13800, s9;
	s4 =	sadd.s32 $0x17400, s0;
	s5 =	sadd.s32 $0x6D200, s7  }
0x12: {  	s6 =	sadd.s32 $0x77200, s7;
	s7 =	sadd.s32 $0x18780, s0;
	s0 =	simm.s32 $0x4F80  }
.LBB2_1:
0x13: {  	[tilespmem:s2], [sflag:$0x5] =	stream.linear.gather [hbm4b:s5+s2], $0x2800, $0x38;
	[tilespmem:$0x16940] =	vst v63  }
0x14: {  	_ =	swait.ge [sflag:s11], $0x2800  }
0x15: {  	[sflag:s11] =	ssyncset.done $0x0  }
0x16: {  	s18 =	simm.s32 $0x2800;
	[sflag:s11] =	ssyncadd.s32 $0xFFFFD800  }
0x17: {  	[tilespmem:s18], [sflag:$0x5] =	stream.linear.gather [hbm4b:s6+s2], $0x2800, $0x38;
	[tilespmem:$0x16940] =	vst v63  }
0x18: {  	_ =	swait.ge [sflag:s11], $0x2800  }
0x19: {  	[sflag:s11] =	ssyncset.done $0x0  }
0x1a: {  	[sflag:s11] =	ssyncadd.s32 $0xFFFFD800  }
0x1b: {  	[spmem:s14], [sflag:s13] =	dma.local [hbm:s4], $0x1380  }
0x1c: {  	_ =	swait.ge [sflag:s11], $0x1380  }
0x1d: {  	[sflag:s11] =	ssyncset.done $0x0  }
0x1e: {  	s18 =	simm.s32 @!p0 $0x5;
	[sflag:s11] =	ssyncadd.s32 $0xFFFFEC80  }
0x1f: {  	[spmem:s15], [sflag:s13] =	dma.local @!p0 [hbm:s7], $0x80  }
0x20: {  	_ =	swait.ge @!p0 [sflag:s18], $0x80  }
0x21: {  	[sflag:s18] =	ssyncset.done @!p0 $0x0  }
0x22: {  	[sflag:s18] =	ssyncadd.s32 @!p0 $0xFFFFFF80  }
0x23: {  	[bflag:$0x0] =	sbarrier.arrive $0xFFFF  }
0x24: {  	[tilespmem:s17], [sflag:$0x1] =	stream.indirect.gather [hbm4b:s3+s16], $0x40, s2, s16, $0xb8;
	[tilespmem:$0x16940] =	vst v63  }
0x25: {  	s29 =	simm.s32 $0x80  }
0x26: {  	[tilespmem:s19], [sflag:$0x2] =	stream.indirect.gather [hbm4b:s3+s16], $0x40, s29, s16, $0xb8;
	[tilespmem:$0x16940] =	vst v63  }
0x27: {  	s30 =	simm.s32 $0x100  }
0x28: {  	[tilespmem:s21], [sflag:$0x3] =	stream.indirect.gather [hbm4b:s3+s16], $0x40, s30, s16, $0xb8;
	[tilespmem:$0x16940] =	vst v63  }
0x29: {  	s20 =	simm.s32 $0x180  }
0x2a: {  	[tilespmem:s22], [sflag:$0x4] =	stream.indirect.gather [hbm4b:s3+s16], $0x40, s20, s16, $0xb8;
	[tilespmem:$0x16940] =	vst v63  }
0x2b: {  	_ =	swait.ge [sflag:s23], $0x1F40  }
0x2c: {  	[sflag:s23] =	ssyncset.done $0x0  }
0x2d: {  	s28 =	simm.s32 $0x2800;
	[sflag:s23] =	ssyncadd.s32 $0xFFFFE0C0  }
0x2e: {  	[spmem:s1] =	stream.indirect.scatter.add.f32 [tilespmem:s17], [sflag:$0x5], $0x40, s28, s16, $0xb8;
	[tilespmem:$0x16940] =	vst v63  }
0x2f: {  	_ =	swait.ge [sflag:s11], $0x1F40  }
0x30: {  	[sflag:s11] =	ssyncset.done $0x0  }
0x31: {  	s29 =	simm.s32 $0x200;
	[sflag:s11] =	ssyncadd.s32 $0xFFFFE0C0  }
0x32: {  	[tilespmem:s17], [sflag:$0x1] =	stream.indirect.gather [hbm4b:s3+s16], $0x40, s29, s16, $0xb8;
	[tilespmem:$0x16940] =	vst v63  }
0x33: {  	_ =	swait.ge [sflag:s24], $0x1F40  }
0x34: {  	[sflag:s24] =	ssyncset.done $0x0  }
0x35: {  	s30 =	simm.s32 $0x2880;
	[sflag:s24] =	ssyncadd.s32 $0xFFFFE0C0  }
0x36: {  	[spmem:s1] =	stream.indirect.scatter.add.f32 [tilespmem:s19], [sflag:$0x5], $0x40, s30, s16, $0xb8;
	[tilespmem:$0x16940] =	vst v63  }
0x37: {  	_ =	swait.ge [sflag:s11], $0x1F40  }
0x38: {  	[sflag:s11] =	ssyncset.done $0x0  }
0x39: {  	s20 =	simm.s32 $0x280;
	[sflag:s11] =	ssyncadd.s32 $0xFFFFE0C0  }
0x3a: {  	[tilespmem:s19], [sflag:$0x2] =	stream.indirect.gather [hbm4b:s3+s16], $0x40, s20, s16, $0xb8;
	[tilespmem:$0x16940] =	vst v63  }
0x3b: {  	_ =	swait.ge [sflag:s25], $0x1F40  }
0x3c: {  	[sflag:s25] =	ssyncset.done $0x0  }
0x3d: {  	s28 =	simm.s32 $0x2900;
	[sflag:s25] =	ssyncadd.s32 $0xFFFFE0C0  }
0x3e: {  	[spmem:s1] =	stream.indirect.scatter.add.f32 [tilespmem:s21], [sflag:$0x5], $0x40, s28, s16, $0xb8;
	[tilespmem:$0x16940] =	vst v63  }
0x3f: {  	_ =	swait.ge [sflag:s11], $0x1F40  }
0x40: {  	[sflag:s11] =	ssyncset.done $0x0  }
0x41: {  	s29 =	simm.s32 $0x300;
	[sflag:s11] =	ssyncadd.s32 $0xFFFFE0C0  }
0x42: {  	[tilespmem:s21], [sflag:$0x3] =	stream.indirect.gather [hbm4b:s3+s16], $0x40, s29, s16, $0xb8;
	[tilespmem:$0x16940] =	vst v63  }
0x43: {  	_ =	swait.ge [sflag:s26], $0x1F40  }
0x44: {  	[sflag:s26] =	ssyncset.done $0x0  }
0x45: {  	s30 =	simm.s32 $0x2980;
	[sflag:s26] =	ssyncadd.s32 $0xFFFFE0C0  }
0x46: {  	[spmem:s1] =	stream.indirect.scatter.add.f32 [tilespmem:s22], [sflag:$0x5], $0x40, s30, s16, $0xb8;
	[tilespmem:$0x16940] =	vst v63  }
0x47: {  	_ =	swait.ge [sflag:s11], $0x1F40  }
0x48: {  	s18 =	simm.s32 $0x200;
	s20 =	simm.s32 $0x1000;
	[sflag:s11] =	ssyncset.done $0x0  }
.LBB2_2:
0x49: {  	s30 =	sadd.s32 $0x180, s18  }
0x4a: {  	[sflag:s11] =	ssyncadd.s32 $0xFFFFE0C0;
	s28 =	smov.u32 s20;
	s29 =	sadd.s32 $0x800, s20  }
0x4b: {  	[tilespmem:s22], [sflag:$0x4] =	stream.indirect.gather [hbm4b:s3+s16], $0x40, s30, s16, $0xb8;
	[tilespmem:$0x16940] =	vst v63  }
0x4c: {  	p1 =	sne.s32 s20, $0x9000;
	_ =	swait.ge [sflag:s23], $0x1F40  }
0x4d: {  	[sflag:s23] =	ssyncset.done $0x0  }
0x4e: {  	s20 =	sadd.s32 $0x2800, s18;
	[sflag:s23] =	ssyncadd.s32 $0xFFFFE0C0  }
0x4f: {  	[spmem:s1] =	stream.indirect.scatter.add.f32 [tilespmem:s17], [sflag:$0x5], $0x40, s20, s16, $0xb8;
	[tilespmem:$0x16940] =	vst v63  }
0x50: {  	_ =	swait.ge [sflag:s11], $0x1F40  }
0x51: {  	[sflag:s11] =	ssyncset.done $0x0  }
0x52: {  	s20 =	sadd.s32 $0x200, s18;
	[sflag:s11] =	ssyncadd.s32 $0xFFFFE0C0  }
0x53: {  	[tilespmem:s17], [sflag:$0x1] =	stream.indirect.gather [hbm4b:s3+s16], $0x40, s20, s16, $0xb8;
	[tilespmem:$0x16940] =	vst v63  }
0x54: {  	_ =	swait.ge [sflag:s24], $0x1F40  }
0x55: {  	[sflag:s24] =	ssyncset.done $0x0  }
0x56: {  	s20 =	sadd.s32 $0x2880, s18;
	[sflag:s24] =	ssyncadd.s32 $0xFFFFE0C0  }
0x57: {  	[spmem:s1] =	stream.indirect.scatter.add.f32 [tilespmem:s19], [sflag:$0x5], $0x40, s20, s16, $0xb8;
	[tilespmem:$0x16940] =	vst v63  }
0x58: {  	_ =	swait.ge [sflag:s11], $0x1F40  }
0x59: {  	[sflag:s11] =	ssyncset.done $0x0  }
0x5a: {  	s20 =	sadd.s32 $0x280, s18;
	[sflag:s11] =	ssyncadd.s32 $0xFFFFE0C0  }
0x5b: {  	[tilespmem:s19], [sflag:$0x2] =	stream.indirect.gather [hbm4b:s3+s16], $0x40, s20, s16, $0xb8;
	[tilespmem:$0x16940] =	vst v63  }
0x5c: {  	_ =	swait.ge [sflag:s25], $0x1F40  }
0x5d: {  	[sflag:s25] =	ssyncset.done $0x0  }
0x5e: {  	s20 =	sadd.s32 $0x2900, s18;
	[sflag:s25] =	ssyncadd.s32 $0xFFFFE0C0  }
0x5f: {  	[spmem:s1] =	stream.indirect.scatter.add.f32 [tilespmem:s21], [sflag:$0x5], $0x40, s20, s16, $0xb8;
	[tilespmem:$0x16940] =	vst v63  }
0x60: {  	_ =	swait.ge [sflag:s11], $0x1F40  }
0x61: {  	[sflag:s11] =	ssyncset.done $0x0  }
0x62: {  	s20 =	sadd.s32 $0x300, s18;
	[sflag:s11] =	ssyncadd.s32 $0xFFFFE0C0  }
0x63: {  	[tilespmem:s21], [sflag:$0x3] =	stream.indirect.gather [hbm4b:s3+s16], $0x40, s20, s16, $0xb8;
	[tilespmem:$0x16940] =	vst v63  }
0x64: {  	_ =	swait.ge [sflag:s26], $0x1F40  }
.Ltmp0:
0x65: {  	[sflag:s26] =	ssyncset.done $0x0;
	(pc) =	sbr.rel @p1 .LBB2_2-.Ltmp0, $4  }
0x66: {  	s18 =	sadd.s32 $0x2980, s18;
	[sflag:s26] =	ssyncadd.s32 $0xFFFFE0C0  }
0x67: {  	[spmem:s1] =	stream.indirect.scatter.add.f32 [tilespmem:s22], [sflag:$0x5], $0x40, s18, s16, $0xb8;
	[tilespmem:$0x16940] =	vst v63  }
0x68: {  	_ =	swait.ge [sflag:s11], $0x1F40  }
0x69: {  	s20 =	smov.u32 s29;
	s18 =	sshra.s32 s28, $0x2;
	[sflag:s11] =	ssyncset.done $0x0  }
0x6a: {  	s20 =	sadd.s32 $0x180, s18;
	[sflag:s11] =	ssyncadd.s32 $0xFFFFE0C0  }
0x6b: {  	[tilespmem:s22], [sflag:$0x4] =	stream.indirect.gather [hbm4b:s3+s16], $0x40, s20, s16, $0xb8;
	[tilespmem:$0x16940] =	vst v63  }
0x6c: {  	_ =	swait.ge [sflag:s23], $0x1F40  }
0x6d: {  	[sflag:s23] =	ssyncset.done $0x0  }
0x6e: {  	s28 =	sadd.s32 $0x2800, s18;
	[sflag:s23] =	ssyncadd.s32 $0xFFFFE0C0  }
0x6f: {  	[spmem:s1] =	stream.indirect.scatter.add.f32 [tilespmem:s17], [sflag:$0x5], $0x40, s28, s16, $0xb8;
	[tilespmem:$0x16940] =	vst v63  }
0x70: {  	_ =	swait.ge [sflag:s11], $0x1F40  }
0x71: {  	[sflag:s11] =	ssyncset.done $0x0  }
0x72: {  	s29 =	sadd.s32 $0x200, s18;
	[sflag:s11] =	ssyncadd.s32 $0xFFFFE0C0  }
0x73: {  	[tilespmem:s17], [sflag:$0x1] =	stream.indirect.gather [hbm4b:s3+s16], $0x40, s29, s16, $0xb8;
	[tilespmem:$0x16940] =	vst v63  }
0x74: {  	_ =	swait.ge [sflag:s24], $0x1F40  }
0x75: {  	[sflag:s24] =	ssyncset.done $0x0  }
0x76: {  	s30 =	sadd.s32 $0x2880, s18;
	[sflag:s24] =	ssyncadd.s32 $0xFFFFE0C0  }
0x77: {  	[spmem:s1] =	stream.indirect.scatter.add.f32 [tilespmem:s19], [sflag:$0x5], $0x40, s30, s16, $0xb8;
	[tilespmem:$0x16940] =	vst v63  }
0x78: {  	_ =	swait.ge [sflag:s11], $0x1F40  }
0x79: {  	[sflag:s11] =	ssyncset.done $0x0  }
0x7a: {  	s28 =	sadd.s32 $0x280, s18;
	[sflag:s11] =	ssyncadd.s32 $0xFFFFE0C0  }
0x7b: {  	[tilespmem:s19], [sflag:$0x2] =	stream.indirect.gather [hbm4b:s3+s16], $0x40, s28, s16, $0xb8;
	[tilespmem:$0x16940] =	vst v63  }
0x7c: {  	_ =	swait.ge [sflag:s25], $0x1F40  }
0x7d: {  	[sflag:s25] =	ssyncset.done $0x0  }
0x7e: {  	s29 =	sadd.s32 $0x2900, s18;
	[sflag:s25] =	ssyncadd.s32 $0xFFFFE0C0  }
0x7f: {  	[spmem:s1] =	stream.indirect.scatter.add.f32 [tilespmem:s21], [sflag:$0x5], $0x40, s29, s16, $0xb8;
	[tilespmem:$0x16940] =	vst v63  }
0x80: {  	_ =	swait.ge [sflag:s11], $0x1F40  }
0x81: {  	[sflag:s11] =	ssyncset.done $0x0  }
0x82: {  	s30 =	sadd.s32 $0x300, s18;
	[sflag:s11] =	ssyncadd.s32 $0xFFFFE0C0  }
0x83: {  	[tilespmem:s21], [sflag:$0x3] =	stream.indirect.gather [hbm4b:s3+s16], $0x40, s30, s16, $0xb8;
	[tilespmem:$0x16940] =	vst v63  }
0x84: {  	_ =	swait.ge [sflag:s26], $0x1F40  }
0x85: {  	[sflag:s26] =	ssyncset.done $0x0  }
0x86: {  	s20 =	sadd.s32 $0x2980, s18;
	[sflag:s26] =	ssyncadd.s32 $0xFFFFE0C0  }
0x87: {  	[spmem:s1] =	stream.indirect.scatter.add.f32 [tilespmem:s22], [sflag:$0x5], $0x40, s20, s16, $0xb8;
	[tilespmem:$0x16940] =	vst v63  }
0x88: {  	_ =	swait.ge [sflag:s11], $0x1F40  }
0x89: {  	[sflag:s11] =	ssyncset.done $0x0  }
0x8a: {  	s28 =	simm.s32 $0x2780;
	[sflag:s11] =	ssyncadd.s32 $0xFFFFE0C0  }
0x8b: {  	[tilespmem:s22], [sflag:$0x4] =	stream.indirect.gather [hbm4b:s3+s16], $0x40, s28, s16, $0xb8;
	[tilespmem:$0x16940] =	vst v63  }
0x8c: {  	_ =	swait.ge [sflag:s23], $0x1F40  }
0x8d: {  	[sflag:s23] =	ssyncset.done $0x0  }
0x8e: {  	s29 =	simm.s32 $0x4E00;
	[sflag:s23] =	ssyncadd.s32 $0xFFFFE0C0  }
0x8f: {  	[spmem:s1] =	stream.indirect.scatter.add.f32 [tilespmem:s17], [sflag:$0x5], $0x40, s29, s16, $0xb8;
	[tilespmem:$0x16940] =	vst v63  }
0x90: {  	_ =	swait.ge [sflag:s11], $0x1F40  }
0x91: {  	[sflag:s11] =	ssyncset.done $0x0  }
0x92: {  	[sflag:s11] =	ssyncadd.s32 $0xFFFFE0C0  }
0x93: {  	_ =	swait.ge [sflag:s24], $0x1F40  }
0x94: {  	[sflag:s24] =	ssyncset.done $0x0  }
0x95: {  	s30 =	simm.s32 $0x4E80;
	[sflag:s24] =	ssyncadd.s32 $0xFFFFE0C0  }
0x96: {  	[spmem:s1] =	stream.indirect.scatter.add.f32 [tilespmem:s19], [sflag:$0x5], $0x40, s30, s16, $0xb8;
	[tilespmem:$0x16940] =	vst v63  }
0x97: {  	_ =	swait.ge [sflag:s11], $0x1F40  }
0x98: {  	[sflag:s11] =	ssyncset.done $0x0  }
0x99: {  	[sflag:s11] =	ssyncadd.s32 $0xFFFFE0C0  }
0x9a: {  	_ =	swait.ge [sflag:s25], $0x1F40  }
0x9b: {  	[sflag:s25] =	ssyncset.done $0x0  }
0x9c: {  	[sflag:s25] =	ssyncadd.s32 $0xFFFFE0C0  }
0x9d: {  	[spmem:s1] =	stream.indirect.scatter.add.f32 [tilespmem:s21], [sflag:$0x5], $0x40, s31, s16, $0xb8;
	[tilespmem:$0x16940] =	vst v63  }
0x9e: {  	_ =	swait.ge [sflag:s11], $0x1F40  }
0x9f: {  	[sflag:s11] =	ssyncset.done $0x0  }
0xa0: {  	[sflag:s11] =	ssyncadd.s32 $0xFFFFE0C0  }
0xa1: {  	_ =	swait.ge [sflag:s26], $0x1F40  }
0xa2: {  	[sflag:s26] =	ssyncset.done $0x0  }
0xa3: {  	[sflag:s26] =	ssyncadd.s32 $0xFFFFE0C0  }
0xa4: {  	[spmem:s1] =	stream.indirect.scatter.add.f32 [tilespmem:s22], [sflag:$0x5], $0x40, s0, s16, $0xb8;
	[tilespmem:$0x16940] =	vst v63  }
0xa5: {  	_ =	swait.ge [sflag:s11], $0x1F40  }
0xa6: {  	[sflag:s11] =	ssyncset.done $0x0  }
0xa7: {  	[sflag:s11] =	ssyncadd.s32 $0xFFFFE0C0  }
0xa8: {  	[bflag:$0x0] =	sbarrier.arrive $0xFFFF  }
0xa9: {  	[hbm:s8], [sflag:s13] =	dma.local [spmem:s14], $0x1380  }
0xaa: {  	s12 =	sadd.s32 $0x1, s12;
	_ =	swait.ge [sflag:s11], $0x1380  }
0xab: {  	p1 =	sne.s32 s12, s10;
	[sflag:s11] =	ssyncset.done $0x0  }
.Ltmp1:
0xac: {  	s18 =	simm.s32 @!p0 $0x5;
	[sflag:s11] =	ssyncadd.s32 $0xFFFFEC80;
	(pc) =	sbr.rel @p1 .LBB2_1-.Ltmp1, $4  }
0xad: {  	[hbm:s9], [sflag:s13] =	dma.local @!p0 [spmem:s15], $0x80  }
0xae: {  	_ =	swait.ge @!p0 [sflag:s18], $0x80  }
0xaf: {  	[sflag:s18] =	ssyncset.done @!p0 $0x0  }
0xb0: {  	[sflag:s18] =	ssyncadd.s32 @!p0 $0xFFFFFF80  }
0xb1: {  	_ =	sfence.sel $0x180000  }
0xb2: {  	[bflag:$0x0] =	sbarrier.arrive $0xFFFF  }
0xb3: {  	_ =	strace $0x9000004A  }
0xb4: {  	[bflag:$0x2] =	sbarrier.arrive $0xFFFF  }
0xb5: {  	s0 =	rddreg [dreg:$0x3]  }
0xb6: {  	s0 =	sadd.s32 @!p0 $0x100000, s0  }
0xb7: {  	[sflag:s0] =	ssyncadd.tile.s32 @!p0 $0x1;
	_ =	shalt  }
.Lfunc_end2:
_tile_overlayer_lowered:
.L_overlay_start_2:
0xb8: {  	(tag) =	ssettag $0x2  }
0xb9: {  	s0 =	rddreg [dreg:$0x0];
	s2 =	stileid.u32  }
0xba: {  	s1 =	rddreg [dreg:$0x1];
	p0 =	sne.s32 s2, $0x0  }
0xbb: {  	s3 =	rddreg [dreg:$0x2];
	[bflag:$0x3] =	sbarrier.arrive $0xFFFF;
	s2 =	simm.s32 @!p0 $0x1C05  }
0xbc: {  	[timem:s3], [sflag:s2] =	dma.local @!p0 [hbm:s0], s1  }
0xbd: {  	s0 =	simm.s32 @!p0 $0x5  }
0xbe: {  	_ =	swait.ge @!p0 [sflag:s0], s1  }
0xbf: {  	s1 =	ssub.s32 @!p0 $0x0, s1;
	[sflag:s0] =	ssyncset.done @!p0 $0x0  }
0xc0: {  	[sflag:s0] =	ssyncadd.s32 @!p0 s1  }
0xc1: {  	[bflag:$0x3] =	sbarrier.arrive $0xFFFF  }
0xc2: {  	_ =	shalt  }

</sc_bundles>
